<compile_context>
chip_gen: v7x
topology: tpu7x:2x2x1
jax: 0.10.2.dev20260603
libtpu: 0.0.44.dev20260713+nightly
codegen_flags: <defaults>
</compile_context>

<pallas_src>
import functools

import jax
import jax.numpy as jnp
from jax import lax
from jax.experimental import pallas as pl
from jax.experimental.pallas import tpu as pltpu
from jax.experimental.pallas import tpu_sc as plsc

N = 4_000_000
NUM_LEVELS = 4096
L = 16
NC = 2
NS = 16
NW = NC * NS
E = N // NW
CH = 25_000
NCHUNK = E // CH
FULL_VECS = CH // L
TAIL = CH - FULL_VECS * L
BUF = (CH + L - 1) // L * L
HBINS = NUM_LEVELS // NS
HVECS = NUM_LEVELS // L
UNROLL = 8

_mesh = plsc.VectorSubcoreMesh(core_axis_name="c", subcore_axis_name="s")
_params = pltpu.CompilerParams(needs_layout_passes=False)


@functools.partial(
    pl.kernel,
    mesh=_mesh,
    out_type=jax.ShapeDtypeStruct((NC, NUM_LEVELS), jnp.float32),
    scratch_types=[
        pltpu.VMEM((BUF,), jnp.float32),
        pltpu.VMEM((BUF,), jnp.float32),
        pltpu.VMEM((BUF,), jnp.float32),
        pltpu.VMEM((NUM_LEVELS,), jnp.float32),
        pltpu.VMEM((NS, HBINS), jnp.float32),
        pltpu.VMEM((HBINS,), jnp.float32),
        pltpu.VMEM_SHARED((NS, NUM_LEVELS), jnp.float32),
        pltpu.SemaphoreType.DMA,
        pltpu.SemaphoreType.DMA,
        pltpu.SemaphoreType.DMA,
    ],
    compiler_params=_params,
)
def _hist_kernel(vals_hbm, part_hbm, buf0, buf1, buf2, hist, tmp2d, acc,
                 shared, sem0, sem1, sem2):
    c = lax.axis_index("c")
    s = lax.axis_index("s")
    wid = s * NC + c
    base = wid * E

    bufs = (buf0, buf1, buf2)
    sems = (sem0, sem1, sem2)

    zeros16 = jnp.zeros((L,), jnp.float32)
    ones16 = jnp.ones((L,), jnp.float32)
    tailmask = lax.iota(jnp.int32, L) < TAIL

    for b in bufs:
        b[pl.ds(BUF - L, L)] = zeros16

    copies = [None] * NCHUNK
    for ch in range(min(3, NCHUNK)):
        copies[ch] = pltpu.async_copy(
            vals_hbm.at[pl.ds(base + ch * CH, CH)],
            bufs[ch].at[pl.ds(0, CH)], sems[ch])

    @plsc.parallel_loop(0, HVECS, unroll=UNROLL)
    def _(i):
        hist[pl.ds(i * L, L)] = zeros16

    for ch in range(NCHUNK):
        copies[ch].wait()
        buf = bufs[ch % 3]

        @plsc.parallel_loop(0, FULL_VECS, unroll=UNROLL)
        def _(i):
            idx = buf[pl.ds(i * L, L)].astype(jnp.int32)
            plsc.addupdate_scatter(hist, [idx], ones16)

        idx = buf[pl.ds(FULL_VECS * L, L)].astype(jnp.int32)
        plsc.addupdate_scatter(hist, [idx], ones16, mask=tailmask)

        if ch + 3 < NCHUNK:
            copies[ch + 3] = pltpu.async_copy(
                vals_hbm.at[pl.ds(base + (ch + 3) * CH, CH)],
                bufs[ch % 3].at[pl.ds(0, CH)], sems[ch % 3])

    pltpu.sync_copy(hist, shared.at[s])
    plsc.subcore_barrier()
    red_copies = [
        pltpu.async_copy(shared.at[j, pl.ds(s * HBINS, HBINS)],
                         tmp2d.at[j], sem0)
        for j in range(NS)
    ]
    for cp in red_copies:
        cp.wait()

    @plsc.parallel_loop(0, HBINS // L, unroll=4)
    def _(k):
        sl = pl.ds(k * L, L)
        v = tmp2d[0, sl]
        for j in range(1, NS):
            v = v + tmp2d[j, sl]
        acc[sl] = v

    pltpu.sync_copy(acc, part_hbm.at[c, pl.ds(s * HBINS, HBINS)])


@functools.partial(
    pl.kernel,
    mesh=_mesh,
    out_type=jax.ShapeDtypeStruct((N,), jnp.float32),
    scratch_types=[
        pltpu.VMEM((BUF,), jnp.float32),
        pltpu.VMEM((BUF,), jnp.float32),
        pltpu.VMEM((BUF,), jnp.float32),
        pltpu.VMEM((BUF,), jnp.float32),
        pltpu.VMEM((NUM_LEVELS,), jnp.float32),
        pltpu.VMEM((NC, NUM_LEVELS), jnp.float32),
        pltpu.SemaphoreType.DMA,
        pltpu.SemaphoreType.DMA,
        pltpu.SemaphoreType.DMA,
        pltpu.SemaphoreType.DMA,
    ],
    compiler_params=_params,
)
def _lookup_kernel(part_hbm, vals_hbm, out_hbm, buf0, buf1, obuf0, obuf1,
                   hist, h2d, isem0, isem1, osem0, osem1):
    c = lax.axis_index("c")
    s = lax.axis_index("s")
    wid = s * NC + c
    base = wid * E

    bufs = (buf0, buf1)
    obufs = (obuf0, obuf1)
    isems = (isem0, isem1)
    osems = (osem0, osem1)

    zeros16 = jnp.zeros((L,), jnp.float32)
    buf0[pl.ds(BUF - L, L)] = zeros16
    buf1[pl.ds(BUF - L, L)] = zeros16

    in_copies = [None] * NCHUNK
    in_copies[0] = pltpu.async_copy(vals_hbm.at[pl.ds(base, CH)],
                                    buf0.at[pl.ds(0, CH)], isem0)
    if NCHUNK > 1:
        in_copies[1] = pltpu.async_copy(vals_hbm.at[pl.ds(base + CH, CH)],
                                        buf1.at[pl.ds(0, CH)], isem1)

    pltpu.sync_copy(part_hbm, h2d)

    @plsc.parallel_loop(0, HVECS, unroll=4, carry=zeros16)
    def addmax_body(i, m):
        sl = pl.ds(i * L, L)
        hv = h2d[0, sl] + h2d[1, sl]
        hist[sl] = hv
        return jnp.maximum(m, hv)

    mx = lax.broadcast(jnp.max(addmax_body), (L,))
    recip = jnp.ones((L,), jnp.float32) / mx

    out_copies = [None] * NCHUNK
    for ch in range(NCHUNK):
        in_copies[ch].wait()
        buf = bufs[ch % 2]
        obuf = obufs[ch % 2]
        if ch >= 2:
            out_copies[ch - 2].wait()

        @plsc.parallel_loop(0, FULL_VECS + 1, unroll=UNROLL)
        def _(i):
            sl = pl.ds(i * L, L)
            idx = buf[sl].astype(jnp.int32)
            obuf[sl] = plsc.load_gather(hist, [idx]) * recip

        if ch + 2 < NCHUNK:
            in_copies[ch + 2] = pltpu.async_copy(
                vals_hbm.at[pl.ds(base + (ch + 2) * CH, CH)],
                bufs[ch % 2].at[pl.ds(0, CH)], isems[ch % 2])

        out_copies[ch] = pltpu.async_copy(
            obuf.at[pl.ds(0, CH)],
            out_hbm.at[pl.ds(base + ch * CH, CH)], osems[ch % 2])

    for ch in range(max(0, NCHUNK - 2), NCHUNK):
        out_copies[ch].wait()


def kernel(node_values):
    part = _hist_kernel(node_values)
    return _lookup_kernel(part, node_values)

# --- scband reference (transcript-rebuilt; emitter-appended) ---
"""Pipeline reference for scband-value-frequency-attention-16063177687503 (READ-ONLY COPY).

The authoritative reference and input builder live on the scoring server;
editing this copy changes nothing except your own understanding.
"""

import jax, jax.numpy as jnp
import numpy as np

N = 4000000
NUM_LEVELS = 4096


def setup_inputs(seed: int = 0) -> dict:
    key = jax.random.key(seed)
    node_values = jax.random.randint(key, (N,), 0, NUM_LEVELS).astype(jnp.float32)
    return {"node_values": node_values}


def reference(node_values):
    # node_values: float32[num_nodes]
    num_nodes = node_values.shape[0]
    # torch.unique(return_inverse=True) -> jnp.unique with static size for jit-compat
    unique_values, inverse_indices = jnp.unique(
        node_values, return_inverse=True, size=num_nodes, fill_value=0.0
    )
    inverse_indices = inverse_indices.reshape(-1)
    # torch.bincount(inverse_indices)
    value_counts = jnp.bincount(inverse_indices, length=num_nodes)
    # frequencies = value_counts[inverse_indices]
    frequencies = value_counts[inverse_indices]
    frequencies = frequencies.astype(jnp.float32)
    frequencies = frequencies / jnp.max(frequencies)
    frequencies = jnp.clip(frequencies, 0.0, 1.0)
    return frequencies

if __name__ == "__main__":
    import jax
    _d = setup_inputs()
    print(jax.jit(kernel)(*tuple(_d.values())))

</pallas_src>

<mosaic_0001>
#map = affine_map<(d0, d1) -> (0, 0)>
#map1 = affine_map<(d0, d1) -> (0)>
module attributes {stable_mosaic.version = 14 : i64} {
  func.func @_lookup_kernel(%arg0: i32, %arg1: i32, %arg2: memref<2x4096xf32, #tpu.memory_space<hbm>>, %arg3: memref<4000000xf32, #tpu.memory_space<hbm>>, %arg4: memref<4000000xf32, #tpu.memory_space<hbm>>, %arg5: memref<25008xf32, #tpu.memory_space<vmem>>, %arg6: memref<25008xf32, #tpu.memory_space<vmem>>, %arg7: memref<25008xf32, #tpu.memory_space<vmem>>, %arg8: memref<25008xf32, #tpu.memory_space<vmem>>, %arg9: memref<4096xf32, #tpu.memory_space<vmem>>, %arg10: memref<2x4096xf32, #tpu.memory_space<vmem>>, %arg11: memref<!tpu.dma_semaphore, #tpu.memory_space<semaphore_mem>>, %arg12: memref<!tpu.dma_semaphore, #tpu.memory_space<semaphore_mem>>, %arg13: memref<!tpu.dma_semaphore, #tpu.memory_space<semaphore_mem>>, %arg14: memref<!tpu.dma_semaphore, #tpu.memory_space<semaphore_mem>>) attributes {dimension_semantics = [#tpu.dimension_semantics<core_parallel>, #tpu.dimension_semantics<subcore_parallel>], iteration_bounds = array<i64: 2, 16>, scalar_prefetch = 0 : i64, scratch_operands = 10 : i64, tpu.core_type = #tpu.core_type<sc_vector_subcore>, window_params = [{transform_indices = #map}, {transform_indices = #map1}, {transform_indices = #map1}]} {
    %mul3A = arith.constant 2 : i32
    %mul3A_0 = arith.muli %arg1, %mul3A : i32
    %add3A = arith.addi %mul3A_0, %arg0 : i32
    %mul3A_1 = arith.constant 125000 : i32
    %mul3A_2 = arith.muli %add3A, %mul3A_1 : i32
    %broadcast_in_dim3A = arith.constant 0.000000e+00 : f32
    %broadcast_in_dim3A_3 = vector.broadcast %broadcast_in_dim3A : f32 to vector<16xf32>
    %swap3A = arith.constant 24992 : index
    %swap3A_4 = tpu.vector_load %arg5[%swap3A] {strides = array<i32>} : memref<25008xf32, #tpu.memory_space<vmem>>, vector<16xf32>,
    tpu.vector_store %arg5[%swap3A], %broadcast_in_dim3A_3 {strides = array<i32>} : memref<25008xf32, #tpu.memory_space<vmem>>, vector<16xf32>,
    %swap3A_5 = arith.constant 24992 : index
    %swap3A_6 = tpu.vector_load %arg6[%swap3A_5] {strides = array<i32>} : memref<25008xf32, #tpu.memory_space<vmem>>, vector<16xf32>,
    tpu.vector_store %arg6[%swap3A_5], %broadcast_in_dim3A_3 {strides = array<i32>} : memref<25008xf32, #tpu.memory_space<vmem>>, vector<16xf32>,
    %dma_start3A = arith.constant 0 : i32
    %dma_start3A_7 = tpu.memref_slice %arg5[%dma_start3A] : memref<25008xf32, #tpu.memory_space<vmem>> -> memref<25000xf32, #tpu.memory_space<vmem>>
    %dma_start3A_8 = tpu.memref_slice %arg3[%mul3A_2] : memref<4000000xf32, #tpu.memory_space<hbm>> -> memref<25000xf32, #tpu.memory_space<hbm>>
    %dma_start3A_9 = arith.constant 0 : i32
    %dma_start3A_10 = tpu.memref_slice %arg5[%dma_start3A_9] : memref<25008xf32, #tpu.memory_space<vmem>> -> memref<25000xf32, #tpu.memory_space<vmem>>
    %dma_start3A_11 = tpu.memref_slice %arg3[%mul3A_2] : memref<4000000xf32, #tpu.memory_space<hbm>> -> memref<25000xf32, #tpu.memory_space<hbm>>
    tpu.enqueue_dma source(%dma_start3A_11 : memref<25000xf32, #tpu.memory_space<hbm>>) target(%dma_start3A_10 : memref<25000xf32, #tpu.memory_space<vmem>>) target_semaphore(%arg11 : memref<!tpu.dma_semaphore, #tpu.memory_space<semaphore_mem>>)
    %add3A_12 = arith.constant 25000 : i32
    %add3A_13 = arith.addi %mul3A_2, %add3A_12 : i32
    %dma_start3A_14 = arith.constant 0 : i32
    %dma_start3A_15 = tpu.memref_slice %arg6[%dma_start3A_14] : memref<25008xf32, #tpu.memory_space<vmem>> -> memref<25000xf32, #tpu.memory_space<vmem>>
    %dma_start3A_16 = tpu.memref_slice %arg3[%add3A_13] : memref<4000000xf32, #tpu.memory_space<hbm>> -> memref<25000xf32, #tpu.memory_space<hbm>>
    %dma_start3A_17 = arith.constant 0 : i32
    %dma_start3A_18 = tpu.memref_slice %arg6[%dma_start3A_17] : memref<25008xf32, #tpu.memory_space<vmem>> -> memref<25000xf32, #tpu.memory_space<vmem>>
    %dma_start3A_19 = tpu.memref_slice %arg3[%add3A_13] : memref<4000000xf32, #tpu.memory_space<hbm>> -> memref<25000xf32, #tpu.memory_space<hbm>>
    tpu.enqueue_dma source(%dma_start3A_19 : memref<25000xf32, #tpu.memory_space<hbm>>) target(%dma_start3A_18 : memref<25000xf32, #tpu.memory_space<vmem>>) target_semaphore(%arg12 : memref<!tpu.dma_semaphore, #tpu.memory_space<semaphore_mem>>)
    "tpu.region"() ({
      %run_scoped3A = tpu.sem_alloc : memref<!tpu.dma_semaphore, #tpu.memory_space<semaphore_mem>>
      tpu.enqueue_dma source(%arg2 : memref<2x4096xf32, #tpu.memory_space<hbm>>) target(%arg10 : memref<2x4096xf32, #tpu.memory_space<vmem>>) target_semaphore(%run_scoped3A : memref<!tpu.dma_semaphore, #tpu.memory_space<semaphore_mem>>)
      tpu.wait_dma2 semaphore(%run_scoped3A : memref<!tpu.dma_semaphore, #tpu.memory_space<semaphore_mem>>) src(%arg2 : memref<2x4096xf32, #tpu.memory_space<hbm>>) dst(%arg10 : memref<2x4096xf32, #tpu.memory_space<vmem>>)
      tpu.yield
    }) : () -> ()
    %parallel_loop3A = arith.constant 0 : i32
    %parallel_loop3A_20 = arith.constant 256 : i32
    %parallel_loop3A_21 = arith.constant 1 : i32
    %parallel_loop3A_22 = scf.for %parallel_loop3A_167 = %parallel_loop3A to %parallel_loop3A_20 step %parallel_loop3A_21 iter_args(%parallel_loop3A_168 = %broadcast_in_dim3A_3) -> (vector<16xf32>)  : i32 {
      %parallel_loop3A_169 = arith.constant 16 : i32
      %parallel_loop3A_170 = arith.muli %parallel_loop3A_167, %parallel_loop3A_169 : i32
      %parallel_loop3A_171 = arith.constant 0 : i32
      %parallel_loop3A_172 = arith.index_cast %parallel_loop3A_171 : i32 to index
      %parallel_loop3A_173 = arith.index_cast %parallel_loop3A_170 : i32 to index
      %parallel_loop3A_174 = tpu.vector_load %arg10[%parallel_loop3A_172, %parallel_loop3A_173] {strides = array<i32>} : memref<2x4096xf32, #tpu.memory_space<vmem>>, vector<16xf32>,
      %parallel_loop3A_175 = arith.constant 1 : i32
      %parallel_loop3A_176 = arith.index_cast %parallel_loop3A_175 : i32 to index
      %parallel_loop3A_177 = arith.index_cast %parallel_loop3A_170 : i32 to index
      %parallel_loop3A_178 = tpu.vector_load %arg10[%parallel_loop3A_176, %parallel_loop3A_177] {strides = array<i32>} : memref<2x4096xf32, #tpu.memory_space<vmem>>, vector<16xf32>,
      %parallel_loop3A_179 = arith.addf %parallel_loop3A_174, %parallel_loop3A_178 : vector<16xf32>
      %parallel_loop3A_180 = arith.index_cast %parallel_loop3A_170 : i32 to index
      %parallel_loop3A_181 = tpu.vector_load %arg9[%parallel_loop3A_180] {strides = array<i32>} : memref<4096xf32, #tpu.memory_space<vmem>>, vector<16xf32>,
      tpu.vector_store %arg9[%parallel_loop3A_180], %parallel_loop3A_179 {strides = array<i32>} : memref<4096xf32, #tpu.memory_space<vmem>>, vector<16xf32>,
      %parallel_loop3A_182 = arith.maximumf %parallel_loop3A_168, %parallel_loop3A_179 : vector<16xf32>
      scf.yield %parallel_loop3A_182 : vector<16xf32>
    } {sc.loop_unroll_factor = 4 : i64, sc.parallel_access}
    %reduce_max3A = arith.constant true
    %reduce_max3A_23 = vector.broadcast %reduce_max3A : i1 to vector<16xi1>
    %reduce_max3A_24 = tpu.scan <max>, %parallel_loop3A_22 masked %reduce_max3A_23 : vector<16xf32>, vector<16xi1> -> vector<16xf32>
    %reduce_max3A_25 = vector.extract %reduce_max3A_24[15] : f32 from vector<16xf32>
    %broadcast_in_dim3A_26 = vector.broadcast %reduce_max3A_25 : f32 to vector<16xf32>
    %broadcast_in_dim3A_27 = arith.constant 1.000000e+00 : f32
    %broadcast_in_dim3A_28 = vector.broadcast %broadcast_in_dim3A_27 : f32 to vector<16xf32>
    %div3A = arith.divf %broadcast_in_dim3A_28, %broadcast_in_dim3A_26 : vector<16xf32>
    %dma_wait3A = arith.constant 0 : i32
    %dma_wait3A_29 = tpu.memref_slice %arg5[%dma_wait3A] : memref<25008xf32, #tpu.memory_space<vmem>> -> memref<25000xf32, #tpu.memory_space<vmem>>
    %dma_wait3A_30 = tpu.memref_slice %arg3[%mul3A_2] : memref<4000000xf32, #tpu.memory_space<hbm>> -> memref<25000xf32, #tpu.memory_space<hbm>>
    %dma_wait3A_31 = arith.constant 0 : i32
    %dma_wait3A_32 = tpu.memref_slice %arg5[%dma_wait3A_31] : memref<25008xf32, #tpu.memory_space<vmem>> -> memref<25000xf32, #tpu.memory_space<vmem>>
    %dma_wait3A_33 = tpu.memref_slice %arg3[%mul3A_2] : memref<4000000xf32, #tpu.memory_space<hbm>> -> memref<25000xf32, #tpu.memory_space<hbm>>
    tpu.wait_dma2 semaphore(%arg11 : memref<!tpu.dma_semaphore, #tpu.memory_space<semaphore_mem>>) src(%dma_wait3A_33 : memref<25000xf32, #tpu.memory_space<hbm>>) dst(%dma_wait3A_32 : memref<25000xf32, #tpu.memory_space<vmem>>)
    %parallel_loop3A_34 = arith.constant 0 : i32
    %parallel_loop3A_35 = arith.constant 1563 : i32
    %parallel_loop3A_36 = arith.constant 1 : i32
    scf.for %parallel_loop3A_167 = %parallel_loop3A_34 to %parallel_loop3A_35 step %parallel_loop3A_36  : i32 {
      %parallel_loop3A_168 = arith.constant 16 : i32
      %parallel_loop3A_169 = arith.muli %parallel_loop3A_167, %parallel_loop3A_168 : i32
      %parallel_loop3A_170 = arith.index_cast %parallel_loop3A_169 : i32 to index
      %parallel_loop3A_171 = tpu.vector_load %arg5[%parallel_loop3A_170] {strides = array<i32>} : memref<25008xf32, #tpu.memory_space<vmem>>, vector<16xf32>,
      %parallel_loop3A_172 = arith.fptosi %parallel_loop3A_171 : vector<16xf32> to vector<16xi32>
      %parallel_loop3A_173 = tpu.vector_load_idx %arg9[%parallel_loop3A_172] : memref<4096xf32, #tpu.memory_space<vmem>>[vector<16xi32>], vector<16xf32>,
      %parallel_loop3A_174 = arith.mulf %parallel_loop3A_173, %div3A : vector<16xf32>
      %parallel_loop3A_175 = arith.index_cast %parallel_loop3A_169 : i32 to index
      %parallel_loop3A_176 = tpu.vector_load %arg7[%parallel_loop3A_175] {strides = array<i32>} : memref<25008xf32, #tpu.memory_space<vmem>>, vector<16xf32>,
      tpu.vector_store %arg7[%parallel_loop3A_175], %parallel_loop3A_174 {strides = array<i32>} : memref<25008xf32, #tpu.memory_space<vmem>>, vector<16xf32>,
    } {sc.loop_unroll_factor = 8 : i64, sc.parallel_access}
    %add3A_37 = arith.constant 50000 : i32
    %add3A_38 = arith.addi %mul3A_2, %add3A_37 : i32
    %dma_start3A_39 = arith.constant 0 : i32
    %dma_start3A_40 = tpu.memref_slice %arg5[%dma_start3A_39] : memref<25008xf32, #tpu.memory_space<vmem>> -> memref<25000xf32, #tpu.memory_space<vmem>>
    %dma_start3A_41 = tpu.memref_slice %arg3[%add3A_38] : memref<4000000xf32, #tpu.memory_space<hbm>> -> memref<25000xf32, #tpu.memory_space<hbm>>
    %dma_start3A_42 = arith.constant 0 : i32
    %dma_start3A_43 = tpu.memref_slice %arg5[%dma_start3A_42] : memref<25008xf32, #tpu.memory_space<vmem>> -> memref<25000xf32, #tpu.memory_space<vmem>>
    %dma_start3A_44 = tpu.memref_slice %arg3[%add3A_38] : memref<4000000xf32, #tpu.memory_space<hbm>> -> memref<25000xf32, #tpu.memory_space<hbm>>
    tpu.enqueue_dma source(%dma_start3A_44 : memref<25000xf32, #tpu.memory_space<hbm>>) target(%dma_start3A_43 : memref<25000xf32, #tpu.memory_space<vmem>>) target_semaphore(%arg11 : memref<!tpu.dma_semaphore, #tpu.memory_space<semaphore_mem>>)
    %add3A_45 = arith.constant 0 : i32
    %add3A_46 = arith.addi %mul3A_2, %add3A_45 : i32
    %dma_start3A_47 = arith.constant 0 : i32
    %dma_start3A_48 = tpu.memref_slice %arg7[%dma_start3A_47] : memref<25008xf32, #tpu.memory_space<vmem>> -> memref<25000xf32, #tpu.memory_space<vmem>>
    %dma_start3A_49 = tpu.memref_slice %arg4[%add3A_46] : memref<4000000xf32, #tpu.memory_space<hbm>> -> memref<25000xf32, #tpu.memory_space<hbm>>
    %dma_start3A_50 = tpu.memref_slice %arg4[%add3A_46] : memref<4000000xf32, #tpu.memory_space<hbm>> -> memref<25000xf32, #tpu.memory_space<hbm>>
    %dma_start3A_51 = arith.constant 0 : i32
    %dma_start3A_52 = tpu.memref_slice %arg7[%dma_start3A_51] : memref<25008xf32, #tpu.memory_space<vmem>> -> memref<25000xf32, #tpu.memory_space<vmem>>
    tpu.enqueue_dma source(%dma_start3A_52 : memref<25000xf32, #tpu.memory_space<vmem>>) target(%dma_start3A_50 : memref<25000xf32, #tpu.memory_space<hbm>>) target_semaphore(%arg13 : memref<!tpu.dma_semaphore, #tpu.memory_space<semaphore_mem>>)
    %dma_wait3A_53 = arith.constant 0 : i32
    %dma_wait3A_54 = tpu.memref_slice %arg6[%dma_wait3A_53] : memref<25008xf32, #tpu.memory_space<vmem>> -> memref<25000xf32, #tpu.memory_space<vmem>>
    %dma_wait3A_55 = tpu.memref_slice %arg3[%add3A_13] : memref<4000000xf32, #tpu.memory_space<hbm>> -> memref<25000xf32, #tpu.memory_space<hbm>>
    %dma_wait3A_56 = arith.constant 0 : i32
    %dma_wait3A_57 = tpu.memref_slice %arg6[%dma_wait3A_56] : memref<25008xf32, #tpu.memory_space<vmem>> -> memref<25000xf32, #tpu.memory_space<vmem>>
    %dma_wait3A_58 = tpu.memref_slice %arg3[%add3A_13] : memref<4000000xf32, #tpu.memory_space<hbm>> -> memref<25000xf32, #tpu.memory_space<hbm>>
    tpu.wait_dma2 semaphore(%arg12 : memref<!tpu.dma_semaphore, #tpu.memory_space<semaphore_mem>>) src(%dma_wait3A_58 : memref<25000xf32, #tpu.memory_space<hbm>>) dst(%dma_wait3A_57 : memref<25000xf32, #tpu.memory_space<vmem>>)
    %parallel_loop3A_59 = arith.constant 0 : i32
    %parallel_loop3A_60 = arith.constant 1563 : i32
    %parallel_loop3A_61 = arith.constant 1 : i32
    scf.for %parallel_loop3A_167 = %parallel_loop3A_59 to %parallel_loop3A_60 step %parallel_loop3A_61  : i32 {
      %parallel_loop3A_168 = arith.constant 16 : i32
      %parallel_loop3A_169 = arith.muli %parallel_loop3A_167, %parallel_loop3A_168 : i32
      %parallel_loop3A_170 = arith.index_cast %parallel_loop3A_169 : i32 to index
      %parallel_loop3A_171 = tpu.vector_load %arg6[%parallel_loop3A_170] {strides = array<i32>} : memref<25008xf32, #tpu.memory_space<vmem>>, vector<16xf32>,
      %parallel_loop3A_172 = arith.fptosi %parallel_loop3A_171 : vector<16xf32> to vector<16xi32>
      %parallel_loop3A_173 = tpu.vector_load_idx %arg9[%parallel_loop3A_172] : memref<4096xf32, #tpu.memory_space<vmem>>[vector<16xi32>], vector<16xf32>,
      %parallel_loop3A_174 = arith.mulf %parallel_loop3A_173, %div3A : vector<16xf32>
      %parallel_loop3A_175 = arith.index_cast %parallel_loop3A_169 : i32 to index
      %parallel_loop3A_176 = tpu.vector_load %arg8[%parallel_loop3A_175] {strides = array<i32>} : memref<25008xf32, #tpu.memory_space<vmem>>, vector<16xf32>,
      tpu.vector_store %arg8[%parallel_loop3A_175], %parallel_loop3A_174 {strides = array<i32>} : memref<25008xf32, #tpu.memory_space<vmem>>, vector<16xf32>,
    } {sc.loop_unroll_factor = 8 : i64, sc.parallel_access}
    %add3A_62 = arith.constant 75000 : i32
    %add3A_63 = arith.addi %mul3A_2, %add3A_62 : i32
    %dma_start3A_64 = arith.constant 0 : i32
    %dma_start3A_65 = tpu.memref_slice %arg6[%dma_start3A_64] : memref<25008xf32, #tpu.memory_space<vmem>> -> memref<25000xf32, #tpu.memory_space<vmem>>
    %dma_start3A_66 = tpu.memref_slice %arg3[%add3A_63] : memref<4000000xf32, #tpu.memory_space<hbm>> -> memref<25000xf32, #tpu.memory_space<hbm>>
    %dma_start3A_67 = arith.constant 0 : i32
    %dma_start3A_68 = tpu.memref_slice %arg6[%dma_start3A_67] : memref<25008xf32, #tpu.memory_space<vmem>> -> memref<25000xf32, #tpu.memory_space<vmem>>
    %dma_start3A_69 = tpu.memref_slice %arg3[%add3A_63] : memref<4000000xf32, #tpu.memory_space<hbm>> -> memref<25000xf32, #tpu.memory_space<hbm>>
    tpu.enqueue_dma source(%dma_start3A_69 : memref<25000xf32, #tpu.memory_space<hbm>>) target(%dma_start3A_68 : memref<25000xf32, #tpu.memory_space<vmem>>) target_semaphore(%arg12 : memref<!tpu.dma_semaphore, #tpu.memory_space<semaphore_mem>>)
    %add3A_70 = arith.constant 25000 : i32
    %add3A_71 = arith.addi %mul3A_2, %add3A_70 : i32
    %dma_start3A_72 = arith.constant 0 : i32
    %dma_start3A_73 = tpu.memref_slice %arg8[%dma_start3A_72] : memref<25008xf32, #tpu.memory_space<vmem>> -> memref<25000xf32, #tpu.memory_space<vmem>>
    %dma_start3A_74 = tpu.memref_slice %arg4[%add3A_71] : memref<4000000xf32, #tpu.memory_space<hbm>> -> memref<25000xf32, #tpu.memory_space<hbm>>
    %dma_start3A_75 = tpu.memref_slice %arg4[%add3A_71] : memref<4000000xf32, #tpu.memory_space<hbm>> -> memref<25000xf32, #tpu.memory_space<hbm>>
    %dma_start3A_76 = arith.constant 0 : i32
    %dma_start3A_77 = tpu.memref_slice %arg8[%dma_start3A_76] : memref<25008xf32, #tpu.memory_space<vmem>> -> memref<25000xf32, #tpu.memory_space<vmem>>
    tpu.enqueue_dma source(%dma_start3A_77 : memref<25000xf32, #tpu.memory_space<vmem>>) target(%dma_start3A_75 : memref<25000xf32, #tpu.memory_space<hbm>>) target_semaphore(%arg14 : memref<!tpu.dma_semaphore, #tpu.memory_space<semaphore_mem>>)
    %dma_wait3A_78 = arith.constant 0 : i32
    %dma_wait3A_79 = tpu.memref_slice %arg5[%dma_wait3A_78] : memref<25008xf32, #tpu.memory_space<vmem>> -> memref<25000xf32, #tpu.memory_space<vmem>>
    %dma_wait3A_80 = tpu.memref_slice %arg3[%add3A_38] : memref<4000000xf32, #tpu.memory_space<hbm>> -> memref<25000xf32, #tpu.memory_space<hbm>>
    %dma_wait3A_81 = arith.constant 0 : i32
    %dma_wait3A_82 = tpu.memref_slice %arg5[%dma_wait3A_81] : memref<25008xf32, #tpu.memory_space<vmem>> -> memref<25000xf32, #tpu.memory_space<vmem>>
    %dma_wait3A_83 = tpu.memref_slice %arg3[%add3A_38] : memref<4000000xf32, #tpu.memory_space<hbm>> -> memref<25000xf32, #tpu.memory_space<hbm>>
    tpu.wait_dma2 semaphore(%arg11 : memref<!tpu.dma_semaphore, #tpu.memory_space<semaphore_mem>>) src(%dma_wait3A_83 : memref<25000xf32, #tpu.memory_space<hbm>>) dst(%dma_wait3A_82 : memref<25000xf32, #tpu.memory_space<vmem>>)
    %dma_wait3A_84 = arith.constant 0 : i32
    %dma_wait3A_85 = tpu.memref_slice %arg7[%dma_wait3A_84] : memref<25008xf32, #tpu.memory_space<vmem>> -> memref<25000xf32, #tpu.memory_space<vmem>>
    %dma_wait3A_86 = tpu.memref_slice %arg4[%add3A_46] : memref<4000000xf32, #tpu.memory_space<hbm>> -> memref<25000xf32, #tpu.memory_space<hbm>>
    %dma_wait3A_87 = tpu.memref_slice %arg4[%add3A_46] : memref<4000000xf32, #tpu.memory_space<hbm>> -> memref<25000xf32, #tpu.memory_space<hbm>>
    %dma_wait3A_88 = arith.constant 0 : i32
    %dma_wait3A_89 = tpu.memref_slice %arg7[%dma_wait3A_88] : memref<25008xf32, #tpu.memory_space<vmem>> -> memref<25000xf32, #tpu.memory_space<vmem>>
    tpu.wait_dma2 semaphore(%arg13 : memref<!tpu.dma_semaphore, #tpu.memory_space<semaphore_mem>>) src(%dma_wait3A_89 : memref<25000xf32, #tpu.memory_space<vmem>>) dst(%dma_wait3A_87 : memref<25000xf32, #tpu.memory_space<hbm>>)
    %parallel_loop3A_90 = arith.constant 0 : i32
    %parallel_loop3A_91 = arith.constant 1563 : i32
    %parallel_loop3A_92 = arith.constant 1 : i32
    scf.for %parallel_loop3A_167 = %parallel_loop3A_90 to %parallel_loop3A_91 step %parallel_loop3A_92  : i32 {
      %parallel_loop3A_168 = arith.constant 16 : i32
      %parallel_loop3A_169 = arith.muli %parallel_loop3A_167, %parallel_loop3A_168 : i32
      %parallel_loop3A_170 = arith.index_cast %parallel_loop3A_169 : i32 to index
      %parallel_loop3A_171 = tpu.vector_load %arg5[%parallel_loop3A_170] {strides = array<i32>} : memref<25008xf32, #tpu.memory_space<vmem>>, vector<16xf32>,
      %parallel_loop3A_172 = arith.fptosi %parallel_loop3A_171 : vector<16xf32> to vector<16xi32>
      %parallel_loop3A_173 = tpu.vector_load_idx %arg9[%parallel_loop3A_172] : memref<4096xf32, #tpu.memory_space<vmem>>[vector<16xi32>], vector<16xf32>,
      %parallel_loop3A_174 = arith.mulf %parallel_loop3A_173, %div3A : vector<16xf32>
      %parallel_loop3A_175 = arith.index_cast %parallel_loop3A_169 : i32 to index
      %parallel_loop3A_176 = tpu.vector_load %arg7[%parallel_loop3A_175] {strides = array<i32>} : memref<25008xf32, #tpu.memory_space<vmem>>, vector<16xf32>,
      tpu.vector_store %arg7[%parallel_loop3A_175], %parallel_loop3A_174 {strides = array<i32>} : memref<25008xf32, #tpu.memory_space<vmem>>, vector<16xf32>,
    } {sc.loop_unroll_factor = 8 : i64, sc.parallel_access}
    %add3A_93 = arith.constant 100000 : i32
    %add3A_94 = arith.addi %mul3A_2, %add3A_93 : i32
    %dma_start3A_95 = arith.constant 0 : i32
    %dma_start3A_96 = tpu.memref_slice %arg5[%dma_start3A_95] : memref<25008xf32, #tpu.memory_space<vmem>> -> memref<25000xf32, #tpu.memory_space<vmem>>
    %dma_start3A_97 = tpu.memref_slice %arg3[%add3A_94] : memref<4000000xf32, #tpu.memory_space<hbm>> -> memref<25000xf32, #tpu.memory_space<hbm>>
    %dma_start3A_98 = arith.constant 0 : i32
    %dma_start3A_99 = tpu.memref_slice %arg5[%dma_start3A_98] : memref<25008xf32, #tpu.memory_space<vmem>> -> memref<25000xf32, #tpu.memory_space<vmem>>
    %dma_start3A_100 = tpu.memref_slice %arg3[%add3A_94] : memref<4000000xf32, #tpu.memory_space<hbm>> -> memref<25000xf32, #tpu.memory_space<hbm>>
    tpu.enqueue_dma source(%dma_start3A_100 : memref<25000xf32, #tpu.memory_space<hbm>>) target(%dma_start3A_99 : memref<25000xf32, #tpu.memory_space<vmem>>) target_semaphore(%arg11 : memref<!tpu.dma_semaphore, #tpu.memory_space<semaphore_mem>>)
    %add3A_101 = arith.constant 50000 : i32
    %add3A_102 = arith.addi %mul3A_2, %add3A_101 : i32
    %dma_start3A_103 = arith.constant 0 : i32
    %dma_start3A_104 = tpu.memref_slice %arg7[%dma_start3A_103] : memref<25008xf32, #tpu.memory_space<vmem>> -> memref<25000xf32, #tpu.memory_space<vmem>>
    %dma_start3A_105 = tpu.memref_slice %arg4[%add3A_102] : memref<4000000xf32, #tpu.memory_space<hbm>> -> memref<25000xf32, #tpu.memory_space<hbm>>
    %dma_start3A_106 = tpu.memref_slice %arg4[%add3A_102] : memref<4000000xf32, #tpu.memory_space<hbm>> -> memref<25000xf32, #tpu.memory_space<hbm>>
    %dma_start3A_107 = arith.constant 0 : i32
    %dma_start3A_108 = tpu.memref_slice %arg7[%dma_start3A_107] : memref<25008xf32, #tpu.memory_space<vmem>> -> memref<25000xf32, #tpu.memory_space<vmem>>
    tpu.enqueue_dma source(%dma_start3A_108 : memref<25000xf32, #tpu.memory_space<vmem>>) target(%dma_start3A_106 : memref<25000xf32, #tpu.memory_space<hbm>>) target_semaphore(%arg13 : memref<!tpu.dma_semaphore, #tpu.memory_space<semaphore_mem>>)
    %dma_wait3A_109 = arith.constant 0 : i32
    %dma_wait3A_110 = tpu.memref_slice %arg6[%dma_wait3A_109] : memref<25008xf32, #tpu.memory_space<vmem>> -> memref<25000xf32, #tpu.memory_space<vmem>>
    %dma_wait3A_111 = tpu.memref_slice %arg3[%add3A_63] : memref<4000000xf32, #tpu.memory_space<hbm>> -> memref<25000xf32, #tpu.memory_space<hbm>>
    %dma_wait3A_112 = arith.constant 0 : i32
    %dma_wait3A_113 = tpu.memref_slice %arg6[%dma_wait3A_112] : memref<25008xf32, #tpu.memory_space<vmem>> -> memref<25000xf32, #tpu.memory_space<vmem>>
    %dma_wait3A_114 = tpu.memref_slice %arg3[%add3A_63] : memref<4000000xf32, #tpu.memory_space<hbm>> -> memref<25000xf32, #tpu.memory_space<hbm>>
    tpu.wait_dma2 semaphore(%arg12 : memref<!tpu.dma_semaphore, #tpu.memory_space<semaphore_mem>>) src(%dma_wait3A_114 : memref<25000xf32, #tpu.memory_space<hbm>>) dst(%dma_wait3A_113 : memref<25000xf32, #tpu.memory_space<vmem>>)
    %dma_wait3A_115 = arith.constant 0 : i32
    %dma_wait3A_116 = tpu.memref_slice %arg8[%dma_wait3A_115] : memref<25008xf32, #tpu.memory_space<vmem>> -> memref<25000xf32, #tpu.memory_space<vmem>>
    %dma_wait3A_117 = tpu.memref_slice %arg4[%add3A_71] : memref<4000000xf32, #tpu.memory_space<hbm>> -> memref<25000xf32, #tpu.memory_space<hbm>>
    %dma_wait3A_118 = tpu.memref_slice %arg4[%add3A_71] : memref<4000000xf32, #tpu.memory_space<hbm>> -> memref<25000xf32, #tpu.memory_space<hbm>>
    %dma_wait3A_119 = arith.constant 0 : i32
    %dma_wait3A_120 = tpu.memref_slice %arg8[%dma_wait3A_119] : memref<25008xf32, #tpu.memory_space<vmem>> -> memref<25000xf32, #tpu.memory_space<vmem>>
    tpu.wait_dma2 semaphore(%arg14 : memref<!tpu.dma_semaphore, #tpu.memory_space<semaphore_mem>>) src(%dma_wait3A_120 : memref<25000xf32, #tpu.memory_space<vmem>>) dst(%dma_wait3A_118 : memref<25000xf32, #tpu.memory_space<hbm>>)
    %parallel_loop3A_121 = arith.constant 0 : i32
    %parallel_loop3A_122 = arith.constant 1563 : i32
    %parallel_loop3A_123 = arith.constant 1 : i32
    scf.for %parallel_loop3A_167 = %parallel_loop3A_121 to %parallel_loop3A_122 step %parallel_loop3A_123  : i32 {
      %parallel_loop3A_168 = arith.constant 16 : i32
      %parallel_loop3A_169 = arith.muli %parallel_loop3A_167, %parallel_loop3A_168 : i32
      %parallel_loop3A_170 = arith.index_cast %parallel_loop3A_169 : i32 to index
      %parallel_loop3A_171 = tpu.vector_load %arg6[%parallel_loop3A_170] {strides = array<i32>} : memref<25008xf32, #tpu.memory_space<vmem>>, vector<16xf32>,
      %parallel_loop3A_172 = arith.fptosi %parallel_loop3A_171 : vector<16xf32> to vector<16xi32>
      %parallel_loop3A_173 = tpu.vector_load_idx %arg9[%parallel_loop3A_172] : memref<4096xf32, #tpu.memory_space<vmem>>[vector<16xi32>], vector<16xf32>,
      %parallel_loop3A_174 = arith.mulf %parallel_loop3A_173, %div3A : vector<16xf32>
      %parallel_loop3A_175 = arith.index_cast %parallel_loop3A_169 : i32 to index
      %parallel_loop3A_176 = tpu.vector_load %arg8[%parallel_loop3A_175] {strides = array<i32>} : memref<25008xf32, #tpu.memory_space<vmem>>, vector<16xf32>,
      tpu.vector_store %arg8[%parallel_loop3A_175], %parallel_loop3A_174 {strides = array<i32>} : memref<25008xf32, #tpu.memory_space<vmem>>, vector<16xf32>,
    } {sc.loop_unroll_factor = 8 : i64, sc.parallel_access}
    %add3A_124 = arith.constant 75000 : i32
    %add3A_125 = arith.addi %mul3A_2, %add3A_124 : i32
    %dma_start3A_126 = arith.constant 0 : i32
    %dma_start3A_127 = tpu.memref_slice %arg8[%dma_start3A_126] : memref<25008xf32, #tpu.memory_space<vmem>> -> memref<25000xf32, #tpu.memory_space<vmem>>
    %dma_start3A_128 = tpu.memref_slice %arg4[%add3A_125] : memref<4000000xf32, #tpu.memory_space<hbm>> -> memref<25000xf32, #tpu.memory_space<hbm>>
    %dma_start3A_129 = tpu.memref_slice %arg4[%add3A_125] : memref<4000000xf32, #tpu.memory_space<hbm>> -> memref<25000xf32, #tpu.memory_space<hbm>>
    %dma_start3A_130 = arith.constant 0 : i32
    %dma_start3A_131 = tpu.memref_slice %arg8[%dma_start3A_130] : memref<25008xf32, #tpu.memory_space<vmem>> -> memref<25000xf32, #tpu.memory_space<vmem>>
    tpu.enqueue_dma source(%dma_start3A_131 : memref<25000xf32, #tpu.memory_space<vmem>>) target(%dma_start3A_129 : memref<25000xf32, #tpu.memory_space<hbm>>) target_semaphore(%arg14 : memref<!tpu.dma_semaphore, #tpu.memory_space<semaphore_mem>>)
    %dma_wait3A_132 = arith.constant 0 : i32
    %dma_wait3A_133 = tpu.memref_slice %arg5[%dma_wait3A_132] : memref<25008xf32, #tpu.memory_space<vmem>> -> memref<25000xf32, #tpu.memory_space<vmem>>
    %dma_wait3A_134 = tpu.memref_slice %arg3[%add3A_94] : memref<4000000xf32, #tpu.memory_space<hbm>> -> memref<25000xf32, #tpu.memory_space<hbm>>
    %dma_wait3A_135 = arith.constant 0 : i32
    %dma_wait3A_136 = tpu.memref_slice %arg5[%dma_wait3A_135] : memref<25008xf32, #tpu.memory_space<vmem>> -> memref<25000xf32, #tpu.memory_space<vmem>>
    %dma_wait3A_137 = tpu.memref_slice %arg3[%add3A_94] : memref<4000000xf32, #tpu.memory_space<hbm>> -> memref<25000xf32, #tpu.memory_space<hbm>>
    tpu.wait_dma2 semaphore(%arg11 : memref<!tpu.dma_semaphore, #tpu.memory_space<semaphore_mem>>) src(%dma_wait3A_137 : memref<25000xf32, #tpu.memory_space<hbm>>) dst(%dma_wait3A_136 : memref<25000xf32, #tpu.memory_space<vmem>>)
    %dma_wait3A_138 = arith.constant 0 : i32
    %dma_wait3A_139 = tpu.memref_slice %arg7[%dma_wait3A_138] : memref<25008xf32, #tpu.memory_space<vmem>> -> memref<25000xf32, #tpu.memory_space<vmem>>
    %dma_wait3A_140 = tpu.memref_slice %arg4[%add3A_102] : memref<4000000xf32, #tpu.memory_space<hbm>> -> memref<25000xf32, #tpu.memory_space<hbm>>
    %dma_wait3A_141 = tpu.memref_slice %arg4[%add3A_102] : memref<4000000xf32, #tpu.memory_space<hbm>> -> memref<25000xf32, #tpu.memory_space<hbm>>
    %dma_wait3A_142 = arith.constant 0 : i32
    %dma_wait3A_143 = tpu.memref_slice %arg7[%dma_wait3A_142] : memref<25008xf32, #tpu.memory_space<vmem>> -> memref<25000xf32, #tpu.memory_space<vmem>>
    tpu.wait_dma2 semaphore(%arg13 : memref<!tpu.dma_semaphore, #tpu.memory_space<semaphore_mem>>) src(%dma_wait3A_143 : memref<25000xf32, #tpu.memory_space<vmem>>) dst(%dma_wait3A_141 : memref<25000xf32, #tpu.memory_space<hbm>>)
    %parallel_loop3A_144 = arith.constant 0 : i32
    %parallel_loop3A_145 = arith.constant 1563 : i32
    %parallel_loop3A_146 = arith.constant 1 : i32
    scf.for %parallel_loop3A_167 = %parallel_loop3A_144 to %parallel_loop3A_145 step %parallel_loop3A_146  : i32 {
      %parallel_loop3A_168 = arith.constant 16 : i32
      %parallel_loop3A_169 = arith.muli %parallel_loop3A_167, %parallel_loop3A_168 : i32
      %parallel_loop3A_170 = arith.index_cast %parallel_loop3A_169 : i32 to index
      %parallel_loop3A_171 = tpu.vector_load %arg5[%parallel_loop3A_170] {strides = array<i32>} : memref<25008xf32, #tpu.memory_space<vmem>>, vector<16xf32>,
      %parallel_loop3A_172 = arith.fptosi %parallel_loop3A_171 : vector<16xf32> to vector<16xi32>
      %parallel_loop3A_173 = tpu.vector_load_idx %arg9[%parallel_loop3A_172] : memref<4096xf32, #tpu.memory_space<vmem>>[vector<16xi32>], vector<16xf32>,
      %parallel_loop3A_174 = arith.mulf %parallel_loop3A_173, %div3A : vector<16xf32>
      %parallel_loop3A_175 = arith.index_cast %parallel_loop3A_169 : i32 to index
      %parallel_loop3A_176 = tpu.vector_load %arg7[%parallel_loop3A_175] {strides = array<i32>} : memref<25008xf32, #tpu.memory_space<vmem>>, vector<16xf32>,
      tpu.vector_store %arg7[%parallel_loop3A_175], %parallel_loop3A_174 {strides = array<i32>} : memref<25008xf32, #tpu.memory_space<vmem>>, vector<16xf32>,
    } {sc.loop_unroll_factor = 8 : i64, sc.parallel_access}
    %add3A_147 = arith.constant 100000 : i32
    %add3A_148 = arith.addi %mul3A_2, %add3A_147 : i32
    %dma_start3A_149 = arith.constant 0 : i32
    %dma_start3A_150 = tpu.memref_slice %arg7[%dma_start3A_149] : memref<25008xf32, #tpu.memory_space<vmem>> -> memref<25000xf32, #tpu.memory_space<vmem>>
    %dma_start3A_151 = tpu.memref_slice %arg4[%add3A_148] : memref<4000000xf32, #tpu.memory_space<hbm>> -> memref<25000xf32, #tpu.memory_space<hbm>>
    %dma_start3A_152 = tpu.memref_slice %arg4[%add3A_148] : memref<4000000xf32, #tpu.memory_space<hbm>> -> memref<25000xf32, #tpu.memory_space<hbm>>
    %dma_start3A_153 = arith.constant 0 : i32
    %dma_start3A_154 = tpu.memref_slice %arg7[%dma_start3A_153] : memref<25008xf32, #tpu.memory_space<vmem>> -> memref<25000xf32, #tpu.memory_space<vmem>>
    tpu.enqueue_dma source(%dma_start3A_154 : memref<25000xf32, #tpu.memory_space<vmem>>) target(%dma_start3A_152 : memref<25000xf32, #tpu.memory_space<hbm>>) target_semaphore(%arg13 : memref<!tpu.dma_semaphore, #tpu.memory_space<semaphore_mem>>)
    %dma_wait3A_155 = arith.constant 0 : i32
    %dma_wait3A_156 = tpu.memref_slice %arg8[%dma_wait3A_155] : memref<25008xf32, #tpu.memory_space<vmem>> -> memref<25000xf32, #tpu.memory_space<vmem>>
    %dma_wait3A_157 = tpu.memref_slice %arg4[%add3A_125] : memref<4000000xf32, #tpu.memory_space<hbm>> -> memref<25000xf32, #tpu.memory_space<hbm>>
    %dma_wait3A_158 = tpu.memref_slice %arg4[%add3A_125] : memref<4000000xf32, #tpu.memory_space<hbm>> -> memref<25000xf32, #tpu.memory_space<hbm>>
    %dma_wait3A_159 = arith.constant 0 : i32
    %dma_wait3A_160 = tpu.memref_slice %arg8[%dma_wait3A_159] : memref<25008xf32, #tpu.memory_space<vmem>> -> memref<25000xf32, #tpu.memory_space<vmem>>
    tpu.wait_dma2 semaphore(%arg14 : memref<!tpu.dma_semaphore, #tpu.memory_space<semaphore_mem>>) src(%dma_wait3A_160 : memref<25000xf32, #tpu.memory_space<vmem>>) dst(%dma_wait3A_158 : memref<25000xf32, #tpu.memory_space<hbm>>)
    %dma_wait3A_161 = arith.constant 0 : i32
    %dma_wait3A_162 = tpu.memref_slice %arg7[%dma_wait3A_161] : memref<25008xf32, #tpu.memory_space<vmem>> -> memref<25000xf32, #tpu.memory_space<vmem>>
    %dma_wait3A_163 = tpu.memref_slice %arg4[%add3A_148] : memref<4000000xf32, #tpu.memory_space<hbm>> -> memref<25000xf32, #tpu.memory_space<hbm>>
    %dma_wait3A_164 = tpu.memref_slice %arg4[%add3A_148] : memref<4000000xf32, #tpu.memory_space<hbm>> -> memref<25000xf32, #tpu.memory_space<hbm>>
    %dma_wait3A_165 = arith.constant 0 : i32
    %dma_wait3A_166 = tpu.memref_slice %arg7[%dma_wait3A_165] : memref<25008xf32, #tpu.memory_space<vmem>> -> memref<25000xf32, #tpu.memory_space<vmem>>
    tpu.wait_dma2 semaphore(%arg13 : memref<!tpu.dma_semaphore, #tpu.memory_space<semaphore_mem>>) src(%dma_wait3A_166 : memref<25000xf32, #tpu.memory_space<vmem>>) dst(%dma_wait3A_164 : memref<25000xf32, #tpu.memory_space<hbm>>)
    return
  }
}

#map = affine_map<(d0, d1) -> (0)>
#map1 = affine_map<(d0, d1) -> (0, 0)>
module attributes {stable_mosaic.version = 14 : i64} {
  func.func @_hist_kernel(%arg0: i32, %arg1: i32, %arg2: memref<4000000xf32, #tpu.memory_space<hbm>>, %arg3: memref<2x4096xf32, #tpu.memory_space<hbm>>, %arg4: memref<25008xf32, #tpu.memory_space<vmem>>, %arg5: memref<25008xf32, #tpu.memory_space<vmem>>, %arg6: memref<25008xf32, #tpu.memory_space<vmem>>, %arg7: memref<4096xf32, #tpu.memory_space<vmem>>, %arg8: memref<16x256xf32, #tpu.memory_space<vmem>>, %arg9: memref<256xf32, #tpu.memory_space<vmem>>, %arg10: memref<16x4096xf32, #tpu.memory_space<vmem_shared>>, %arg11: memref<!tpu.dma_semaphore, #tpu.memory_space<semaphore_mem>>, %arg12: memref<!tpu.dma_semaphore, #tpu.memory_space<semaphore_mem>>, %arg13: memref<!tpu.dma_semaphore, #tpu.memory_space<semaphore_mem>>) attributes {dimension_semantics = [#tpu.dimension_semantics<core_parallel>, #tpu.dimension_semantics<subcore_parallel>], iteration_bounds = array<i64: 2, 16>, scalar_prefetch = 0 : i64, scratch_operands = 10 : i64, tpu.core_type = #tpu.core_type<sc_vector_subcore>, window_params = [{transform_indices = #map}, {transform_indices = #map1}]} {
    %mul3A = arith.constant 2 : i32
    %mul3A_0 = arith.muli %arg1, %mul3A : i32
    %add3A = arith.addi %mul3A_0, %arg0 : i32
    %mul3A_1 = arith.constant 125000 : i32
    %mul3A_2 = arith.muli %add3A, %mul3A_1 : i32
    %broadcast_in_dim3A = arith.constant 0.000000e+00 : f32
    %broadcast_in_dim3A_3 = vector.broadcast %broadcast_in_dim3A : f32 to vector<16xf32>
    %broadcast_in_dim3A_4 = arith.constant 1.000000e+00 : f32
    %broadcast_in_dim3A_5 = vector.broadcast %broadcast_in_dim3A_4 : f32 to vector<16xf32>
    %iota3A = tpu.iota {dimensions = array<i32: 0>} : vector<16xi32>
    %lt3A = arith.constant 8 : i32
    %lt3A_6 = vector.broadcast %lt3A : i32 to vector<16xi32>
    %lt3A_7 = arith.cmpi slt, %iota3A, %lt3A_6 : vector<16xi32>
    %swap3A = arith.constant 24992 : index
    %swap3A_8 = tpu.vector_load %arg4[%swap3A] {strides = array<i32>} : memref<25008xf32, #tpu.memory_space<vmem>>, vector<16xf32>,
    tpu.vector_store %arg4[%swap3A], %broadcast_in_dim3A_3 {strides = array<i32>} : memref<25008xf32, #tpu.memory_space<vmem>>, vector<16xf32>,
    %swap3A_9 = arith.constant 24992 : index
    %swap3A_10 = tpu.vector_load %arg5[%swap3A_9] {strides = array<i32>} : memref<25008xf32, #tpu.memory_space<vmem>>, vector<16xf32>,
    tpu.vector_store %arg5[%swap3A_9], %broadcast_in_dim3A_3 {strides = array<i32>} : memref<25008xf32, #tpu.memory_space<vmem>>, vector<16xf32>,
    %swap3A_11 = arith.constant 24992 : index
    %swap3A_12 = tpu.vector_load %arg6[%swap3A_11] {strides = array<i32>} : memref<25008xf32, #tpu.memory_space<vmem>>, vector<16xf32>,
    tpu.vector_store %arg6[%swap3A_11], %broadcast_in_dim3A_3 {strides = array<i32>} : memref<25008xf32, #tpu.memory_space<vmem>>, vector<16xf32>,
    %add3A_13 = arith.constant 0 : i32
    %add3A_14 = arith.addi %mul3A_2, %add3A_13 : i32
    %dma_start3A = arith.constant 0 : i32
    %dma_start3A_15 = tpu.memref_slice %arg4[%dma_start3A] : memref<25008xf32, #tpu.memory_space<vmem>> -> memref<25000xf32, #tpu.memory_space<vmem>>
    %dma_start3A_16 = tpu.memref_slice %arg2[%add3A_14] : memref<4000000xf32, #tpu.memory_space<hbm>> -> memref<25000xf32, #tpu.memory_space<hbm>>
    %dma_start3A_17 = arith.constant 0 : i32
    %dma_start3A_18 = tpu.memref_slice %arg4[%dma_start3A_17] : memref<25008xf32, #tpu.memory_space<vmem>> -> memref<25000xf32, #tpu.memory_space<vmem>>
    %dma_start3A_19 = tpu.memref_slice %arg2[%add3A_14] : memref<4000000xf32, #tpu.memory_space<hbm>> -> memref<25000xf32, #tpu.memory_space<hbm>>
    tpu.enqueue_dma source(%dma_start3A_19 : memref<25000xf32, #tpu.memory_space<hbm>>) target(%dma_start3A_18 : memref<25000xf32, #tpu.memory_space<vmem>>) target_semaphore(%arg11 : memref<!tpu.dma_semaphore, #tpu.memory_space<semaphore_mem>>)
    %add3A_20 = arith.constant 25000 : i32
    %add3A_21 = arith.addi %mul3A_2, %add3A_20 : i32
    %dma_start3A_22 = arith.constant 0 : i32
    %dma_start3A_23 = tpu.memref_slice %arg5[%dma_start3A_22] : memref<25008xf32, #tpu.memory_space<vmem>> -> memref<25000xf32, #tpu.memory_space<vmem>>
    %dma_start3A_24 = tpu.memref_slice %arg2[%add3A_21] : memref<4000000xf32, #tpu.memory_space<hbm>> -> memref<25000xf32, #tpu.memory_space<hbm>>
    %dma_start3A_25 = arith.constant 0 : i32
    %dma_start3A_26 = tpu.memref_slice %arg5[%dma_start3A_25] : memref<25008xf32, #tpu.memory_space<vmem>> -> memref<25000xf32, #tpu.memory_space<vmem>>
    %dma_start3A_27 = tpu.memref_slice %arg2[%add3A_21] : memref<4000000xf32, #tpu.memory_space<hbm>> -> memref<25000xf32, #tpu.memory_space<hbm>>
    tpu.enqueue_dma source(%dma_start3A_27 : memref<25000xf32, #tpu.memory_space<hbm>>) target(%dma_start3A_26 : memref<25000xf32, #tpu.memory_space<vmem>>) target_semaphore(%arg12 : memref<!tpu.dma_semaphore, #tpu.memory_space<semaphore_mem>>)
    %add3A_28 = arith.constant 50000 : i32
    %add3A_29 = arith.addi %mul3A_2, %add3A_28 : i32
    %dma_start3A_30 = arith.constant 0 : i32
    %dma_start3A_31 = tpu.memref_slice %arg6[%dma_start3A_30] : memref<25008xf32, #tpu.memory_space<vmem>> -> memref<25000xf32, #tpu.memory_space<vmem>>
    %dma_start3A_32 = tpu.memref_slice %arg2[%add3A_29] : memref<4000000xf32, #tpu.memory_space<hbm>> -> memref<25000xf32, #tpu.memory_space<hbm>>
    %dma_start3A_33 = arith.constant 0 : i32
    %dma_start3A_34 = tpu.memref_slice %arg6[%dma_start3A_33] : memref<25008xf32, #tpu.memory_space<vmem>> -> memref<25000xf32, #tpu.memory_space<vmem>>
    %dma_start3A_35 = tpu.memref_slice %arg2[%add3A_29] : memref<4000000xf32, #tpu.memory_space<hbm>> -> memref<25000xf32, #tpu.memory_space<hbm>>
    tpu.enqueue_dma source(%dma_start3A_35 : memref<25000xf32, #tpu.memory_space<hbm>>) target(%dma_start3A_34 : memref<25000xf32, #tpu.memory_space<vmem>>) target_semaphore(%arg13 : memref<!tpu.dma_semaphore, #tpu.memory_space<semaphore_mem>>)
    %parallel_loop3A = arith.constant 0 : i32
    %parallel_loop3A_36 = arith.constant 256 : i32
    %parallel_loop3A_37 = arith.constant 1 : i32
    scf.for %parallel_loop3A_532 = %parallel_loop3A to %parallel_loop3A_36 step %parallel_loop3A_37  : i32 {
      %parallel_loop3A_533 = arith.constant 16 : i32
      %parallel_loop3A_534 = arith.muli %parallel_loop3A_532, %parallel_loop3A_533 : i32
      %parallel_loop3A_535 = arith.index_cast %parallel_loop3A_534 : i32 to index
      %parallel_loop3A_536 = tpu.vector_load %arg7[%parallel_loop3A_535] {strides = array<i32>} : memref<4096xf32, #tpu.memory_space<vmem>>, vector<16xf32>,
      tpu.vector_store %arg7[%parallel_loop3A_535], %broadcast_in_dim3A_3 {strides = array<i32>} : memref<4096xf32, #tpu.memory_space<vmem>>, vector<16xf32>,
    } {sc.loop_unroll_factor = 8 : i64, sc.parallel_access}
    %dma_wait3A = arith.constant 0 : i32
    %dma_wait3A_38 = tpu.memref_slice %arg4[%dma_wait3A] : memref<25008xf32, #tpu.memory_space<vmem>> -> memref<25000xf32, #tpu.memory_space<vmem>>
    %dma_wait3A_39 = tpu.memref_slice %arg2[%add3A_14] : memref<4000000xf32, #tpu.memory_space<hbm>> -> memref<25000xf32, #tpu.memory_space<hbm>>
    %dma_wait3A_40 = arith.constant 0 : i32
    %dma_wait3A_41 = tpu.memref_slice %arg4[%dma_wait3A_40] : memref<25008xf32, #tpu.memory_space<vmem>> -> memref<25000xf32, #tpu.memory_space<vmem>>
    %dma_wait3A_42 = tpu.memref_slice %arg2[%add3A_14] : memref<4000000xf32, #tpu.memory_space<hbm>> -> memref<25000xf32, #tpu.memory_space<hbm>>
    tpu.wait_dma2 semaphore(%arg11 : memref<!tpu.dma_semaphore, #tpu.memory_space<semaphore_mem>>) src(%dma_wait3A_42 : memref<25000xf32, #tpu.memory_space<hbm>>) dst(%dma_wait3A_41 : memref<25000xf32, #tpu.memory_space<vmem>>)
    %parallel_loop3A_43 = arith.constant 0 : i32
    %parallel_loop3A_44 = arith.constant 1562 : i32
    %parallel_loop3A_45 = arith.constant 1 : i32
    scf.for %parallel_loop3A_532 = %parallel_loop3A_43 to %parallel_loop3A_44 step %parallel_loop3A_45  : i32 {
      %parallel_loop3A_533 = arith.constant 16 : i32
      %parallel_loop3A_534 = arith.muli %parallel_loop3A_532, %parallel_loop3A_533 : i32
      %parallel_loop3A_535 = arith.index_cast %parallel_loop3A_534 : i32 to index
      %parallel_loop3A_536 = tpu.vector_load %arg4[%parallel_loop3A_535] {strides = array<i32>} : memref<25008xf32, #tpu.memory_space<vmem>>, vector<16xf32>,
      %parallel_loop3A_537 = arith.fptosi %parallel_loop3A_536 : vector<16xf32> to vector<16xi32>
      tpu.vector_store_idx %arg7[%parallel_loop3A_537], %broadcast_in_dim3A_5 {add = true} : memref<4096xf32, #tpu.memory_space<vmem>>[vector<16xi32>], vector<16xf32>,
    } {sc.loop_unroll_factor = 8 : i64, sc.parallel_access}
    %get3A = arith.constant 24992 : index
    %get3A_46 = tpu.vector_load %arg4[%get3A] {strides = array<i32>} : memref<25008xf32, #tpu.memory_space<vmem>>, vector<16xf32>,
    %convert_element_type3A = arith.fptosi %get3A_46 : vector<16xf32> to vector<16xi32>
    tpu.vector_store_idx %arg7[%convert_element_type3A], %broadcast_in_dim3A_5 masked %lt3A_7 {add = true} : memref<4096xf32, #tpu.memory_space<vmem>>[vector<16xi32>], vector<16xf32>, vector<16xi1>
    %add3A_47 = arith.constant 75000 : i32
    %add3A_48 = arith.addi %mul3A_2, %add3A_47 : i32
    %dma_start3A_49 = arith.constant 0 : i32
    %dma_start3A_50 = tpu.memref_slice %arg4[%dma_start3A_49] : memref<25008xf32, #tpu.memory_space<vmem>> -> memref<25000xf32, #tpu.memory_space<vmem>>
    %dma_start3A_51 = tpu.memref_slice %arg2[%add3A_48] : memref<4000000xf32, #tpu.memory_space<hbm>> -> memref<25000xf32, #tpu.memory_space<hbm>>
    %dma_start3A_52 = arith.constant 0 : i32
    %dma_start3A_53 = tpu.memref_slice %arg4[%dma_start3A_52] : memref<25008xf32, #tpu.memory_space<vmem>> -> memref<25000xf32, #tpu.memory_space<vmem>>
    %dma_start3A_54 = tpu.memref_slice %arg2[%add3A_48] : memref<4000000xf32, #tpu.memory_space<hbm>> -> memref<25000xf32, #tpu.memory_space<hbm>>
    tpu.enqueue_dma source(%dma_start3A_54 : memref<25000xf32, #tpu.memory_space<hbm>>) target(%dma_start3A_53 : memref<25000xf32, #tpu.memory_space<vmem>>) target_semaphore(%arg11 : memref<!tpu.dma_semaphore, #tpu.memory_space<semaphore_mem>>)
    %dma_wait3A_55 = arith.constant 0 : i32
    %dma_wait3A_56 = tpu.memref_slice %arg5[%dma_wait3A_55] : memref<25008xf32, #tpu.memory_space<vmem>> -> memref<25000xf32, #tpu.memory_space<vmem>>
    %dma_wait3A_57 = tpu.memref_slice %arg2[%add3A_21] : memref<4000000xf32, #tpu.memory_space<hbm>> -> memref<25000xf32, #tpu.memory_space<hbm>>
    %dma_wait3A_58 = arith.constant 0 : i32
    %dma_wait3A_59 = tpu.memref_slice %arg5[%dma_wait3A_58] : memref<25008xf32, #tpu.memory_space<vmem>> -> memref<25000xf32, #tpu.memory_space<vmem>>
    %dma_wait3A_60 = tpu.memref_slice %arg2[%add3A_21] : memref<4000000xf32, #tpu.memory_space<hbm>> -> memref<25000xf32, #tpu.memory_space<hbm>>
    tpu.wait_dma2 semaphore(%arg12 : memref<!tpu.dma_semaphore, #tpu.memory_space<semaphore_mem>>) src(%dma_wait3A_60 : memref<25000xf32, #tpu.memory_space<hbm>>) dst(%dma_wait3A_59 : memref<25000xf32, #tpu.memory_space<vmem>>)
    %parallel_loop3A_61 = arith.constant 0 : i32
    %parallel_loop3A_62 = arith.constant 1562 : i32
    %parallel_loop3A_63 = arith.constant 1 : i32
    scf.for %parallel_loop3A_532 = %parallel_loop3A_61 to %parallel_loop3A_62 step %parallel_loop3A_63  : i32 {
      %parallel_loop3A_533 = arith.constant 16 : i32
      %parallel_loop3A_534 = arith.muli %parallel_loop3A_532, %parallel_loop3A_533 : i32
      %parallel_loop3A_535 = arith.index_cast %parallel_loop3A_534 : i32 to index
      %parallel_loop3A_536 = tpu.vector_load %arg5[%parallel_loop3A_535] {strides = array<i32>} : memref<25008xf32, #tpu.memory_space<vmem>>, vector<16xf32>,
      %parallel_loop3A_537 = arith.fptosi %parallel_loop3A_536 : vector<16xf32> to vector<16xi32>
      tpu.vector_store_idx %arg7[%parallel_loop3A_537], %broadcast_in_dim3A_5 {add = true} : memref<4096xf32, #tpu.memory_space<vmem>>[vector<16xi32>], vector<16xf32>,
    } {sc.loop_unroll_factor = 8 : i64, sc.parallel_access}
    %get3A_64 = arith.constant 24992 : index
    %get3A_65 = tpu.vector_load %arg5[%get3A_64] {strides = array<i32>} : memref<25008xf32, #tpu.memory_space<vmem>>, vector<16xf32>,
    %convert_element_type3A_66 = arith.fptosi %get3A_65 : vector<16xf32> to vector<16xi32>
    tpu.vector_store_idx %arg7[%convert_element_type3A_66], %broadcast_in_dim3A_5 masked %lt3A_7 {add = true} : memref<4096xf32, #tpu.memory_space<vmem>>[vector<16xi32>], vector<16xf32>, vector<16xi1>
    %add3A_67 = arith.constant 100000 : i32
    %add3A_68 = arith.addi %mul3A_2, %add3A_67 : i32
    %dma_start3A_69 = arith.constant 0 : i32
    %dma_start3A_70 = tpu.memref_slice %arg5[%dma_start3A_69] : memref<25008xf32, #tpu.memory_space<vmem>> -> memref<25000xf32, #tpu.memory_space<vmem>>
    %dma_start3A_71 = tpu.memref_slice %arg2[%add3A_68] : memref<4000000xf32, #tpu.memory_space<hbm>> -> memref<25000xf32, #tpu.memory_space<hbm>>
    %dma_start3A_72 = arith.constant 0 : i32
    %dma_start3A_73 = tpu.memref_slice %arg5[%dma_start3A_72] : memref<25008xf32, #tpu.memory_space<vmem>> -> memref<25000xf32, #tpu.memory_space<vmem>>
    %dma_start3A_74 = tpu.memref_slice %arg2[%add3A_68] : memref<4000000xf32, #tpu.memory_space<hbm>> -> memref<25000xf32, #tpu.memory_space<hbm>>
    tpu.enqueue_dma source(%dma_start3A_74 : memref<25000xf32, #tpu.memory_space<hbm>>) target(%dma_start3A_73 : memref<25000xf32, #tpu.memory_space<vmem>>) target_semaphore(%arg12 : memref<!tpu.dma_semaphore, #tpu.memory_space<semaphore_mem>>)
    %dma_wait3A_75 = arith.constant 0 : i32
    %dma_wait3A_76 = tpu.memref_slice %arg6[%dma_wait3A_75] : memref<25008xf32, #tpu.memory_space<vmem>> -> memref<25000xf32, #tpu.memory_space<vmem>>
    %dma_wait3A_77 = tpu.memref_slice %arg2[%add3A_29] : memref<4000000xf32, #tpu.memory_space<hbm>> -> memref<25000xf32, #tpu.memory_space<hbm>>
    %dma_wait3A_78 = arith.constant 0 : i32
    %dma_wait3A_79 = tpu.memref_slice %arg6[%dma_wait3A_78] : memref<25008xf32, #tpu.memory_space<vmem>> -> memref<25000xf32, #tpu.memory_space<vmem>>
    %dma_wait3A_80 = tpu.memref_slice %arg2[%add3A_29] : memref<4000000xf32, #tpu.memory_space<hbm>> -> memref<25000xf32, #tpu.memory_space<hbm>>
    tpu.wait_dma2 semaphore(%arg13 : memref<!tpu.dma_semaphore, #tpu.memory_space<semaphore_mem>>) src(%dma_wait3A_80 : memref<25000xf32, #tpu.memory_space<hbm>>) dst(%dma_wait3A_79 : memref<25000xf32, #tpu.memory_space<vmem>>)
    %parallel_loop3A_81 = arith.constant 0 : i32
    %parallel_loop3A_82 = arith.constant 1562 : i32
    %parallel_loop3A_83 = arith.constant 1 : i32
    scf.for %parallel_loop3A_532 = %parallel_loop3A_81 to %parallel_loop3A_82 step %parallel_loop3A_83  : i32 {
      %parallel_loop3A_533 = arith.constant 16 : i32
      %parallel_loop3A_534 = arith.muli %parallel_loop3A_532, %parallel_loop3A_533 : i32
      %parallel_loop3A_535 = arith.index_cast %parallel_loop3A_534 : i32 to index
      %parallel_loop3A_536 = tpu.vector_load %arg6[%parallel_loop3A_535] {strides = array<i32>} : memref<25008xf32, #tpu.memory_space<vmem>>, vector<16xf32>,
      %parallel_loop3A_537 = arith.fptosi %parallel_loop3A_536 : vector<16xf32> to vector<16xi32>
      tpu.vector_store_idx %arg7[%parallel_loop3A_537], %broadcast_in_dim3A_5 {add = true} : memref<4096xf32, #tpu.memory_space<vmem>>[vector<16xi32>], vector<16xf32>,
    } {sc.loop_unroll_factor = 8 : i64, sc.parallel_access}
    %get3A_84 = arith.constant 24992 : index
    %get3A_85 = tpu.vector_load %arg6[%get3A_84] {strides = array<i32>} : memref<25008xf32, #tpu.memory_space<vmem>>, vector<16xf32>,
    %convert_element_type3A_86 = arith.fptosi %get3A_85 : vector<16xf32> to vector<16xi32>
    tpu.vector_store_idx %arg7[%convert_element_type3A_86], %broadcast_in_dim3A_5 masked %lt3A_7 {add = true} : memref<4096xf32, #tpu.memory_space<vmem>>[vector<16xi32>], vector<16xf32>, vector<16xi1>
    %dma_wait3A_87 = arith.constant 0 : i32
    %dma_wait3A_88 = tpu.memref_slice %arg4[%dma_wait3A_87] : memref<25008xf32, #tpu.memory_space<vmem>> -> memref<25000xf32, #tpu.memory_space<vmem>>
    %dma_wait3A_89 = tpu.memref_slice %arg2[%add3A_48] : memref<4000000xf32, #tpu.memory_space<hbm>> -> memref<25000xf32, #tpu.memory_space<hbm>>
    %dma_wait3A_90 = arith.constant 0 : i32
    %dma_wait3A_91 = tpu.memref_slice %arg4[%dma_wait3A_90] : memref<25008xf32, #tpu.memory_space<vmem>> -> memref<25000xf32, #tpu.memory_space<vmem>>
    %dma_wait3A_92 = tpu.memref_slice %arg2[%add3A_48] : memref<4000000xf32, #tpu.memory_space<hbm>> -> memref<25000xf32, #tpu.memory_space<hbm>>
    tpu.wait_dma2 semaphore(%arg11 : memref<!tpu.dma_semaphore, #tpu.memory_space<semaphore_mem>>) src(%dma_wait3A_92 : memref<25000xf32, #tpu.memory_space<hbm>>) dst(%dma_wait3A_91 : memref<25000xf32, #tpu.memory_space<vmem>>)
    %parallel_loop3A_93 = arith.constant 0 : i32
    %parallel_loop3A_94 = arith.constant 1562 : i32
    %parallel_loop3A_95 = arith.constant 1 : i32
    scf.for %parallel_loop3A_532 = %parallel_loop3A_93 to %parallel_loop3A_94 step %parallel_loop3A_95  : i32 {
      %parallel_loop3A_533 = arith.constant 16 : i32
      %parallel_loop3A_534 = arith.muli %parallel_loop3A_532, %parallel_loop3A_533 : i32
      %parallel_loop3A_535 = arith.index_cast %parallel_loop3A_534 : i32 to index
      %parallel_loop3A_536 = tpu.vector_load %arg4[%parallel_loop3A_535] {strides = array<i32>} : memref<25008xf32, #tpu.memory_space<vmem>>, vector<16xf32>,
      %parallel_loop3A_537 = arith.fptosi %parallel_loop3A_536 : vector<16xf32> to vector<16xi32>
      tpu.vector_store_idx %arg7[%parallel_loop3A_537], %broadcast_in_dim3A_5 {add = true} : memref<4096xf32, #tpu.memory_space<vmem>>[vector<16xi32>], vector<16xf32>,
    } {sc.loop_unroll_factor = 8 : i64, sc.parallel_access}
    %get3A_96 = arith.constant 24992 : index
    %get3A_97 = tpu.vector_load %arg4[%get3A_96] {strides = array<i32>} : memref<25008xf32, #tpu.memory_space<vmem>>, vector<16xf32>,
    %convert_element_type3A_98 = arith.fptosi %get3A_97 : vector<16xf32> to vector<16xi32>
    tpu.vector_store_idx %arg7[%convert_element_type3A_98], %broadcast_in_dim3A_5 masked %lt3A_7 {add = true} : memref<4096xf32, #tpu.memory_space<vmem>>[vector<16xi32>], vector<16xf32>, vector<16xi1>
    %dma_wait3A_99 = arith.constant 0 : i32
    %dma_wait3A_100 = tpu.memref_slice %arg5[%dma_wait3A_99] : memref<25008xf32, #tpu.memory_space<vmem>> -> memref<25000xf32, #tpu.memory_space<vmem>>
    %dma_wait3A_101 = tpu.memref_slice %arg2[%add3A_68] : memref<4000000xf32, #tpu.memory_space<hbm>> -> memref<25000xf32, #tpu.memory_space<hbm>>
    %dma_wait3A_102 = arith.constant 0 : i32
    %dma_wait3A_103 = tpu.memref_slice %arg5[%dma_wait3A_102] : memref<25008xf32, #tpu.memory_space<vmem>> -> memref<25000xf32, #tpu.memory_space<vmem>>
    %dma_wait3A_104 = tpu.memref_slice %arg2[%add3A_68] : memref<4000000xf32, #tpu.memory_space<hbm>> -> memref<25000xf32, #tpu.memory_space<hbm>>
    tpu.wait_dma2 semaphore(%arg12 : memref<!tpu.dma_semaphore, #tpu.memory_space<semaphore_mem>>) src(%dma_wait3A_104 : memref<25000xf32, #tpu.memory_space<hbm>>) dst(%dma_wait3A_103 : memref<25000xf32, #tpu.memory_space<vmem>>)
    %parallel_loop3A_105 = arith.constant 0 : i32
    %parallel_loop3A_106 = arith.constant 1562 : i32
    %parallel_loop3A_107 = arith.constant 1 : i32
    scf.for %parallel_loop3A_532 = %parallel_loop3A_105 to %parallel_loop3A_106 step %parallel_loop3A_107  : i32 {
      %parallel_loop3A_533 = arith.constant 16 : i32
      %parallel_loop3A_534 = arith.muli %parallel_loop3A_532, %parallel_loop3A_533 : i32
      %parallel_loop3A_535 = arith.index_cast %parallel_loop3A_534 : i32 to index
      %parallel_loop3A_536 = tpu.vector_load %arg5[%parallel_loop3A_535] {strides = array<i32>} : memref<25008xf32, #tpu.memory_space<vmem>>, vector<16xf32>,
      %parallel_loop3A_537 = arith.fptosi %parallel_loop3A_536 : vector<16xf32> to vector<16xi32>
      tpu.vector_store_idx %arg7[%parallel_loop3A_537], %broadcast_in_dim3A_5 {add = true} : memref<4096xf32, #tpu.memory_space<vmem>>[vector<16xi32>], vector<16xf32>,
    } {sc.loop_unroll_factor = 8 : i64, sc.parallel_access}
    %get3A_108 = arith.constant 24992 : index
    %get3A_109 = tpu.vector_load %arg5[%get3A_108] {strides = array<i32>} : memref<25008xf32, #tpu.memory_space<vmem>>, vector<16xf32>,
    %convert_element_type3A_110 = arith.fptosi %get3A_109 : vector<16xf32> to vector<16xi32>
    tpu.vector_store_idx %arg7[%convert_element_type3A_110], %broadcast_in_dim3A_5 masked %lt3A_7 {add = true} : memref<4096xf32, #tpu.memory_space<vmem>>[vector<16xi32>], vector<16xf32>, vector<16xi1>
    "tpu.region"() ({
      %run_scoped3A = tpu.sem_alloc : memref<!tpu.dma_semaphore, #tpu.memory_space<semaphore_mem>>
      %dma_start3A_532 = arith.constant 0 : i32
      %dma_start3A_533 = tpu.memref_slice %arg10[%arg1, %dma_start3A_532] : memref<16x4096xf32, #tpu.memory_space<vmem_shared>> -> memref<1x4096xf32, #tpu.memory_space<vmem_shared>>
      %dma_start3A_534 = tpu.memref_squeeze %dma_start3A_533 : memref<1x4096xf32, #tpu.memory_space<vmem_shared>> -> memref<4096xf32, #tpu.memory_space<vmem_shared>>
      %dma_start3A_535 = arith.constant 0 : i32
      %dma_start3A_536 = tpu.memref_slice %arg10[%arg1, %dma_start3A_535] : memref<16x4096xf32, #tpu.memory_space<vmem_shared>> -> memref<1x4096xf32, #tpu.memory_space<vmem_shared>>
      %dma_start3A_537 = tpu.memref_squeeze %dma_start3A_536 : memref<1x4096xf32, #tpu.memory_space<vmem_shared>> -> memref<4096xf32, #tpu.memory_space<vmem_shared>>
      tpu.enqueue_dma source(%arg7 : memref<4096xf32, #tpu.memory_space<vmem>>) target(%dma_start3A_537 : memref<4096xf32, #tpu.memory_space<vmem_shared>>) target_semaphore(%run_scoped3A : memref<!tpu.dma_semaphore, #tpu.memory_space<semaphore_mem>>)
      %dma_wait3A_538 = arith.constant 0 : i32
      %dma_wait3A_539 = tpu.memref_slice %arg10[%arg1, %dma_wait3A_538] : memref<16x4096xf32, #tpu.memory_space<vmem_shared>> -> memref<1x4096xf32, #tpu.memory_space<vmem_shared>>
      %dma_wait3A_540 = tpu.memref_squeeze %dma_wait3A_539 : memref<1x4096xf32, #tpu.memory_space<vmem_shared>> -> memref<4096xf32, #tpu.memory_space<vmem_shared>>
      %dma_wait3A_541 = arith.constant 0 : i32
      %dma_wait3A_542 = tpu.memref_slice %arg10[%arg1, %dma_wait3A_541] : memref<16x4096xf32, #tpu.memory_space<vmem_shared>> -> memref<1x4096xf32, #tpu.memory_space<vmem_shared>>
      %dma_wait3A_543 = tpu.memref_squeeze %dma_wait3A_542 : memref<1x4096xf32, #tpu.memory_space<vmem_shared>> -> memref<4096xf32, #tpu.memory_space<vmem_shared>>
      tpu.wait_dma2 semaphore(%run_scoped3A : memref<!tpu.dma_semaphore, #tpu.memory_space<semaphore_mem>>) src(%arg7 : memref<4096xf32, #tpu.memory_space<vmem>>) dst(%dma_wait3A_543 : memref<4096xf32, #tpu.memory_space<vmem_shared>>)
      tpu.yield
    }) : () -> ()
    %barrier3A = arith.constant 0 : index
    tpu.barrier barrier_id(%barrier3A)
    %mul3A_111 = arith.constant 256 : i32
    %mul3A_112 = arith.muli %arg1, %mul3A_111 : i32
    %dma_start3A_113 = arith.constant 0 : i32
    %dma_start3A_114 = arith.constant 0 : i32
    %dma_start3A_115 = arith.constant 0 : i32
    %dma_start3A_116 = tpu.memref_slice %arg8[%dma_start3A_114, %dma_start3A_115] : memref<16x256xf32, #tpu.memory_space<vmem>> -> memref<1x256xf32, #tpu.memory_space<vmem>>
    %dma_start3A_117 = tpu.memref_squeeze %dma_start3A_116 : memref<1x256xf32, #tpu.memory_space<vmem>> -> memref<256xf32, #tpu.memory_space<vmem>>
    %dma_start3A_118 = tpu.memref_slice %arg10[%dma_start3A_113, %mul3A_112] : memref<16x4096xf32, #tpu.memory_space<vmem_shared>> -> memref<1x256xf32, #tpu.memory_space<vmem_shared>>
    %dma_start3A_119 = tpu.memref_squeeze %dma_start3A_118 : memref<1x256xf32, #tpu.memory_space<vmem_shared>> -> memref<256xf32, #tpu.memory_space<vmem_shared>>
    %dma_start3A_120 = arith.constant 0 : i32
    %dma_start3A_121 = tpu.memref_slice %arg8[%dma_start3A_114, %dma_start3A_120] : memref<16x256xf32, #tpu.memory_space<vmem>> -> memref<1x256xf32, #tpu.memory_space<vmem>>
    %dma_start3A_122 = tpu.memref_squeeze %dma_start3A_121 : memref<1x256xf32, #tpu.memory_space<vmem>> -> memref<256xf32, #tpu.memory_space<vmem>>
    %dma_start3A_123 = tpu.memref_slice %arg10[%dma_start3A_113, %mul3A_112] : memref<16x4096xf32, #tpu.memory_space<vmem_shared>> -> memref<1x256xf32, #tpu.memory_space<vmem_shared>>
    %dma_start3A_124 = tpu.memref_squeeze %dma_start3A_123 : memref<1x256xf32, #tpu.memory_space<vmem_shared>> -> memref<256xf32, #tpu.memory_space<vmem_shared>>
    tpu.enqueue_dma source(%dma_start3A_124 : memref<256xf32, #tpu.memory_space<vmem_shared>>) target(%dma_start3A_122 : memref<256xf32, #tpu.memory_space<vmem>>) target_semaphore(%arg11 : memref<!tpu.dma_semaphore, #tpu.memory_space<semaphore_mem>>)
    %mul3A_125 = arith.constant 256 : i32
    %mul3A_126 = arith.muli %arg1, %mul3A_125 : i32
    %dma_start3A_127 = arith.constant 1 : i32
    %dma_start3A_128 = arith.constant 1 : i32
    %dma_start3A_129 = arith.constant 0 : i32
    %dma_start3A_130 = tpu.memref_slice %arg8[%dma_start3A_128, %dma_start3A_129] : memref<16x256xf32, #tpu.memory_space<vmem>> -> memref<1x256xf32, #tpu.memory_space<vmem>>
    %dma_start3A_131 = tpu.memref_squeeze %dma_start3A_130 : memref<1x256xf32, #tpu.memory_space<vmem>> -> memref<256xf32, #tpu.memory_space<vmem>>
    %dma_start3A_132 = tpu.memref_slice %arg10[%dma_start3A_127, %mul3A_126] : memref<16x4096xf32, #tpu.memory_space<vmem_shared>> -> memref<1x256xf32, #tpu.memory_space<vmem_shared>>
    %dma_start3A_133 = tpu.memref_squeeze %dma_start3A_132 : memref<1x256xf32, #tpu.memory_space<vmem_shared>> -> memref<256xf32, #tpu.memory_space<vmem_shared>>
    %dma_start3A_134 = arith.constant 0 : i32
    %dma_start3A_135 = tpu.memref_slice %arg8[%dma_start3A_128, %dma_start3A_134] : memref<16x256xf32, #tpu.memory_space<vmem>> -> memref<1x256xf32, #tpu.memory_space<vmem>>
    %dma_start3A_136 = tpu.memref_squeeze %dma_start3A_135 : memref<1x256xf32, #tpu.memory_space<vmem>> -> memref<256xf32, #tpu.memory_space<vmem>>
    %dma_start3A_137 = tpu.memref_slice %arg10[%dma_start3A_127, %mul3A_126] : memref<16x4096xf32, #tpu.memory_space<vmem_shared>> -> memref<1x256xf32, #tpu.memory_space<vmem_shared>>
    %dma_start3A_138 = tpu.memref_squeeze %dma_start3A_137 : memref<1x256xf32, #tpu.memory_space<vmem_shared>> -> memref<256xf32, #tpu.memory_space<vmem_shared>>
    tpu.enqueue_dma source(%dma_start3A_138 : memref<256xf32, #tpu.memory_space<vmem_shared>>) target(%dma_start3A_136 : memref<256xf32, #tpu.memory_space<vmem>>) target_semaphore(%arg11 : memref<!tpu.dma_semaphore, #tpu.memory_space<semaphore_mem>>)
    %mul3A_139 = arith.constant 256 : i32
    %mul3A_140 = arith.muli %arg1, %mul3A_139 : i32
    %dma_start3A_141 = arith.constant 2 : i32
    %dma_start3A_142 = arith.constant 2 : i32
    %dma_start3A_143 = arith.constant 0 : i32
    %dma_start3A_144 = tpu.memref_slice %arg8[%dma_start3A_142, %dma_start3A_143] : memref<16x256xf32, #tpu.memory_space<vmem>> -> memref<1x256xf32, #tpu.memory_space<vmem>>
    %dma_start3A_145 = tpu.memref_squeeze %dma_start3A_144 : memref<1x256xf32, #tpu.memory_space<vmem>> -> memref<256xf32, #tpu.memory_space<vmem>>
    %dma_start3A_146 = tpu.memref_slice %arg10[%dma_start3A_141, %mul3A_140] : memref<16x4096xf32, #tpu.memory_space<vmem_shared>> -> memref<1x256xf32, #tpu.memory_space<vmem_shared>>
    %dma_start3A_147 = tpu.memref_squeeze %dma_start3A_146 : memref<1x256xf32, #tpu.memory_space<vmem_shared>> -> memref<256xf32, #tpu.memory_space<vmem_shared>>
    %dma_start3A_148 = arith.constant 0 : i32
    %dma_start3A_149 = tpu.memref_slice %arg8[%dma_start3A_142, %dma_start3A_148] : memref<16x256xf32, #tpu.memory_space<vmem>> -> memref<1x256xf32, #tpu.memory_space<vmem>>
    %dma_start3A_150 = tpu.memref_squeeze %dma_start3A_149 : memref<1x256xf32, #tpu.memory_space<vmem>> -> memref<256xf32, #tpu.memory_space<vmem>>
    %dma_start3A_151 = tpu.memref_slice %arg10[%dma_start3A_141, %mul3A_140] : memref<16x4096xf32, #tpu.memory_space<vmem_shared>> -> memref<1x256xf32, #tpu.memory_space<vmem_shared>>
    %dma_start3A_152 = tpu.memref_squeeze %dma_start3A_151 : memref<1x256xf32, #tpu.memory_space<vmem_shared>> -> memref<256xf32, #tpu.memory_space<vmem_shared>>
    tpu.enqueue_dma source(%dma_start3A_152 : memref<256xf32, #tpu.memory_space<vmem_shared>>) target(%dma_start3A_150 : memref<256xf32, #tpu.memory_space<vmem>>) target_semaphore(%arg11 : memref<!tpu.dma_semaphore, #tpu.memory_space<semaphore_mem>>)
    %mul3A_153 = arith.constant 256 : i32
    %mul3A_154 = arith.muli %arg1, %mul3A_153 : i32
    %dma_start3A_155 = arith.constant 3 : i32
    %dma_start3A_156 = arith.constant 3 : i32
    %dma_start3A_157 = arith.constant 0 : i32
    %dma_start3A_158 = tpu.memref_slice %arg8[%dma_start3A_156, %dma_start3A_157] : memref<16x256xf32, #tpu.memory_space<vmem>> -> memref<1x256xf32, #tpu.memory_space<vmem>>
    %dma_start3A_159 = tpu.memref_squeeze %dma_start3A_158 : memref<1x256xf32, #tpu.memory_space<vmem>> -> memref<256xf32, #tpu.memory_space<vmem>>
    %dma_start3A_160 = tpu.memref_slice %arg10[%dma_start3A_155, %mul3A_154] : memref<16x4096xf32, #tpu.memory_space<vmem_shared>> -> memref<1x256xf32, #tpu.memory_space<vmem_shared>>
    %dma_start3A_161 = tpu.memref_squeeze %dma_start3A_160 : memref<1x256xf32, #tpu.memory_space<vmem_shared>> -> memref<256xf32, #tpu.memory_space<vmem_shared>>
    %dma_start3A_162 = arith.constant 0 : i32
    %dma_start3A_163 = tpu.memref_slice %arg8[%dma_start3A_156, %dma_start3A_162] : memref<16x256xf32, #tpu.memory_space<vmem>> -> memref<1x256xf32, #tpu.memory_space<vmem>>
    %dma_start3A_164 = tpu.memref_squeeze %dma_start3A_163 : memref<1x256xf32, #tpu.memory_space<vmem>> -> memref<256xf32, #tpu.memory_space<vmem>>
    %dma_start3A_165 = tpu.memref_slice %arg10[%dma_start3A_155, %mul3A_154] : memref<16x4096xf32, #tpu.memory_space<vmem_shared>> -> memref<1x256xf32, #tpu.memory_space<vmem_shared>>
    %dma_start3A_166 = tpu.memref_squeeze %dma_start3A_165 : memref<1x256xf32, #tpu.memory_space<vmem_shared>> -> memref<256xf32, #tpu.memory_space<vmem_shared>>
    tpu.enqueue_dma source(%dma_start3A_166 : memref<256xf32, #tpu.memory_space<vmem_shared>>) target(%dma_start3A_164 : memref<256xf32, #tpu.memory_space<vmem>>) target_semaphore(%arg11 : memref<!tpu.dma_semaphore, #tpu.memory_space<semaphore_mem>>)
    %mul3A_167 = arith.constant 256 : i32
    %mul3A_168 = arith.muli %arg1, %mul3A_167 : i32
    %dma_start3A_169 = arith.constant 4 : i32
    %dma_start3A_170 = arith.constant 4 : i32
    %dma_start3A_171 = arith.constant 0 : i32
    %dma_start3A_172 = tpu.memref_slice %arg8[%dma_start3A_170, %dma_start3A_171] : memref<16x256xf32, #tpu.memory_space<vmem>> -> memref<1x256xf32, #tpu.memory_space<vmem>>
    %dma_start3A_173 = tpu.memref_squeeze %dma_start3A_172 : memref<1x256xf32, #tpu.memory_space<vmem>> -> memref<256xf32, #tpu.memory_space<vmem>>
    %dma_start3A_174 = tpu.memref_slice %arg10[%dma_start3A_169, %mul3A_168] : memref<16x4096xf32, #tpu.memory_space<vmem_shared>> -> memref<1x256xf32, #tpu.memory_space<vmem_shared>>
    %dma_start3A_175 = tpu.memref_squeeze %dma_start3A_174 : memref<1x256xf32, #tpu.memory_space<vmem_shared>> -> memref<256xf32, #tpu.memory_space<vmem_shared>>
    %dma_start3A_176 = arith.constant 0 : i32
    %dma_start3A_177 = tpu.memref_slice %arg8[%dma_start3A_170, %dma_start3A_176] : memref<16x256xf32, #tpu.memory_space<vmem>> -> memref<1x256xf32, #tpu.memory_space<vmem>>
    %dma_start3A_178 = tpu.memref_squeeze %dma_start3A_177 : memref<1x256xf32, #tpu.memory_space<vmem>> -> memref<256xf32, #tpu.memory_space<vmem>>
    %dma_start3A_179 = tpu.memref_slice %arg10[%dma_start3A_169, %mul3A_168] : memref<16x4096xf32, #tpu.memory_space<vmem_shared>> -> memref<1x256xf32, #tpu.memory_space<vmem_shared>>
    %dma_start3A_180 = tpu.memref_squeeze %dma_start3A_179 : memref<1x256xf32, #tpu.memory_space<vmem_shared>> -> memref<256xf32, #tpu.memory_space<vmem_shared>>
    tpu.enqueue_dma source(%dma_start3A_180 : memref<256xf32, #tpu.memory_space<vmem_shared>>) target(%dma_start3A_178 : memref<256xf32, #tpu.memory_space<vmem>>) target_semaphore(%arg11 : memref<!tpu.dma_semaphore, #tpu.memory_space<semaphore_mem>>)
    %mul3A_181 = arith.constant 256 : i32
    %mul3A_182 = arith.muli %arg1, %mul3A_181 : i32
    %dma_start3A_183 = arith.constant 5 : i32
    %dma_start3A_184 = arith.constant 5 : i32
    %dma_start3A_185 = arith.constant 0 : i32
    %dma_start3A_186 = tpu.memref_slice %arg8[%dma_start3A_184, %dma_start3A_185] : memref<16x256xf32, #tpu.memory_space<vmem>> -> memref<1x256xf32, #tpu.memory_space<vmem>>
    %dma_start3A_187 = tpu.memref_squeeze %dma_start3A_186 : memref<1x256xf32, #tpu.memory_space<vmem>> -> memref<256xf32, #tpu.memory_space<vmem>>
    %dma_start3A_188 = tpu.memref_slice %arg10[%dma_start3A_183, %mul3A_182] : memref<16x4096xf32, #tpu.memory_space<vmem_shared>> -> memref<1x256xf32, #tpu.memory_space<vmem_shared>>
    %dma_start3A_189 = tpu.memref_squeeze %dma_start3A_188 : memref<1x256xf32, #tpu.memory_space<vmem_shared>> -> memref<256xf32, #tpu.memory_space<vmem_shared>>
    %dma_start3A_190 = arith.constant 0 : i32
    %dma_start3A_191 = tpu.memref_slice %arg8[%dma_start3A_184, %dma_start3A_190] : memref<16x256xf32, #tpu.memory_space<vmem>> -> memref<1x256xf32, #tpu.memory_space<vmem>>
    %dma_start3A_192 = tpu.memref_squeeze %dma_start3A_191 : memref<1x256xf32, #tpu.memory_space<vmem>> -> memref<256xf32, #tpu.memory_space<vmem>>
    %dma_start3A_193 = tpu.memref_slice %arg10[%dma_start3A_183, %mul3A_182] : memref<16x4096xf32, #tpu.memory_space<vmem_shared>> -> memref<1x256xf32, #tpu.memory_space<vmem_shared>>
    %dma_start3A_194 = tpu.memref_squeeze %dma_start3A_193 : memref<1x256xf32, #tpu.memory_space<vmem_shared>> -> memref<256xf32, #tpu.memory_space<vmem_shared>>
    tpu.enqueue_dma source(%dma_start3A_194 : memref<256xf32, #tpu.memory_space<vmem_shared>>) target(%dma_start3A_192 : memref<256xf32, #tpu.memory_space<vmem>>) target_semaphore(%arg11 : memref<!tpu.dma_semaphore, #tpu.memory_space<semaphore_mem>>)
    %mul3A_195 = arith.constant 256 : i32
    %mul3A_196 = arith.muli %arg1, %mul3A_195 : i32
    %dma_start3A_197 = arith.constant 6 : i32
    %dma_start3A_198 = arith.constant 6 : i32
    %dma_start3A_199 = arith.constant 0 : i32
    %dma_start3A_200 = tpu.memref_slice %arg8[%dma_start3A_198, %dma_start3A_199] : memref<16x256xf32, #tpu.memory_space<vmem>> -> memref<1x256xf32, #tpu.memory_space<vmem>>
    %dma_start3A_201 = tpu.memref_squeeze %dma_start3A_200 : memref<1x256xf32, #tpu.memory_space<vmem>> -> memref<256xf32, #tpu.memory_space<vmem>>
    %dma_start3A_202 = tpu.memref_slice %arg10[%dma_start3A_197, %mul3A_196] : memref<16x4096xf32, #tpu.memory_space<vmem_shared>> -> memref<1x256xf32, #tpu.memory_space<vmem_shared>>
    %dma_start3A_203 = tpu.memref_squeeze %dma_start3A_202 : memref<1x256xf32, #tpu.memory_space<vmem_shared>> -> memref<256xf32, #tpu.memory_space<vmem_shared>>
    %dma_start3A_204 = arith.constant 0 : i32
    %dma_start3A_205 = tpu.memref_slice %arg8[%dma_start3A_198, %dma_start3A_204] : memref<16x256xf32, #tpu.memory_space<vmem>> -> memref<1x256xf32, #tpu.memory_space<vmem>>
    %dma_start3A_206 = tpu.memref_squeeze %dma_start3A_205 : memref<1x256xf32, #tpu.memory_space<vmem>> -> memref<256xf32, #tpu.memory_space<vmem>>
    %dma_start3A_207 = tpu.memref_slice %arg10[%dma_start3A_197, %mul3A_196] : memref<16x4096xf32, #tpu.memory_space<vmem_shared>> -> memref<1x256xf32, #tpu.memory_space<vmem_shared>>
    %dma_start3A_208 = tpu.memref_squeeze %dma_start3A_207 : memref<1x256xf32, #tpu.memory_space<vmem_shared>> -> memref<256xf32, #tpu.memory_space<vmem_shared>>
    tpu.enqueue_dma source(%dma_start3A_208 : memref<256xf32, #tpu.memory_space<vmem_shared>>) target(%dma_start3A_206 : memref<256xf32, #tpu.memory_space<vmem>>) target_semaphore(%arg11 : memref<!tpu.dma_semaphore, #tpu.memory_space<semaphore_mem>>)
    %mul3A_209 = arith.constant 256 : i32
    %mul3A_210 = arith.muli %arg1, %mul3A_209 : i32
    %dma_start3A_211 = arith.constant 7 : i32
    %dma_start3A_212 = arith.constant 7 : i32
    %dma_start3A_213 = arith.constant 0 : i32
    %dma_start3A_214 = tpu.memref_slice %arg8[%dma_start3A_212, %dma_start3A_213] : memref<16x256xf32, #tpu.memory_space<vmem>> -> memref<1x256xf32, #tpu.memory_space<vmem>>
    %dma_start3A_215 = tpu.memref_squeeze %dma_start3A_214 : memref<1x256xf32, #tpu.memory_space<vmem>> -> memref<256xf32, #tpu.memory_space<vmem>>
    %dma_start3A_216 = tpu.memref_slice %arg10[%dma_start3A_211, %mul3A_210] : memref<16x4096xf32, #tpu.memory_space<vmem_shared>> -> memref<1x256xf32, #tpu.memory_space<vmem_shared>>
    %dma_start3A_217 = tpu.memref_squeeze %dma_start3A_216 : memref<1x256xf32, #tpu.memory_space<vmem_shared>> -> memref<256xf32, #tpu.memory_space<vmem_shared>>
    %dma_start3A_218 = arith.constant 0 : i32
    %dma_start3A_219 = tpu.memref_slice %arg8[%dma_start3A_212, %dma_start3A_218] : memref<16x256xf32, #tpu.memory_space<vmem>> -> memref<1x256xf32, #tpu.memory_space<vmem>>
    %dma_start3A_220 = tpu.memref_squeeze %dma_start3A_219 : memref<1x256xf32, #tpu.memory_space<vmem>> -> memref<256xf32, #tpu.memory_space<vmem>>
    %dma_start3A_221 = tpu.memref_slice %arg10[%dma_start3A_211, %mul3A_210] : memref<16x4096xf32, #tpu.memory_space<vmem_shared>> -> memref<1x256xf32, #tpu.memory_space<vmem_shared>>
    %dma_start3A_222 = tpu.memref_squeeze %dma_start3A_221 : memref<1x256xf32, #tpu.memory_space<vmem_shared>> -> memref<256xf32, #tpu.memory_space<vmem_shared>>
    tpu.enqueue_dma source(%dma_start3A_222 : memref<256xf32, #tpu.memory_space<vmem_shared>>) target(%dma_start3A_220 : memref<256xf32, #tpu.memory_space<vmem>>) target_semaphore(%arg11 : memref<!tpu.dma_semaphore, #tpu.memory_space<semaphore_mem>>)
    %mul3A_223 = arith.constant 256 : i32
    %mul3A_224 = arith.muli %arg1, %mul3A_223 : i32
    %dma_start3A_225 = arith.constant 8 : i32
    %dma_start3A_226 = arith.constant 8 : i32
    %dma_start3A_227 = arith.constant 0 : i32
    %dma_start3A_228 = tpu.memref_slice %arg8[%dma_start3A_226, %dma_start3A_227] : memref<16x256xf32, #tpu.memory_space<vmem>> -> memref<1x256xf32, #tpu.memory_space<vmem>>
    %dma_start3A_229 = tpu.memref_squeeze %dma_start3A_228 : memref<1x256xf32, #tpu.memory_space<vmem>> -> memref<256xf32, #tpu.memory_space<vmem>>
    %dma_start3A_230 = tpu.memref_slice %arg10[%dma_start3A_225, %mul3A_224] : memref<16x4096xf32, #tpu.memory_space<vmem_shared>> -> memref<1x256xf32, #tpu.memory_space<vmem_shared>>
    %dma_start3A_231 = tpu.memref_squeeze %dma_start3A_230 : memref<1x256xf32, #tpu.memory_space<vmem_shared>> -> memref<256xf32, #tpu.memory_space<vmem_shared>>
    %dma_start3A_232 = arith.constant 0 : i32
    %dma_start3A_233 = tpu.memref_slice %arg8[%dma_start3A_226, %dma_start3A_232] : memref<16x256xf32, #tpu.memory_space<vmem>> -> memref<1x256xf32, #tpu.memory_space<vmem>>
    %dma_start3A_234 = tpu.memref_squeeze %dma_start3A_233 : memref<1x256xf32, #tpu.memory_space<vmem>> -> memref<256xf32, #tpu.memory_space<vmem>>
    %dma_start3A_235 = tpu.memref_slice %arg10[%dma_start3A_225, %mul3A_224] : memref<16x4096xf32, #tpu.memory_space<vmem_shared>> -> memref<1x256xf32, #tpu.memory_space<vmem_shared>>
    %dma_start3A_236 = tpu.memref_squeeze %dma_start3A_235 : memref<1x256xf32, #tpu.memory_space<vmem_shared>> -> memref<256xf32, #tpu.memory_space<vmem_shared>>
    tpu.enqueue_dma source(%dma_start3A_236 : memref<256xf32, #tpu.memory_space<vmem_shared>>) target(%dma_start3A_234 : memref<256xf32, #tpu.memory_space<vmem>>) target_semaphore(%arg11 : memref<!tpu.dma_semaphore, #tpu.memory_space<semaphore_mem>>)
    %mul3A_237 = arith.constant 256 : i32
    %mul3A_238 = arith.muli %arg1, %mul3A_237 : i32
    %dma_start3A_239 = arith.constant 9 : i32
    %dma_start3A_240 = arith.constant 9 : i32
    %dma_start3A_241 = arith.constant 0 : i32
    %dma_start3A_242 = tpu.memref_slice %arg8[%dma_start3A_240, %dma_start3A_241] : memref<16x256xf32, #tpu.memory_space<vmem>> -> memref<1x256xf32, #tpu.memory_space<vmem>>
    %dma_start3A_243 = tpu.memref_squeeze %dma_start3A_242 : memref<1x256xf32, #tpu.memory_space<vmem>> -> memref<256xf32, #tpu.memory_space<vmem>>
    %dma_start3A_244 = tpu.memref_slice %arg10[%dma_start3A_239, %mul3A_238] : memref<16x4096xf32, #tpu.memory_space<vmem_shared>> -> memref<1x256xf32, #tpu.memory_space<vmem_shared>>
    %dma_start3A_245 = tpu.memref_squeeze %dma_start3A_244 : memref<1x256xf32, #tpu.memory_space<vmem_shared>> -> memref<256xf32, #tpu.memory_space<vmem_shared>>
    %dma_start3A_246 = arith.constant 0 : i32
    %dma_start3A_247 = tpu.memref_slice %arg8[%dma_start3A_240, %dma_start3A_246] : memref<16x256xf32, #tpu.memory_space<vmem>> -> memref<1x256xf32, #tpu.memory_space<vmem>>
    %dma_start3A_248 = tpu.memref_squeeze %dma_start3A_247 : memref<1x256xf32, #tpu.memory_space<vmem>> -> memref<256xf32, #tpu.memory_space<vmem>>
    %dma_start3A_249 = tpu.memref_slice %arg10[%dma_start3A_239, %mul3A_238] : memref<16x4096xf32, #tpu.memory_space<vmem_shared>> -> memref<1x256xf32, #tpu.memory_space<vmem_shared>>
    %dma_start3A_250 = tpu.memref_squeeze %dma_start3A_249 : memref<1x256xf32, #tpu.memory_space<vmem_shared>> -> memref<256xf32, #tpu.memory_space<vmem_shared>>
    tpu.enqueue_dma source(%dma_start3A_250 : memref<256xf32, #tpu.memory_space<vmem_shared>>) target(%dma_start3A_248 : memref<256xf32, #tpu.memory_space<vmem>>) target_semaphore(%arg11 : memref<!tpu.dma_semaphore, #tpu.memory_space<semaphore_mem>>)
    %mul3A_251 = arith.constant 256 : i32
    %mul3A_252 = arith.muli %arg1, %mul3A_251 : i32
    %dma_start3A_253 = arith.constant 10 : i32
    %dma_start3A_254 = arith.constant 10 : i32
    %dma_start3A_255 = arith.constant 0 : i32
    %dma_start3A_256 = tpu.memref_slice %arg8[%dma_start3A_254, %dma_start3A_255] : memref<16x256xf32, #tpu.memory_space<vmem>> -> memref<1x256xf32, #tpu.memory_space<vmem>>
    %dma_start3A_257 = tpu.memref_squeeze %dma_start3A_256 : memref<1x256xf32, #tpu.memory_space<vmem>> -> memref<256xf32, #tpu.memory_space<vmem>>
    %dma_start3A_258 = tpu.memref_slice %arg10[%dma_start3A_253, %mul3A_252] : memref<16x4096xf32, #tpu.memory_space<vmem_shared>> -> memref<1x256xf32, #tpu.memory_space<vmem_shared>>
    %dma_start3A_259 = tpu.memref_squeeze %dma_start3A_258 : memref<1x256xf32, #tpu.memory_space<vmem_shared>> -> memref<256xf32, #tpu.memory_space<vmem_shared>>
    %dma_start3A_260 = arith.constant 0 : i32
    %dma_start3A_261 = tpu.memref_slice %arg8[%dma_start3A_254, %dma_start3A_260] : memref<16x256xf32, #tpu.memory_space<vmem>> -> memref<1x256xf32, #tpu.memory_space<vmem>>
    %dma_start3A_262 = tpu.memref_squeeze %dma_start3A_261 : memref<1x256xf32, #tpu.memory_space<vmem>> -> memref<256xf32, #tpu.memory_space<vmem>>
    %dma_start3A_263 = tpu.memref_slice %arg10[%dma_start3A_253, %mul3A_252] : memref<16x4096xf32, #tpu.memory_space<vmem_shared>> -> memref<1x256xf32, #tpu.memory_space<vmem_shared>>
    %dma_start3A_264 = tpu.memref_squeeze %dma_start3A_263 : memref<1x256xf32, #tpu.memory_space<vmem_shared>> -> memref<256xf32, #tpu.memory_space<vmem_shared>>
    tpu.enqueue_dma source(%dma_start3A_264 : memref<256xf32, #tpu.memory_space<vmem_shared>>) target(%dma_start3A_262 : memref<256xf32, #tpu.memory_space<vmem>>) target_semaphore(%arg11 : memref<!tpu.dma_semaphore, #tpu.memory_space<semaphore_mem>>)
    %mul3A_265 = arith.constant 256 : i32
    %mul3A_266 = arith.muli %arg1, %mul3A_265 : i32
    %dma_start3A_267 = arith.constant 11 : i32
    %dma_start3A_268 = arith.constant 11 : i32
    %dma_start3A_269 = arith.constant 0 : i32
    %dma_start3A_270 = tpu.memref_slice %arg8[%dma_start3A_268, %dma_start3A_269] : memref<16x256xf32, #tpu.memory_space<vmem>> -> memref<1x256xf32, #tpu.memory_space<vmem>>
    %dma_start3A_271 = tpu.memref_squeeze %dma_start3A_270 : memref<1x256xf32, #tpu.memory_space<vmem>> -> memref<256xf32, #tpu.memory_space<vmem>>
    %dma_start3A_272 = tpu.memref_slice %arg10[%dma_start3A_267, %mul3A_266] : memref<16x4096xf32, #tpu.memory_space<vmem_shared>> -> memref<1x256xf32, #tpu.memory_space<vmem_shared>>
    %dma_start3A_273 = tpu.memref_squeeze %dma_start3A_272 : memref<1x256xf32, #tpu.memory_space<vmem_shared>> -> memref<256xf32, #tpu.memory_space<vmem_shared>>
    %dma_start3A_274 = arith.constant 0 : i32
    %dma_start3A_275 = tpu.memref_slice %arg8[%dma_start3A_268, %dma_start3A_274] : memref<16x256xf32, #tpu.memory_space<vmem>> -> memref<1x256xf32, #tpu.memory_space<vmem>>
    %dma_start3A_276 = tpu.memref_squeeze %dma_start3A_275 : memref<1x256xf32, #tpu.memory_space<vmem>> -> memref<256xf32, #tpu.memory_space<vmem>>
    %dma_start3A_277 = tpu.memref_slice %arg10[%dma_start3A_267, %mul3A_266] : memref<16x4096xf32, #tpu.memory_space<vmem_shared>> -> memref<1x256xf32, #tpu.memory_space<vmem_shared>>
    %dma_start3A_278 = tpu.memref_squeeze %dma_start3A_277 : memref<1x256xf32, #tpu.memory_space<vmem_shared>> -> memref<256xf32, #tpu.memory_space<vmem_shared>>
    tpu.enqueue_dma source(%dma_start3A_278 : memref<256xf32, #tpu.memory_space<vmem_shared>>) target(%dma_start3A_276 : memref<256xf32, #tpu.memory_space<vmem>>) target_semaphore(%arg11 : memref<!tpu.dma_semaphore, #tpu.memory_space<semaphore_mem>>)
    %mul3A_279 = arith.constant 256 : i32
    %mul3A_280 = arith.muli %arg1, %mul3A_279 : i32
    %dma_start3A_281 = arith.constant 12 : i32
    %dma_start3A_282 = arith.constant 12 : i32
    %dma_start3A_283 = arith.constant 0 : i32
    %dma_start3A_284 = tpu.memref_slice %arg8[%dma_start3A_282, %dma_start3A_283] : memref<16x256xf32, #tpu.memory_space<vmem>> -> memref<1x256xf32, #tpu.memory_space<vmem>>
    %dma_start3A_285 = tpu.memref_squeeze %dma_start3A_284 : memref<1x256xf32, #tpu.memory_space<vmem>> -> memref<256xf32, #tpu.memory_space<vmem>>
    %dma_start3A_286 = tpu.memref_slice %arg10[%dma_start3A_281, %mul3A_280] : memref<16x4096xf32, #tpu.memory_space<vmem_shared>> -> memref<1x256xf32, #tpu.memory_space<vmem_shared>>
    %dma_start3A_287 = tpu.memref_squeeze %dma_start3A_286 : memref<1x256xf32, #tpu.memory_space<vmem_shared>> -> memref<256xf32, #tpu.memory_space<vmem_shared>>
    %dma_start3A_288 = arith.constant 0 : i32
    %dma_start3A_289 = tpu.memref_slice %arg8[%dma_start3A_282, %dma_start3A_288] : memref<16x256xf32, #tpu.memory_space<vmem>> -> memref<1x256xf32, #tpu.memory_space<vmem>>
    %dma_start3A_290 = tpu.memref_squeeze %dma_start3A_289 : memref<1x256xf32, #tpu.memory_space<vmem>> -> memref<256xf32, #tpu.memory_space<vmem>>
    %dma_start3A_291 = tpu.memref_slice %arg10[%dma_start3A_281, %mul3A_280] : memref<16x4096xf32, #tpu.memory_space<vmem_shared>> -> memref<1x256xf32, #tpu.memory_space<vmem_shared>>
    %dma_start3A_292 = tpu.memref_squeeze %dma_start3A_291 : memref<1x256xf32, #tpu.memory_space<vmem_shared>> -> memref<256xf32, #tpu.memory_space<vmem_shared>>
    tpu.enqueue_dma source(%dma_start3A_292 : memref<256xf32, #tpu.memory_space<vmem_shared>>) target(%dma_start3A_290 : memref<256xf32, #tpu.memory_space<vmem>>) target_semaphore(%arg11 : memref<!tpu.dma_semaphore, #tpu.memory_space<semaphore_mem>>)
    %mul3A_293 = arith.constant 256 : i32
    %mul3A_294 = arith.muli %arg1, %mul3A_293 : i32
    %dma_start3A_295 = arith.constant 13 : i32
    %dma_start3A_296 = arith.constant 13 : i32
    %dma_start3A_297 = arith.constant 0 : i32
    %dma_start3A_298 = tpu.memref_slice %arg8[%dma_start3A_296, %dma_start3A_297] : memref<16x256xf32, #tpu.memory_space<vmem>> -> memref<1x256xf32, #tpu.memory_space<vmem>>
    %dma_start3A_299 = tpu.memref_squeeze %dma_start3A_298 : memref<1x256xf32, #tpu.memory_space<vmem>> -> memref<256xf32, #tpu.memory_space<vmem>>
    %dma_start3A_300 = tpu.memref_slice %arg10[%dma_start3A_295, %mul3A_294] : memref<16x4096xf32, #tpu.memory_space<vmem_shared>> -> memref<1x256xf32, #tpu.memory_space<vmem_shared>>
    %dma_start3A_301 = tpu.memref_squeeze %dma_start3A_300 : memref<1x256xf32, #tpu.memory_space<vmem_shared>> -> memref<256xf32, #tpu.memory_space<vmem_shared>>
    %dma_start3A_302 = arith.constant 0 : i32
    %dma_start3A_303 = tpu.memref_slice %arg8[%dma_start3A_296, %dma_start3A_302] : memref<16x256xf32, #tpu.memory_space<vmem>> -> memref<1x256xf32, #tpu.memory_space<vmem>>
    %dma_start3A_304 = tpu.memref_squeeze %dma_start3A_303 : memref<1x256xf32, #tpu.memory_space<vmem>> -> memref<256xf32, #tpu.memory_space<vmem>>
    %dma_start3A_305 = tpu.memref_slice %arg10[%dma_start3A_295, %mul3A_294] : memref<16x4096xf32, #tpu.memory_space<vmem_shared>> -> memref<1x256xf32, #tpu.memory_space<vmem_shared>>
    %dma_start3A_306 = tpu.memref_squeeze %dma_start3A_305 : memref<1x256xf32, #tpu.memory_space<vmem_shared>> -> memref<256xf32, #tpu.memory_space<vmem_shared>>
    tpu.enqueue_dma source(%dma_start3A_306 : memref<256xf32, #tpu.memory_space<vmem_shared>>) target(%dma_start3A_304 : memref<256xf32, #tpu.memory_space<vmem>>) target_semaphore(%arg11 : memref<!tpu.dma_semaphore, #tpu.memory_space<semaphore_mem>>)
    %mul3A_307 = arith.constant 256 : i32
    %mul3A_308 = arith.muli %arg1, %mul3A_307 : i32
    %dma_start3A_309 = arith.constant 14 : i32
    %dma_start3A_310 = arith.constant 14 : i32
    %dma_start3A_311 = arith.constant 0 : i32
    %dma_start3A_312 = tpu.memref_slice %arg8[%dma_start3A_310, %dma_start3A_311] : memref<16x256xf32, #tpu.memory_space<vmem>> -> memref<1x256xf32, #tpu.memory_space<vmem>>
    %dma_start3A_313 = tpu.memref_squeeze %dma_start3A_312 : memref<1x256xf32, #tpu.memory_space<vmem>> -> memref<256xf32, #tpu.memory_space<vmem>>
    %dma_start3A_314 = tpu.memref_slice %arg10[%dma_start3A_309, %mul3A_308] : memref<16x4096xf32, #tpu.memory_space<vmem_shared>> -> memref<1x256xf32, #tpu.memory_space<vmem_shared>>
    %dma_start3A_315 = tpu.memref_squeeze %dma_start3A_314 : memref<1x256xf32, #tpu.memory_space<vmem_shared>> -> memref<256xf32, #tpu.memory_space<vmem_shared>>
    %dma_start3A_316 = arith.constant 0 : i32
    %dma_start3A_317 = tpu.memref_slice %arg8[%dma_start3A_310, %dma_start3A_316] : memref<16x256xf32, #tpu.memory_space<vmem>> -> memref<1x256xf32, #tpu.memory_space<vmem>>
    %dma_start3A_318 = tpu.memref_squeeze %dma_start3A_317 : memref<1x256xf32, #tpu.memory_space<vmem>> -> memref<256xf32, #tpu.memory_space<vmem>>
    %dma_start3A_319 = tpu.memref_slice %arg10[%dma_start3A_309, %mul3A_308] : memref<16x4096xf32, #tpu.memory_space<vmem_shared>> -> memref<1x256xf32, #tpu.memory_space<vmem_shared>>
    %dma_start3A_320 = tpu.memref_squeeze %dma_start3A_319 : memref<1x256xf32, #tpu.memory_space<vmem_shared>> -> memref<256xf32, #tpu.memory_space<vmem_shared>>
    tpu.enqueue_dma source(%dma_start3A_320 : memref<256xf32, #tpu.memory_space<vmem_shared>>) target(%dma_start3A_318 : memref<256xf32, #tpu.memory_space<vmem>>) target_semaphore(%arg11 : memref<!tpu.dma_semaphore, #tpu.memory_space<semaphore_mem>>)
    %mul3A_321 = arith.constant 256 : i32
    %mul3A_322 = arith.muli %arg1, %mul3A_321 : i32
    %dma_start3A_323 = arith.constant 15 : i32
    %dma_start3A_324 = arith.constant 15 : i32
    %dma_start3A_325 = arith.constant 0 : i32
    %dma_start3A_326 = tpu.memref_slice %arg8[%dma_start3A_324, %dma_start3A_325] : memref<16x256xf32, #tpu.memory_space<vmem>> -> memref<1x256xf32, #tpu.memory_space<vmem>>
    %dma_start3A_327 = tpu.memref_squeeze %dma_start3A_326 : memref<1x256xf32, #tpu.memory_space<vmem>> -> memref<256xf32, #tpu.memory_space<vmem>>
    %dma_start3A_328 = tpu.memref_slice %arg10[%dma_start3A_323, %mul3A_322] : memref<16x4096xf32, #tpu.memory_space<vmem_shared>> -> memref<1x256xf32, #tpu.memory_space<vmem_shared>>
    %dma_start3A_329 = tpu.memref_squeeze %dma_start3A_328 : memref<1x256xf32, #tpu.memory_space<vmem_shared>> -> memref<256xf32, #tpu.memory_space<vmem_shared>>
    %dma_start3A_330 = arith.constant 0 : i32
    %dma_start3A_331 = tpu.memref_slice %arg8[%dma_start3A_324, %dma_start3A_330] : memref<16x256xf32, #tpu.memory_space<vmem>> -> memref<1x256xf32, #tpu.memory_space<vmem>>
    %dma_start3A_332 = tpu.memref_squeeze %dma_start3A_331 : memref<1x256xf32, #tpu.memory_space<vmem>> -> memref<256xf32, #tpu.memory_space<vmem>>
    %dma_start3A_333 = tpu.memref_slice %arg10[%dma_start3A_323, %mul3A_322] : memref<16x4096xf32, #tpu.memory_space<vmem_shared>> -> memref<1x256xf32, #tpu.memory_space<vmem_shared>>
    %dma_start3A_334 = tpu.memref_squeeze %dma_start3A_333 : memref<1x256xf32, #tpu.memory_space<vmem_shared>> -> memref<256xf32, #tpu.memory_space<vmem_shared>>
    tpu.enqueue_dma source(%dma_start3A_334 : memref<256xf32, #tpu.memory_space<vmem_shared>>) target(%dma_start3A_332 : memref<256xf32, #tpu.memory_space<vmem>>) target_semaphore(%arg11 : memref<!tpu.dma_semaphore, #tpu.memory_space<semaphore_mem>>)
    %dma_wait3A_335 = arith.constant 0 : i32
    %dma_wait3A_336 = arith.constant 0 : i32
    %dma_wait3A_337 = arith.constant 0 : i32
    %dma_wait3A_338 = tpu.memref_slice %arg8[%dma_wait3A_336, %dma_wait3A_337] : memref<16x256xf32, #tpu.memory_space<vmem>> -> memref<1x256xf32, #tpu.memory_space<vmem>>
    %dma_wait3A_339 = tpu.memref_squeeze %dma_wait3A_338 : memref<1x256xf32, #tpu.memory_space<vmem>> -> memref<256xf32, #tpu.memory_space<vmem>>
    %dma_wait3A_340 = tpu.memref_slice %arg10[%dma_wait3A_335, %mul3A_112] : memref<16x4096xf32, #tpu.memory_space<vmem_shared>> -> memref<1x256xf32, #tpu.memory_space<vmem_shared>>
    %dma_wait3A_341 = tpu.memref_squeeze %dma_wait3A_340 : memref<1x256xf32, #tpu.memory_space<vmem_shared>> -> memref<256xf32, #tpu.memory_space<vmem_shared>>
    %dma_wait3A_342 = arith.constant 0 : i32
    %dma_wait3A_343 = tpu.memref_slice %arg8[%dma_wait3A_336, %dma_wait3A_342] : memref<16x256xf32, #tpu.memory_space<vmem>> -> memref<1x256xf32, #tpu.memory_space<vmem>>
    %dma_wait3A_344 = tpu.memref_squeeze %dma_wait3A_343 : memref<1x256xf32, #tpu.memory_space<vmem>> -> memref<256xf32, #tpu.memory_space<vmem>>
    %dma_wait3A_345 = tpu.memref_slice %arg10[%dma_wait3A_335, %mul3A_112] : memref<16x4096xf32, #tpu.memory_space<vmem_shared>> -> memref<1x256xf32, #tpu.memory_space<vmem_shared>>
    %dma_wait3A_346 = tpu.memref_squeeze %dma_wait3A_345 : memref<1x256xf32, #tpu.memory_space<vmem_shared>> -> memref<256xf32, #tpu.memory_space<vmem_shared>>
    tpu.wait_dma2 semaphore(%arg11 : memref<!tpu.dma_semaphore, #tpu.memory_space<semaphore_mem>>) src(%dma_wait3A_346 : memref<256xf32, #tpu.memory_space<vmem_shared>>) dst(%dma_wait3A_344 : memref<256xf32, #tpu.memory_space<vmem>>)
    %dma_wait3A_347 = arith.constant 1 : i32
    %dma_wait3A_348 = arith.constant 1 : i32
    %dma_wait3A_349 = arith.constant 0 : i32
    %dma_wait3A_350 = tpu.memref_slice %arg8[%dma_wait3A_348, %dma_wait3A_349] : memref<16x256xf32, #tpu.memory_space<vmem>> -> memref<1x256xf32, #tpu.memory_space<vmem>>
    %dma_wait3A_351 = tpu.memref_squeeze %dma_wait3A_350 : memref<1x256xf32, #tpu.memory_space<vmem>> -> memref<256xf32, #tpu.memory_space<vmem>>
    %dma_wait3A_352 = tpu.memref_slice %arg10[%dma_wait3A_347, %mul3A_126] : memref<16x4096xf32, #tpu.memory_space<vmem_shared>> -> memref<1x256xf32, #tpu.memory_space<vmem_shared>>
    %dma_wait3A_353 = tpu.memref_squeeze %dma_wait3A_352 : memref<1x256xf32, #tpu.memory_space<vmem_shared>> -> memref<256xf32, #tpu.memory_space<vmem_shared>>
    %dma_wait3A_354 = arith.constant 0 : i32
    %dma_wait3A_355 = tpu.memref_slice %arg8[%dma_wait3A_348, %dma_wait3A_354] : memref<16x256xf32, #tpu.memory_space<vmem>> -> memref<1x256xf32, #tpu.memory_space<vmem>>
    %dma_wait3A_356 = tpu.memref_squeeze %dma_wait3A_355 : memref<1x256xf32, #tpu.memory_space<vmem>> -> memref<256xf32, #tpu.memory_space<vmem>>
    %dma_wait3A_357 = tpu.memref_slice %arg10[%dma_wait3A_347, %mul3A_126] : memref<16x4096xf32, #tpu.memory_space<vmem_shared>> -> memref<1x256xf32, #tpu.memory_space<vmem_shared>>
    %dma_wait3A_358 = tpu.memref_squeeze %dma_wait3A_357 : memref<1x256xf32, #tpu.memory_space<vmem_shared>> -> memref<256xf32, #tpu.memory_space<vmem_shared>>
    tpu.wait_dma2 semaphore(%arg11 : memref<!tpu.dma_semaphore, #tpu.memory_space<semaphore_mem>>) src(%dma_wait3A_358 : memref<256xf32, #tpu.memory_space<vmem_shared>>) dst(%dma_wait3A_356 : memref<256xf32, #tpu.memory_space<vmem>>)
    %dma_wait3A_359 = arith.constant 2 : i32
    %dma_wait3A_360 = arith.constant 2 : i32
    %dma_wait3A_361 = arith.constant 0 : i32
    %dma_wait3A_362 = tpu.memref_slice %arg8[%dma_wait3A_360, %dma_wait3A_361] : memref<16x256xf32, #tpu.memory_space<vmem>> -> memref<1x256xf32, #tpu.memory_space<vmem>>
    %dma_wait3A_363 = tpu.memref_squeeze %dma_wait3A_362 : memref<1x256xf32, #tpu.memory_space<vmem>> -> memref<256xf32, #tpu.memory_space<vmem>>
    %dma_wait3A_364 = tpu.memref_slice %arg10[%dma_wait3A_359, %mul3A_140] : memref<16x4096xf32, #tpu.memory_space<vmem_shared>> -> memref<1x256xf32, #tpu.memory_space<vmem_shared>>
    %dma_wait3A_365 = tpu.memref_squeeze %dma_wait3A_364 : memref<1x256xf32, #tpu.memory_space<vmem_shared>> -> memref<256xf32, #tpu.memory_space<vmem_shared>>
    %dma_wait3A_366 = arith.constant 0 : i32
    %dma_wait3A_367 = tpu.memref_slice %arg8[%dma_wait3A_360, %dma_wait3A_366] : memref<16x256xf32, #tpu.memory_space<vmem>> -> memref<1x256xf32, #tpu.memory_space<vmem>>
    %dma_wait3A_368 = tpu.memref_squeeze %dma_wait3A_367 : memref<1x256xf32, #tpu.memory_space<vmem>> -> memref<256xf32, #tpu.memory_space<vmem>>
    %dma_wait3A_369 = tpu.memref_slice %arg10[%dma_wait3A_359, %mul3A_140] : memref<16x4096xf32, #tpu.memory_space<vmem_shared>> -> memref<1x256xf32, #tpu.memory_space<vmem_shared>>
    %dma_wait3A_370 = tpu.memref_squeeze %dma_wait3A_369 : memref<1x256xf32, #tpu.memory_space<vmem_shared>> -> memref<256xf32, #tpu.memory_space<vmem_shared>>
    tpu.wait_dma2 semaphore(%arg11 : memref<!tpu.dma_semaphore, #tpu.memory_space<semaphore_mem>>) src(%dma_wait3A_370 : memref<256xf32, #tpu.memory_space<vmem_shared>>) dst(%dma_wait3A_368 : memref<256xf32, #tpu.memory_space<vmem>>)
    %dma_wait3A_371 = arith.constant 3 : i32
    %dma_wait3A_372 = arith.constant 3 : i32
    %dma_wait3A_373 = arith.constant 0 : i32
    %dma_wait3A_374 = tpu.memref_slice %arg8[%dma_wait3A_372, %dma_wait3A_373] : memref<16x256xf32, #tpu.memory_space<vmem>> -> memref<1x256xf32, #tpu.memory_space<vmem>>
    %dma_wait3A_375 = tpu.memref_squeeze %dma_wait3A_374 : memref<1x256xf32, #tpu.memory_space<vmem>> -> memref<256xf32, #tpu.memory_space<vmem>>
    %dma_wait3A_376 = tpu.memref_slice %arg10[%dma_wait3A_371, %mul3A_154] : memref<16x4096xf32, #tpu.memory_space<vmem_shared>> -> memref<1x256xf32, #tpu.memory_space<vmem_shared>>
    %dma_wait3A_377 = tpu.memref_squeeze %dma_wait3A_376 : memref<1x256xf32, #tpu.memory_space<vmem_shared>> -> memref<256xf32, #tpu.memory_space<vmem_shared>>
    %dma_wait3A_378 = arith.constant 0 : i32
    %dma_wait3A_379 = tpu.memref_slice %arg8[%dma_wait3A_372, %dma_wait3A_378] : memref<16x256xf32, #tpu.memory_space<vmem>> -> memref<1x256xf32, #tpu.memory_space<vmem>>
    %dma_wait3A_380 = tpu.memref_squeeze %dma_wait3A_379 : memref<1x256xf32, #tpu.memory_space<vmem>> -> memref<256xf32, #tpu.memory_space<vmem>>
    %dma_wait3A_381 = tpu.memref_slice %arg10[%dma_wait3A_371, %mul3A_154] : memref<16x4096xf32, #tpu.memory_space<vmem_shared>> -> memref<1x256xf32, #tpu.memory_space<vmem_shared>>
    %dma_wait3A_382 = tpu.memref_squeeze %dma_wait3A_381 : memref<1x256xf32, #tpu.memory_space<vmem_shared>> -> memref<256xf32, #tpu.memory_space<vmem_shared>>
    tpu.wait_dma2 semaphore(%arg11 : memref<!tpu.dma_semaphore, #tpu.memory_space<semaphore_mem>>) src(%dma_wait3A_382 : memref<256xf32, #tpu.memory_space<vmem_shared>>) dst(%dma_wait3A_380 : memref<256xf32, #tpu.memory_space<vmem>>)
    %dma_wait3A_383 = arith.constant 4 : i32
    %dma_wait3A_384 = arith.constant 4 : i32
    %dma_wait3A_385 = arith.constant 0 : i32
    %dma_wait3A_386 = tpu.memref_slice %arg8[%dma_wait3A_384, %dma_wait3A_385] : memref<16x256xf32, #tpu.memory_space<vmem>> -> memref<1x256xf32, #tpu.memory_space<vmem>>
    %dma_wait3A_387 = tpu.memref_squeeze %dma_wait3A_386 : memref<1x256xf32, #tpu.memory_space<vmem>> -> memref<256xf32, #tpu.memory_space<vmem>>
    %dma_wait3A_388 = tpu.memref_slice %arg10[%dma_wait3A_383, %mul3A_168] : memref<16x4096xf32, #tpu.memory_space<vmem_shared>> -> memref<1x256xf32, #tpu.memory_space<vmem_shared>>
    %dma_wait3A_389 = tpu.memref_squeeze %dma_wait3A_388 : memref<1x256xf32, #tpu.memory_space<vmem_shared>> -> memref<256xf32, #tpu.memory_space<vmem_shared>>
    %dma_wait3A_390 = arith.constant 0 : i32
    %dma_wait3A_391 = tpu.memref_slice %arg8[%dma_wait3A_384, %dma_wait3A_390] : memref<16x256xf32, #tpu.memory_space<vmem>> -> memref<1x256xf32, #tpu.memory_space<vmem>>
    %dma_wait3A_392 = tpu.memref_squeeze %dma_wait3A_391 : memref<1x256xf32, #tpu.memory_space<vmem>> -> memref<256xf32, #tpu.memory_space<vmem>>
    %dma_wait3A_393 = tpu.memref_slice %arg10[%dma_wait3A_383, %mul3A_168] : memref<16x4096xf32, #tpu.memory_space<vmem_shared>> -> memref<1x256xf32, #tpu.memory_space<vmem_shared>>
    %dma_wait3A_394 = tpu.memref_squeeze %dma_wait3A_393 : memref<1x256xf32, #tpu.memory_space<vmem_shared>> -> memref<256xf32, #tpu.memory_space<vmem_shared>>
    tpu.wait_dma2 semaphore(%arg11 : memref<!tpu.dma_semaphore, #tpu.memory_space<semaphore_mem>>) src(%dma_wait3A_394 : memref<256xf32, #tpu.memory_space<vmem_shared>>) dst(%dma_wait3A_392 : memref<256xf32, #tpu.memory_space<vmem>>)
    %dma_wait3A_395 = arith.constant 5 : i32
    %dma_wait3A_396 = arith.constant 5 : i32
    %dma_wait3A_397 = arith.constant 0 : i32
    %dma_wait3A_398 = tpu.memref_slice %arg8[%dma_wait3A_396, %dma_wait3A_397] : memref<16x256xf32, #tpu.memory_space<vmem>> -> memref<1x256xf32, #tpu.memory_space<vmem>>
    %dma_wait3A_399 = tpu.memref_squeeze %dma_wait3A_398 : memref<1x256xf32, #tpu.memory_space<vmem>> -> memref<256xf32, #tpu.memory_space<vmem>>
    %dma_wait3A_400 = tpu.memref_slice %arg10[%dma_wait3A_395, %mul3A_182] : memref<16x4096xf32, #tpu.memory_space<vmem_shared>> -> memref<1x256xf32, #tpu.memory_space<vmem_shared>>
    %dma_wait3A_401 = tpu.memref_squeeze %dma_wait3A_400 : memref<1x256xf32, #tpu.memory_space<vmem_shared>> -> memref<256xf32, #tpu.memory_space<vmem_shared>>
    %dma_wait3A_402 = arith.constant 0 : i32
    %dma_wait3A_403 = tpu.memref_slice %arg8[%dma_wait3A_396, %dma_wait3A_402] : memref<16x256xf32, #tpu.memory_space<vmem>> -> memref<1x256xf32, #tpu.memory_space<vmem>>
    %dma_wait3A_404 = tpu.memref_squeeze %dma_wait3A_403 : memref<1x256xf32, #tpu.memory_space<vmem>> -> memref<256xf32, #tpu.memory_space<vmem>>
    %dma_wait3A_405 = tpu.memref_slice %arg10[%dma_wait3A_395, %mul3A_182] : memref<16x4096xf32, #tpu.memory_space<vmem_shared>> -> memref<1x256xf32, #tpu.memory_space<vmem_shared>>
    %dma_wait3A_406 = tpu.memref_squeeze %dma_wait3A_405 : memref<1x256xf32, #tpu.memory_space<vmem_shared>> -> memref<256xf32, #tpu.memory_space<vmem_shared>>
    tpu.wait_dma2 semaphore(%arg11 : memref<!tpu.dma_semaphore, #tpu.memory_space<semaphore_mem>>) src(%dma_wait3A_406 : memref<256xf32, #tpu.memory_space<vmem_shared>>) dst(%dma_wait3A_404 : memref<256xf32, #tpu.memory_space<vmem>>)
    %dma_wait3A_407 = arith.constant 6 : i32
    %dma_wait3A_408 = arith.constant 6 : i32
    %dma_wait3A_409 = arith.constant 0 : i32
    %dma_wait3A_410 = tpu.memref_slice %arg8[%dma_wait3A_408, %dma_wait3A_409] : memref<16x256xf32, #tpu.memory_space<vmem>> -> memref<1x256xf32, #tpu.memory_space<vmem>>
    %dma_wait3A_411 = tpu.memref_squeeze %dma_wait3A_410 : memref<1x256xf32, #tpu.memory_space<vmem>> -> memref<256xf32, #tpu.memory_space<vmem>>
    %dma_wait3A_412 = tpu.memref_slice %arg10[%dma_wait3A_407, %mul3A_196] : memref<16x4096xf32, #tpu.memory_space<vmem_shared>> -> memref<1x256xf32, #tpu.memory_space<vmem_shared>>
    %dma_wait3A_413 = tpu.memref_squeeze %dma_wait3A_412 : memref<1x256xf32, #tpu.memory_space<vmem_shared>> -> memref<256xf32, #tpu.memory_space<vmem_shared>>
    %dma_wait3A_414 = arith.constant 0 : i32
    %dma_wait3A_415 = tpu.memref_slice %arg8[%dma_wait3A_408, %dma_wait3A_414] : memref<16x256xf32, #tpu.memory_space<vmem>> -> memref<1x256xf32, #tpu.memory_space<vmem>>
    %dma_wait3A_416 = tpu.memref_squeeze %dma_wait3A_415 : memref<1x256xf32, #tpu.memory_space<vmem>> -> memref<256xf32, #tpu.memory_space<vmem>>
    %dma_wait3A_417 = tpu.memref_slice %arg10[%dma_wait3A_407, %mul3A_196] : memref<16x4096xf32, #tpu.memory_space<vmem_shared>> -> memref<1x256xf32, #tpu.memory_space<vmem_shared>>
    %dma_wait3A_418 = tpu.memref_squeeze %dma_wait3A_417 : memref<1x256xf32, #tpu.memory_space<vmem_shared>> -> memref<256xf32, #tpu.memory_space<vmem_shared>>
    tpu.wait_dma2 semaphore(%arg11 : memref<!tpu.dma_semaphore, #tpu.memory_space<semaphore_mem>>) src(%dma_wait3A_418 : memref<256xf32, #tpu.memory_space<vmem_shared>>) dst(%dma_wait3A_416 : memref<256xf32, #tpu.memory_space<vmem>>)
    %dma_wait3A_419 = arith.constant 7 : i32
    %dma_wait3A_420 = arith.constant 7 : i32
    %dma_wait3A_421 = arith.constant 0 : i32
    %dma_wait3A_422 = tpu.memref_slice %arg8[%dma_wait3A_420, %dma_wait3A_421] : memref<16x256xf32, #tpu.memory_space<vmem>> -> memref<1x256xf32, #tpu.memory_space<vmem>>
    %dma_wait3A_423 = tpu.memref_squeeze %dma_wait3A_422 : memref<1x256xf32, #tpu.memory_space<vmem>> -> memref<256xf32, #tpu.memory_space<vmem>>
    %dma_wait3A_424 = tpu.memref_slice %arg10[%dma_wait3A_419, %mul3A_210] : memref<16x4096xf32, #tpu.memory_space<vmem_shared>> -> memref<1x256xf32, #tpu.memory_space<vmem_shared>>
    %dma_wait3A_425 = tpu.memref_squeeze %dma_wait3A_424 : memref<1x256xf32, #tpu.memory_space<vmem_shared>> -> memref<256xf32, #tpu.memory_space<vmem_shared>>
    %dma_wait3A_426 = arith.constant 0 : i32
    %dma_wait3A_427 = tpu.memref_slice %arg8[%dma_wait3A_420, %dma_wait3A_426] : memref<16x256xf32, #tpu.memory_space<vmem>> -> memref<1x256xf32, #tpu.memory_space<vmem>>
    %dma_wait3A_428 = tpu.memref_squeeze %dma_wait3A_427 : memref<1x256xf32, #tpu.memory_space<vmem>> -> memref<256xf32, #tpu.memory_space<vmem>>
    %dma_wait3A_429 = tpu.memref_slice %arg10[%dma_wait3A_419, %mul3A_210] : memref<16x4096xf32, #tpu.memory_space<vmem_shared>> -> memref<1x256xf32, #tpu.memory_space<vmem_shared>>
    %dma_wait3A_430 = tpu.memref_squeeze %dma_wait3A_429 : memref<1x256xf32, #tpu.memory_space<vmem_shared>> -> memref<256xf32, #tpu.memory_space<vmem_shared>>
    tpu.wait_dma2 semaphore(%arg11 : memref<!tpu.dma_semaphore, #tpu.memory_space<semaphore_mem>>) src(%dma_wait3A_430 : memref<256xf32, #tpu.memory_space<vmem_shared>>) dst(%dma_wait3A_428 : memref<256xf32, #tpu.memory_space<vmem>>)
    %dma_wait3A_431 = arith.constant 8 : i32
    %dma_wait3A_432 = arith.constant 8 : i32
    %dma_wait3A_433 = arith.constant 0 : i32
    %dma_wait3A_434 = tpu.memref_slice %arg8[%dma_wait3A_432, %dma_wait3A_433] : memref<16x256xf32, #tpu.memory_space<vmem>> -> memref<1x256xf32, #tpu.memory_space<vmem>>
    %dma_wait3A_435 = tpu.memref_squeeze %dma_wait3A_434 : memref<1x256xf32, #tpu.memory_space<vmem>> -> memref<256xf32, #tpu.memory_space<vmem>>
    %dma_wait3A_436 = tpu.memref_slice %arg10[%dma_wait3A_431, %mul3A_224] : memref<16x4096xf32, #tpu.memory_space<vmem_shared>> -> memref<1x256xf32, #tpu.memory_space<vmem_shared>>
    %dma_wait3A_437 = tpu.memref_squeeze %dma_wait3A_436 : memref<1x256xf32, #tpu.memory_space<vmem_shared>> -> memref<256xf32, #tpu.memory_space<vmem_shared>>
    %dma_wait3A_438 = arith.constant 0 : i32
    %dma_wait3A_439 = tpu.memref_slice %arg8[%dma_wait3A_432, %dma_wait3A_438] : memref<16x256xf32, #tpu.memory_space<vmem>> -> memref<1x256xf32, #tpu.memory_space<vmem>>
    %dma_wait3A_440 = tpu.memref_squeeze %dma_wait3A_439 : memref<1x256xf32, #tpu.memory_space<vmem>> -> memref<256xf32, #tpu.memory_space<vmem>>
    %dma_wait3A_441 = tpu.memref_slice %arg10[%dma_wait3A_431, %mul3A_224] : memref<16x4096xf32, #tpu.memory_space<vmem_shared>> -> memref<1x256xf32, #tpu.memory_space<vmem_shared>>
    %dma_wait3A_442 = tpu.memref_squeeze %dma_wait3A_441 : memref<1x256xf32, #tpu.memory_space<vmem_shared>> -> memref<256xf32, #tpu.memory_space<vmem_shared>>
    tpu.wait_dma2 semaphore(%arg11 : memref<!tpu.dma_semaphore, #tpu.memory_space<semaphore_mem>>) src(%dma_wait3A_442 : memref<256xf32, #tpu.memory_space<vmem_shared>>) dst(%dma_wait3A_440 : memref<256xf32, #tpu.memory_space<vmem>>)
    %dma_wait3A_443 = arith.constant 9 : i32
    %dma_wait3A_444 = arith.constant 9 : i32
    %dma_wait3A_445 = arith.constant 0 : i32
    %dma_wait3A_446 = tpu.memref_slice %arg8[%dma_wait3A_444, %dma_wait3A_445] : memref<16x256xf32, #tpu.memory_space<vmem>> -> memref<1x256xf32, #tpu.memory_space<vmem>>
    %dma_wait3A_447 = tpu.memref_squeeze %dma_wait3A_446 : memref<1x256xf32, #tpu.memory_space<vmem>> -> memref<256xf32, #tpu.memory_space<vmem>>
    %dma_wait3A_448 = tpu.memref_slice %arg10[%dma_wait3A_443, %mul3A_238] : memref<16x4096xf32, #tpu.memory_space<vmem_shared>> -> memref<1x256xf32, #tpu.memory_space<vmem_shared>>
    %dma_wait3A_449 = tpu.memref_squeeze %dma_wait3A_448 : memref<1x256xf32, #tpu.memory_space<vmem_shared>> -> memref<256xf32, #tpu.memory_space<vmem_shared>>
    %dma_wait3A_450 = arith.constant 0 : i32
    %dma_wait3A_451 = tpu.memref_slice %arg8[%dma_wait3A_444, %dma_wait3A_450] : memref<16x256xf32, #tpu.memory_space<vmem>> -> memref<1x256xf32, #tpu.memory_space<vmem>>
    %dma_wait3A_452 = tpu.memref_squeeze %dma_wait3A_451 : memref<1x256xf32, #tpu.memory_space<vmem>> -> memref<256xf32, #tpu.memory_space<vmem>>
    %dma_wait3A_453 = tpu.memref_slice %arg10[%dma_wait3A_443, %mul3A_238] : memref<16x4096xf32, #tpu.memory_space<vmem_shared>> -> memref<1x256xf32, #tpu.memory_space<vmem_shared>>
    %dma_wait3A_454 = tpu.memref_squeeze %dma_wait3A_453 : memref<1x256xf32, #tpu.memory_space<vmem_shared>> -> memref<256xf32, #tpu.memory_space<vmem_shared>>
    tpu.wait_dma2 semaphore(%arg11 : memref<!tpu.dma_semaphore, #tpu.memory_space<semaphore_mem>>) src(%dma_wait3A_454 : memref<256xf32, #tpu.memory_space<vmem_shared>>) dst(%dma_wait3A_452 : memref<256xf32, #tpu.memory_space<vmem>>)
    %dma_wait3A_455 = arith.constant 10 : i32
    %dma_wait3A_456 = arith.constant 10 : i32
    %dma_wait3A_457 = arith.constant 0 : i32
    %dma_wait3A_458 = tpu.memref_slice %arg8[%dma_wait3A_456, %dma_wait3A_457] : memref<16x256xf32, #tpu.memory_space<vmem>> -> memref<1x256xf32, #tpu.memory_space<vmem>>
    %dma_wait3A_459 = tpu.memref_squeeze %dma_wait3A_458 : memref<1x256xf32, #tpu.memory_space<vmem>> -> memref<256xf32, #tpu.memory_space<vmem>>
    %dma_wait3A_460 = tpu.memref_slice %arg10[%dma_wait3A_455, %mul3A_252] : memref<16x4096xf32, #tpu.memory_space<vmem_shared>> -> memref<1x256xf32, #tpu.memory_space<vmem_shared>>
    %dma_wait3A_461 = tpu.memref_squeeze %dma_wait3A_460 : memref<1x256xf32, #tpu.memory_space<vmem_shared>> -> memref<256xf32, #tpu.memory_space<vmem_shared>>
    %dma_wait3A_462 = arith.constant 0 : i32
    %dma_wait3A_463 = tpu.memref_slice %arg8[%dma_wait3A_456, %dma_wait3A_462] : memref<16x256xf32, #tpu.memory_space<vmem>> -> memref<1x256xf32, #tpu.memory_space<vmem>>
    %dma_wait3A_464 = tpu.memref_squeeze %dma_wait3A_463 : memref<1x256xf32, #tpu.memory_space<vmem>> -> memref<256xf32, #tpu.memory_space<vmem>>
    %dma_wait3A_465 = tpu.memref_slice %arg10[%dma_wait3A_455, %mul3A_252] : memref<16x4096xf32, #tpu.memory_space<vmem_shared>> -> memref<1x256xf32, #tpu.memory_space<vmem_shared>>
    %dma_wait3A_466 = tpu.memref_squeeze %dma_wait3A_465 : memref<1x256xf32, #tpu.memory_space<vmem_shared>> -> memref<256xf32, #tpu.memory_space<vmem_shared>>
    tpu.wait_dma2 semaphore(%arg11 : memref<!tpu.dma_semaphore, #tpu.memory_space<semaphore_mem>>) src(%dma_wait3A_466 : memref<256xf32, #tpu.memory_space<vmem_shared>>) dst(%dma_wait3A_464 : memref<256xf32, #tpu.memory_space<vmem>>)
    %dma_wait3A_467 = arith.constant 11 : i32
    %dma_wait3A_468 = arith.constant 11 : i32
    %dma_wait3A_469 = arith.constant 0 : i32
    %dma_wait3A_470 = tpu.memref_slice %arg8[%dma_wait3A_468, %dma_wait3A_469] : memref<16x256xf32, #tpu.memory_space<vmem>> -> memref<1x256xf32, #tpu.memory_space<vmem>>
    %dma_wait3A_471 = tpu.memref_squeeze %dma_wait3A_470 : memref<1x256xf32, #tpu.memory_space<vmem>> -> memref<256xf32, #tpu.memory_space<vmem>>
    %dma_wait3A_472 = tpu.memref_slice %arg10[%dma_wait3A_467, %mul3A_266] : memref<16x4096xf32, #tpu.memory_space<vmem_shared>> -> memref<1x256xf32, #tpu.memory_space<vmem_shared>>
    %dma_wait3A_473 = tpu.memref_squeeze %dma_wait3A_472 : memref<1x256xf32, #tpu.memory_space<vmem_shared>> -> memref<256xf32, #tpu.memory_space<vmem_shared>>
    %dma_wait3A_474 = arith.constant 0 : i32
    %dma_wait3A_475 = tpu.memref_slice %arg8[%dma_wait3A_468, %dma_wait3A_474] : memref<16x256xf32, #tpu.memory_space<vmem>> -> memref<1x256xf32, #tpu.memory_space<vmem>>
    %dma_wait3A_476 = tpu.memref_squeeze %dma_wait3A_475 : memref<1x256xf32, #tpu.memory_space<vmem>> -> memref<256xf32, #tpu.memory_space<vmem>>
    %dma_wait3A_477 = tpu.memref_slice %arg10[%dma_wait3A_467, %mul3A_266] : memref<16x4096xf32, #tpu.memory_space<vmem_shared>> -> memref<1x256xf32, #tpu.memory_space<vmem_shared>>
    %dma_wait3A_478 = tpu.memref_squeeze %dma_wait3A_477 : memref<1x256xf32, #tpu.memory_space<vmem_shared>> -> memref<256xf32, #tpu.memory_space<vmem_shared>>
    tpu.wait_dma2 semaphore(%arg11 : memref<!tpu.dma_semaphore, #tpu.memory_space<semaphore_mem>>) src(%dma_wait3A_478 : memref<256xf32, #tpu.memory_space<vmem_shared>>) dst(%dma_wait3A_476 : memref<256xf32, #tpu.memory_space<vmem>>)
    %dma_wait3A_479 = arith.constant 12 : i32
    %dma_wait3A_480 = arith.constant 12 : i32
    %dma_wait3A_481 = arith.constant 0 : i32
    %dma_wait3A_482 = tpu.memref_slice %arg8[%dma_wait3A_480, %dma_wait3A_481] : memref<16x256xf32, #tpu.memory_space<vmem>> -> memref<1x256xf32, #tpu.memory_space<vmem>>
    %dma_wait3A_483 = tpu.memref_squeeze %dma_wait3A_482 : memref<1x256xf32, #tpu.memory_space<vmem>> -> memref<256xf32, #tpu.memory_space<vmem>>
    %dma_wait3A_484 = tpu.memref_slice %arg10[%dma_wait3A_479, %mul3A_280] : memref<16x4096xf32, #tpu.memory_space<vmem_shared>> -> memref<1x256xf32, #tpu.memory_space<vmem_shared>>
    %dma_wait3A_485 = tpu.memref_squeeze %dma_wait3A_484 : memref<1x256xf32, #tpu.memory_space<vmem_shared>> -> memref<256xf32, #tpu.memory_space<vmem_shared>>
    %dma_wait3A_486 = arith.constant 0 : i32
    %dma_wait3A_487 = tpu.memref_slice %arg8[%dma_wait3A_480, %dma_wait3A_486] : memref<16x256xf32, #tpu.memory_space<vmem>> -> memref<1x256xf32, #tpu.memory_space<vmem>>
    %dma_wait3A_488 = tpu.memref_squeeze %dma_wait3A_487 : memref<1x256xf32, #tpu.memory_space<vmem>> -> memref<256xf32, #tpu.memory_space<vmem>>
    %dma_wait3A_489 = tpu.memref_slice %arg10[%dma_wait3A_479, %mul3A_280] : memref<16x4096xf32, #tpu.memory_space<vmem_shared>> -> memref<1x256xf32, #tpu.memory_space<vmem_shared>>
    %dma_wait3A_490 = tpu.memref_squeeze %dma_wait3A_489 : memref<1x256xf32, #tpu.memory_space<vmem_shared>> -> memref<256xf32, #tpu.memory_space<vmem_shared>>
    tpu.wait_dma2 semaphore(%arg11 : memref<!tpu.dma_semaphore, #tpu.memory_space<semaphore_mem>>) src(%dma_wait3A_490 : memref<256xf32, #tpu.memory_space<vmem_shared>>) dst(%dma_wait3A_488 : memref<256xf32, #tpu.memory_space<vmem>>)
    %dma_wait3A_491 = arith.constant 13 : i32
    %dma_wait3A_492 = arith.constant 13 : i32
    %dma_wait3A_493 = arith.constant 0 : i32
    %dma_wait3A_494 = tpu.memref_slice %arg8[%dma_wait3A_492, %dma_wait3A_493] : memref<16x256xf32, #tpu.memory_space<vmem>> -> memref<1x256xf32, #tpu.memory_space<vmem>>
    %dma_wait3A_495 = tpu.memref_squeeze %dma_wait3A_494 : memref<1x256xf32, #tpu.memory_space<vmem>> -> memref<256xf32, #tpu.memory_space<vmem>>
    %dma_wait3A_496 = tpu.memref_slice %arg10[%dma_wait3A_491, %mul3A_294] : memref<16x4096xf32, #tpu.memory_space<vmem_shared>> -> memref<1x256xf32, #tpu.memory_space<vmem_shared>>
    %dma_wait3A_497 = tpu.memref_squeeze %dma_wait3A_496 : memref<1x256xf32, #tpu.memory_space<vmem_shared>> -> memref<256xf32, #tpu.memory_space<vmem_shared>>
    %dma_wait3A_498 = arith.constant 0 : i32
    %dma_wait3A_499 = tpu.memref_slice %arg8[%dma_wait3A_492, %dma_wait3A_498] : memref<16x256xf32, #tpu.memory_space<vmem>> -> memref<1x256xf32, #tpu.memory_space<vmem>>
    %dma_wait3A_500 = tpu.memref_squeeze %dma_wait3A_499 : memref<1x256xf32, #tpu.memory_space<vmem>> -> memref<256xf32, #tpu.memory_space<vmem>>
    %dma_wait3A_501 = tpu.memref_slice %arg10[%dma_wait3A_491, %mul3A_294] : memref<16x4096xf32, #tpu.memory_space<vmem_shared>> -> memref<1x256xf32, #tpu.memory_space<vmem_shared>>
    %dma_wait3A_502 = tpu.memref_squeeze %dma_wait3A_501 : memref<1x256xf32, #tpu.memory_space<vmem_shared>> -> memref<256xf32, #tpu.memory_space<vmem_shared>>
    tpu.wait_dma2 semaphore(%arg11 : memref<!tpu.dma_semaphore, #tpu.memory_space<semaphore_mem>>) src(%dma_wait3A_502 : memref<256xf32, #tpu.memory_space<vmem_shared>>) dst(%dma_wait3A_500 : memref<256xf32, #tpu.memory_space<vmem>>)
    %dma_wait3A_503 = arith.constant 14 : i32
    %dma_wait3A_504 = arith.constant 14 : i32
    %dma_wait3A_505 = arith.constant 0 : i32
    %dma_wait3A_506 = tpu.memref_slice %arg8[%dma_wait3A_504, %dma_wait3A_505] : memref<16x256xf32, #tpu.memory_space<vmem>> -> memref<1x256xf32, #tpu.memory_space<vmem>>
    %dma_wait3A_507 = tpu.memref_squeeze %dma_wait3A_506 : memref<1x256xf32, #tpu.memory_space<vmem>> -> memref<256xf32, #tpu.memory_space<vmem>>
    %dma_wait3A_508 = tpu.memref_slice %arg10[%dma_wait3A_503, %mul3A_308] : memref<16x4096xf32, #tpu.memory_space<vmem_shared>> -> memref<1x256xf32, #tpu.memory_space<vmem_shared>>
    %dma_wait3A_509 = tpu.memref_squeeze %dma_wait3A_508 : memref<1x256xf32, #tpu.memory_space<vmem_shared>> -> memref<256xf32, #tpu.memory_space<vmem_shared>>
    %dma_wait3A_510 = arith.constant 0 : i32
    %dma_wait3A_511 = tpu.memref_slice %arg8[%dma_wait3A_504, %dma_wait3A_510] : memref<16x256xf32, #tpu.memory_space<vmem>> -> memref<1x256xf32, #tpu.memory_space<vmem>>
    %dma_wait3A_512 = tpu.memref_squeeze %dma_wait3A_511 : memref<1x256xf32, #tpu.memory_space<vmem>> -> memref<256xf32, #tpu.memory_space<vmem>>
    %dma_wait3A_513 = tpu.memref_slice %arg10[%dma_wait3A_503, %mul3A_308] : memref<16x4096xf32, #tpu.memory_space<vmem_shared>> -> memref<1x256xf32, #tpu.memory_space<vmem_shared>>
    %dma_wait3A_514 = tpu.memref_squeeze %dma_wait3A_513 : memref<1x256xf32, #tpu.memory_space<vmem_shared>> -> memref<256xf32, #tpu.memory_space<vmem_shared>>
    tpu.wait_dma2 semaphore(%arg11 : memref<!tpu.dma_semaphore, #tpu.memory_space<semaphore_mem>>) src(%dma_wait3A_514 : memref<256xf32, #tpu.memory_space<vmem_shared>>) dst(%dma_wait3A_512 : memref<256xf32, #tpu.memory_space<vmem>>)
    %dma_wait3A_515 = arith.constant 15 : i32
    %dma_wait3A_516 = arith.constant 15 : i32
    %dma_wait3A_517 = arith.constant 0 : i32
    %dma_wait3A_518 = tpu.memref_slice %arg8[%dma_wait3A_516, %dma_wait3A_517] : memref<16x256xf32, #tpu.memory_space<vmem>> -> memref<1x256xf32, #tpu.memory_space<vmem>>
    %dma_wait3A_519 = tpu.memref_squeeze %dma_wait3A_518 : memref<1x256xf32, #tpu.memory_space<vmem>> -> memref<256xf32, #tpu.memory_space<vmem>>
    %dma_wait3A_520 = tpu.memref_slice %arg10[%dma_wait3A_515, %mul3A_322] : memref<16x4096xf32, #tpu.memory_space<vmem_shared>> -> memref<1x256xf32, #tpu.memory_space<vmem_shared>>
    %dma_wait3A_521 = tpu.memref_squeeze %dma_wait3A_520 : memref<1x256xf32, #tpu.memory_space<vmem_shared>> -> memref<256xf32, #tpu.memory_space<vmem_shared>>
    %dma_wait3A_522 = arith.constant 0 : i32
    %dma_wait3A_523 = tpu.memref_slice %arg8[%dma_wait3A_516, %dma_wait3A_522] : memref<16x256xf32, #tpu.memory_space<vmem>> -> memref<1x256xf32, #tpu.memory_space<vmem>>
    %dma_wait3A_524 = tpu.memref_squeeze %dma_wait3A_523 : memref<1x256xf32, #tpu.memory_space<vmem>> -> memref<256xf32, #tpu.memory_space<vmem>>
    %dma_wait3A_525 = tpu.memref_slice %arg10[%dma_wait3A_515, %mul3A_322] : memref<16x4096xf32, #tpu.memory_space<vmem_shared>> -> memref<1x256xf32, #tpu.memory_space<vmem_shared>>
    %dma_wait3A_526 = tpu.memref_squeeze %dma_wait3A_525 : memref<1x256xf32, #tpu.memory_space<vmem_shared>> -> memref<256xf32, #tpu.memory_space<vmem_shared>>
    tpu.wait_dma2 semaphore(%arg11 : memref<!tpu.dma_semaphore, #tpu.memory_space<semaphore_mem>>) src(%dma_wait3A_526 : memref<256xf32, #tpu.memory_space<vmem_shared>>) dst(%dma_wait3A_524 : memref<256xf32, #tpu.memory_space<vmem>>)
    %parallel_loop3A_527 = arith.constant 0 : i32
    %parallel_loop3A_528 = arith.constant 16 : i32
    %parallel_loop3A_529 = arith.constant 1 : i32
    scf.for %parallel_loop3A_532 = %parallel_loop3A_527 to %parallel_loop3A_528 step %parallel_loop3A_529  : i32 {
      %parallel_loop3A_533 = arith.constant 16 : i32
      %parallel_loop3A_534 = arith.muli %parallel_loop3A_532, %parallel_loop3A_533 : i32
      %parallel_loop3A_535 = arith.constant 0 : i32
      %parallel_loop3A_536 = arith.index_cast %parallel_loop3A_535 : i32 to index
      %parallel_loop3A_537 = arith.index_cast %parallel_loop3A_534 : i32 to index
      %parallel_loop3A_538 = tpu.vector_load %arg8[%parallel_loop3A_536, %parallel_loop3A_537] {strides = array<i32>} : memref<16x256xf32, #tpu.memory_space<vmem>>, vector<16xf32>,
      %parallel_loop3A_539 = arith.constant 1 : i32
      %parallel_loop3A_540 = arith.index_cast %parallel_loop3A_539 : i32 to index
      %parallel_loop3A_541 = arith.index_cast %parallel_loop3A_534 : i32 to index
      %parallel_loop3A_542 = tpu.vector_load %arg8[%parallel_loop3A_540, %parallel_loop3A_541] {strides = array<i32>} : memref<16x256xf32, #tpu.memory_space<vmem>>, vector<16xf32>,
      %parallel_loop3A_543 = arith.addf %parallel_loop3A_538, %parallel_loop3A_542 : vector<16xf32>
      %parallel_loop3A_544 = arith.constant 2 : i32
      %parallel_loop3A_545 = arith.index_cast %parallel_loop3A_544 : i32 to index
      %parallel_loop3A_546 = arith.index_cast %parallel_loop3A_534 : i32 to index
      %parallel_loop3A_547 = tpu.vector_load %arg8[%parallel_loop3A_545, %parallel_loop3A_546] {strides = array<i32>} : memref<16x256xf32, #tpu.memory_space<vmem>>, vector<16xf32>,
      %parallel_loop3A_548 = arith.addf %parallel_loop3A_543, %parallel_loop3A_547 : vector<16xf32>
      %parallel_loop3A_549 = arith.constant 3 : i32
      %parallel_loop3A_550 = arith.index_cast %parallel_loop3A_549 : i32 to index
      %parallel_loop3A_551 = arith.index_cast %parallel_loop3A_534 : i32 to index
      %parallel_loop3A_552 = tpu.vector_load %arg8[%parallel_loop3A_550, %parallel_loop3A_551] {strides = array<i32>} : memref<16x256xf32, #tpu.memory_space<vmem>>, vector<16xf32>,
      %parallel_loop3A_553 = arith.addf %parallel_loop3A_548, %parallel_loop3A_552 : vector<16xf32>
      %parallel_loop3A_554 = arith.constant 4 : i32
      %parallel_loop3A_555 = arith.index_cast %parallel_loop3A_554 : i32 to index
      %parallel_loop3A_556 = arith.index_cast %parallel_loop3A_534 : i32 to index
      %parallel_loop3A_557 = tpu.vector_load %arg8[%parallel_loop3A_555, %parallel_loop3A_556] {strides = array<i32>} : memref<16x256xf32, #tpu.memory_space<vmem>>, vector<16xf32>,
      %parallel_loop3A_558 = arith.addf %parallel_loop3A_553, %parallel_loop3A_557 : vector<16xf32>
      %parallel_loop3A_559 = arith.constant 5 : i32
      %parallel_loop3A_560 = arith.index_cast %parallel_loop3A_559 : i32 to index
      %parallel_loop3A_561 = arith.index_cast %parallel_loop3A_534 : i32 to index
      %parallel_loop3A_562 = tpu.vector_load %arg8[%parallel_loop3A_560, %parallel_loop3A_561] {strides = array<i32>} : memref<16x256xf32, #tpu.memory_space<vmem>>, vector<16xf32>,
      %parallel_loop3A_563 = arith.addf %parallel_loop3A_558, %parallel_loop3A_562 : vector<16xf32>
      %parallel_loop3A_564 = arith.constant 6 : i32
      %parallel_loop3A_565 = arith.index_cast %parallel_loop3A_564 : i32 to index
      %parallel_loop3A_566 = arith.index_cast %parallel_loop3A_534 : i32 to index
      %parallel_loop3A_567 = tpu.vector_load %arg8[%parallel_loop3A_565, %parallel_loop3A_566] {strides = array<i32>} : memref<16x256xf32, #tpu.memory_space<vmem>>, vector<16xf32>,
      %parallel_loop3A_568 = arith.addf %parallel_loop3A_563, %parallel_loop3A_567 : vector<16xf32>
      %parallel_loop3A_569 = arith.constant 7 : i32
      %parallel_loop3A_570 = arith.index_cast %parallel_loop3A_569 : i32 to index
      %parallel_loop3A_571 = arith.index_cast %parallel_loop3A_534 : i32 to index
      %parallel_loop3A_572 = tpu.vector_load %arg8[%parallel_loop3A_570, %parallel_loop3A_571] {strides = array<i32>} : memref<16x256xf32, #tpu.memory_space<vmem>>, vector<16xf32>,
      %parallel_loop3A_573 = arith.addf %parallel_loop3A_568, %parallel_loop3A_572 : vector<16xf32>
      %parallel_loop3A_574 = arith.constant 8 : i32
      %parallel_loop3A_575 = arith.index_cast %parallel_loop3A_574 : i32 to index
      %parallel_loop3A_576 = arith.index_cast %parallel_loop3A_534 : i32 to index
      %parallel_loop3A_577 = tpu.vector_load %arg8[%parallel_loop3A_575, %parallel_loop3A_576] {strides = array<i32>} : memref<16x256xf32, #tpu.memory_space<vmem>>, vector<16xf32>,
      %parallel_loop3A_578 = arith.addf %parallel_loop3A_573, %parallel_loop3A_577 : vector<16xf32>
      %parallel_loop3A_579 = arith.constant 9 : i32
      %parallel_loop3A_580 = arith.index_cast %parallel_loop3A_579 : i32 to index
      %parallel_loop3A_581 = arith.index_cast %parallel_loop3A_534 : i32 to index
      %parallel_loop3A_582 = tpu.vector_load %arg8[%parallel_loop3A_580, %parallel_loop3A_581] {strides = array<i32>} : memref<16x256xf32, #tpu.memory_space<vmem>>, vector<16xf32>,
      %parallel_loop3A_583 = arith.addf %parallel_loop3A_578, %parallel_loop3A_582 : vector<16xf32>
      %parallel_loop3A_584 = arith.constant 10 : i32
      %parallel_loop3A_585 = arith.index_cast %parallel_loop3A_584 : i32 to index
      %parallel_loop3A_586 = arith.index_cast %parallel_loop3A_534 : i32 to index
      %parallel_loop3A_587 = tpu.vector_load %arg8[%parallel_loop3A_585, %parallel_loop3A_586] {strides = array<i32>} : memref<16x256xf32, #tpu.memory_space<vmem>>, vector<16xf32>,
      %parallel_loop3A_588 = arith.addf %parallel_loop3A_583, %parallel_loop3A_587 : vector<16xf32>
      %parallel_loop3A_589 = arith.constant 11 : i32
      %parallel_loop3A_590 = arith.index_cast %parallel_loop3A_589 : i32 to index
      %parallel_loop3A_591 = arith.index_cast %parallel_loop3A_534 : i32 to index
      %parallel_loop3A_592 = tpu.vector_load %arg8[%parallel_loop3A_590, %parallel_loop3A_591] {strides = array<i32>} : memref<16x256xf32, #tpu.memory_space<vmem>>, vector<16xf32>,
      %parallel_loop3A_593 = arith.addf %parallel_loop3A_588, %parallel_loop3A_592 : vector<16xf32>
      %parallel_loop3A_594 = arith.constant 12 : i32
      %parallel_loop3A_595 = arith.index_cast %parallel_loop3A_594 : i32 to index
      %parallel_loop3A_596 = arith.index_cast %parallel_loop3A_534 : i32 to index
      %parallel_loop3A_597 = tpu.vector_load %arg8[%parallel_loop3A_595, %parallel_loop3A_596] {strides = array<i32>} : memref<16x256xf32, #tpu.memory_space<vmem>>, vector<16xf32>,
      %parallel_loop3A_598 = arith.addf %parallel_loop3A_593, %parallel_loop3A_597 : vector<16xf32>
      %parallel_loop3A_599 = arith.constant 13 : i32
      %parallel_loop3A_600 = arith.index_cast %parallel_loop3A_599 : i32 to index
      %parallel_loop3A_601 = arith.index_cast %parallel_loop3A_534 : i32 to index
      %parallel_loop3A_602 = tpu.vector_load %arg8[%parallel_loop3A_600, %parallel_loop3A_601] {strides = array<i32>} : memref<16x256xf32, #tpu.memory_space<vmem>>, vector<16xf32>,
      %parallel_loop3A_603 = arith.addf %parallel_loop3A_598, %parallel_loop3A_602 : vector<16xf32>
      %parallel_loop3A_604 = arith.constant 14 : i32
      %parallel_loop3A_605 = arith.index_cast %parallel_loop3A_604 : i32 to index
      %parallel_loop3A_606 = arith.index_cast %parallel_loop3A_534 : i32 to index
      %parallel_loop3A_607 = tpu.vector_load %arg8[%parallel_loop3A_605, %parallel_loop3A_606] {strides = array<i32>} : memref<16x256xf32, #tpu.memory_space<vmem>>, vector<16xf32>,
      %parallel_loop3A_608 = arith.addf %parallel_loop3A_603, %parallel_loop3A_607 : vector<16xf32>
      %parallel_loop3A_609 = arith.constant 15 : i32
      %parallel_loop3A_610 = arith.index_cast %parallel_loop3A_609 : i32 to index
      %parallel_loop3A_611 = arith.index_cast %parallel_loop3A_534 : i32 to index
      %parallel_loop3A_612 = tpu.vector_load %arg8[%parallel_loop3A_610, %parallel_loop3A_611] {strides = array<i32>} : memref<16x256xf32, #tpu.memory_space<vmem>>, vector<16xf32>,
      %parallel_loop3A_613 = arith.addf %parallel_loop3A_608, %parallel_loop3A_612 : vector<16xf32>
      %parallel_loop3A_614 = arith.index_cast %parallel_loop3A_534 : i32 to index
      %parallel_loop3A_615 = tpu.vector_load %arg9[%parallel_loop3A_614] {strides = array<i32>} : memref<256xf32, #tpu.memory_space<vmem>>, vector<16xf32>,
      tpu.vector_store %arg9[%parallel_loop3A_614], %parallel_loop3A_613 {strides = array<i32>} : memref<256xf32, #tpu.memory_space<vmem>>, vector<16xf32>,
    } {sc.loop_unroll_factor = 4 : i64, sc.parallel_access}
    %mul3A_530 = arith.constant 256 : i32
    %mul3A_531 = arith.muli %arg1, %mul3A_530 : i32
    "tpu.region"() ({
      %run_scoped3A = tpu.sem_alloc : memref<!tpu.dma_semaphore, #tpu.memory_space<semaphore_mem>>
      %dma_start3A_532 = tpu.memref_slice %arg3[%arg0, %mul3A_531] : memref<2x4096xf32, #tpu.memory_space<hbm>> -> memref<1x256xf32, #tpu.memory_space<hbm>>
      %dma_start3A_533 = tpu.memref_squeeze %dma_start3A_532 : memref<1x256xf32, #tpu.memory_space<hbm>> -> memref<256xf32, #tpu.memory_space<hbm>>
      %dma_start3A_534 = tpu.memref_slice %arg3[%arg0, %mul3A_531] : memref<2x4096xf32, #tpu.memory_space<hbm>> -> memref<1x256xf32, #tpu.memory_space<hbm>>
      %dma_start3A_535 = tpu.memref_squeeze %dma_start3A_534 : memref<1x256xf32, #tpu.memory_space<hbm>> -> memref<256xf32, #tpu.memory_space<hbm>>
      tpu.enqueue_dma source(%arg9 : memref<256xf32, #tpu.memory_space<vmem>>) target(%dma_start3A_535 : memref<256xf32, #tpu.memory_space<hbm>>) target_semaphore(%run_scoped3A : memref<!tpu.dma_semaphore, #tpu.memory_space<semaphore_mem>>)
      %dma_wait3A_536 = tpu.memref_slice %arg3[%arg0, %mul3A_531] : memref<2x4096xf32, #tpu.memory_space<hbm>> -> memref<1x256xf32, #tpu.memory_space<hbm>>
      %dma_wait3A_537 = tpu.memref_squeeze %dma_wait3A_536 : memref<1x256xf32, #tpu.memory_space<hbm>> -> memref<256xf32, #tpu.memory_space<hbm>>
      %dma_wait3A_538 = tpu.memref_slice %arg3[%arg0, %mul3A_531] : memref<2x4096xf32, #tpu.memory_space<hbm>> -> memref<1x256xf32, #tpu.memory_space<hbm>>
      %dma_wait3A_539 = tpu.memref_squeeze %dma_wait3A_538 : memref<1x256xf32, #tpu.memory_space<hbm>> -> memref<256xf32, #tpu.memory_space<hbm>>
      tpu.wait_dma2 semaphore(%run_scoped3A : memref<!tpu.dma_semaphore, #tpu.memory_space<semaphore_mem>>) src(%arg9 : memref<256xf32, #tpu.memory_space<vmem>>) dst(%dma_wait3A_539 : memref<256xf32, #tpu.memory_space<hbm>>)
      tpu.yield
    }) : () -> ()
    return
  }
}

</mosaic_0001>

<sc_bundles>
// kernel: kernel.4.cloned.1.call-start
scs
__scs_entry_jumppad:
0x0: {  	(pc) =	sbr.rel $0x88, $3  }
0x1: {  	(tag) =	ssettag $0x0;
	lr =	simm.s32 $0x1  }
0x2: {  	[smem:$0x3FA0] =	sst lr;
	_ =	strace $0xD0000000  }
0x3: {  	_ = 	snop  }
0x4: {  	_ = 	snop  }
0x5: {  	_ = 	snop  }
0x6: {  	_ = 	snop  }
0x7: {  	_ = 	snop  }
__scs_overlays_trampoline_lowered:
0x8: {  	[smem:$0x3FAF] =	sst s0  }
0x9: {  	[smem:$0x3FB0] =	sst s1  }
0xa: {  	[smem:$0x3FB1] =	sst s2  }
0xb: {  	[smem:$0x3FB2] =	sst s3  }
0xc: {  	[smem:$0x3FB3] =	sst s4  }
0xd: {  	[smem:$0x3FB4] =	sst s5  }
0xe: {  	[smem:$0x3FB5] =	sst s6  }
0xf: {  	[smem:$0x3FB6] =	sst s7  }
0x10: {  	[smem:$0x3FB7] =	sst s8  }
0x11: {  	[smem:$0x3FB8] =	sst s9;
	s0 =	simm.s32 @!p0 $0x0  }
0x12: {  	s1 =	sld [smem:$0x3F9E];
	s0 =	simm.s32 @p0 $0x1  }
0x13: {  	[smem:$0x3FB9] =	sst s0;
	s0 =	simm.s32 @!p1 $0x0  }
0x14: {  	s2 =	sld [smem:$0x3F9D];
	s0 =	simm.s32 @p1 $0x1  }
0x15: {  	[smem:$0x3FBA] =	sst s0;
	s0 =	simm.s32 @!p2 $0x0  }
0x16: {  	s3 =	sld [smem:$0x3FDB];
	s0 =	simm.s32 @p2 $0x1  }
0x17: {  	s4 =	simm.s32 $0x1BF5;
	[smem:$0x3FBC] =	sst s0  }
0x18: {  	s0 =	sld [smem:$0x3F9F];
	_ =	swait.ge [sflag:s4], $0x0  }
0x19: {  	s7 =	sld [smem:$0x3FA0]  }
0x1a: {  	s8 =	sadd.s32 $0xFFFFE003, lr  }
0x1b: {  	s9 =	sadd.s32 $0xFFFFFEF7, lr;
	s5 =	simm.s32 $0xFFFFFFFF;
	p2 =	slt.u32 s8, $0xFFFFF086  }
0x1c: {  	p1 =	slt.u32 s9, $0xF7A;
	s5 =	simm.s32 @!p2 $0x0  }
0x1d: {  	s5 =	simm.s32 @p1 $0x1;
	p0 =	seq.s32 s7, s2  }
0x1e: {  	s7 =	smul.u32 @!p0 $0xF7A, s2;
	p2 =	seq.s32 @!p0 s5, $0x0  }
0x1f: {  	s9 =	smul.u32 $0xF7A, s1;
	s8 =	simm.s32 @!p0 $0x1BF5;
	p2 =	por !p2, p0  }
0x20: {  	[sflag:s8] =	ssyncset.s32 @!p0 $0xFFFFF086;
	s6 =	sadd.s32 @!p0 s3, s7;
	s7 =	simm.s32 @!p0 $0x108  }
0x21: {  	s3 =	sadd.s32 s3, s9;
	s6 =	sadd.s32 @!p0 $0x88, s6;
	s7 =	simm.s32 @p2 $0x1082  }
0x22: {  	[simem:s7], [sflag:s8] =	dma.local @!p0 [hbm:s6], $0xF7A  }
0x23: {  	s9 =	sor.u32 $0xD0000000, s2;
	s6 =	simm.s32 $0x108;
	_ =	swait.ge @!p0 [sflag:s8], $0x0  }
0x24: {  	s3 =	sadd.s32 $0x88, s3;
	s6 =	simm.s32 @!p1 $0x1082;
	[sflag:s4] =	ssyncset.s32 $0xFFFFF086  }
0x25: {  	[simem:s6], [sflag:s4] =	dma.local [hbm:s3], $0xF7A  }
0x26: {  	[smem:$0x3FA0] =	sst s1;
	(tag) =	ssettag s2;
	_ =	strace s9  }
0x27: {  	s1 =	sld [smem:$0x3FB0]  }
0x28: {  	s2 =	sld [smem:$0x3FB1]  }
0x29: {  	s4 =	sld [smem:$0x3FB3]  }
0x2a: {  	p0 =	seq.s32 s5, $0x0;
	s5 =	sld [smem:$0x3FB4]  }
0x2b: {  	s6 =	sld [smem:$0x3FB5]  }
0x2c: {  	s7 =	sld [smem:$0x3FB6]  }
0x2d: {  	s3 =	simm.s32 $0x108;
	s8 =	sld [smem:$0x3FB7]  }
0x2e: {  	s3 =	simm.s32 @!p0 $0x1082;
	s9 =	sld [smem:$0x3FB8]  }
0x2f: {  	lr =	sadd.s32 s0, s3;
	s0 =	sld [smem:$0x3FAF]  }
0x30: {  	s3 =	sld [smem:$0x3FB2]  }
0x31: {  	[smem:$0x3FBB] =	sst s10  }
0x32: {  	s10 =	sld [smem:$0x3FB9];
	_ =	sdelay $0x3  }
0x33: {  	p0 =	seq.s32 s10, $0x1;
	s10 =	sld [smem:$0x3FBB];
	_ =	sdelay $0x3  }
0x34: {  	[smem:$0x3FBB] =	sst s10  }
0x35: {  	s10 =	sld [smem:$0x3FBA];
	_ =	sdelay $0x3  }
0x36: {  	p1 =	seq.s32 s10, $0x1;
	s10 =	sld [smem:$0x3FBB];
	_ =	sdelay $0x3  }
0x37: {  	[smem:$0x3FBB] =	sst s10  }
0x38: {  	s10 =	sld [smem:$0x3FBC]  }
0x39: {  	_ = 	snop;
	(pc) =	sbr.ind lr, $3  }
0x3a: {  	_ = 	snop  }
0x3b: {  	_ = 	snop  }
0x3c: {  	p2 =	seq.s32 s10, $0x1;
	s10 =	sld [smem:$0x3FBB]  }
0x3d: {  	_ =	shalt  }
0x3e: {  	_ =	shalt  }
0x3f: {  	_ =	shalt  }
0x40: {  	_ =	shalt  }
0x41: {  	_ =	shalt  }
0x42: {  	_ =	shalt  }
0x43: {  	_ =	shalt  }
0x44: {  	_ =	shalt  }
0x45: {  	_ =	shalt  }
0x46: {  	_ =	shalt  }
0x47: {  	_ =	shalt  }
0x48: {  	_ =	shalt  }
0x49: {  	_ =	shalt  }
0x4a: {  	_ =	shalt  }
0x4b: {  	_ =	shalt  }
0x4c: {  	_ =	shalt  }
0x4d: {  	_ =	shalt  }
0x4e: {  	_ =	shalt  }
0x4f: {  	_ =	shalt  }
0x50: {  	_ =	shalt  }
0x51: {  	_ =	shalt  }
0x52: {  	_ =	shalt  }
0x53: {  	_ =	shalt  }
0x54: {  	_ =	shalt  }
0x55: {  	_ =	shalt  }
0x56: {  	_ =	shalt  }
0x57: {  	_ =	shalt  }
0x58: {  	_ =	shalt  }
0x59: {  	_ =	shalt  }
0x5a: {  	_ =	shalt  }
0x5b: {  	_ =	shalt  }
0x5c: {  	_ =	shalt  }
0x5d: {  	_ =	shalt  }
0x5e: {  	_ =	shalt  }
0x5f: {  	_ =	shalt  }
0x60: {  	_ =	shalt  }
0x61: {  	_ =	shalt  }
0x62: {  	_ =	shalt  }
0x63: {  	_ =	shalt  }
0x64: {  	_ =	shalt  }
0x65: {  	_ =	shalt  }
0x66: {  	_ =	shalt  }
0x67: {  	_ =	shalt  }
0x68: {  	_ =	shalt  }
0x69: {  	_ =	shalt  }
0x6a: {  	_ =	shalt  }
0x6b: {  	_ =	shalt  }
0x6c: {  	_ =	shalt  }
0x6d: {  	_ =	shalt  }
0x6e: {  	_ =	shalt  }
0x6f: {  	_ =	shalt  }
0x70: {  	_ =	shalt  }
0x71: {  	_ =	shalt  }
0x72: {  	_ =	shalt  }
0x73: {  	_ =	shalt  }
0x74: {  	_ =	shalt  }
0x75: {  	_ =	shalt  }
0x76: {  	_ =	shalt  }
0x77: {  	_ =	shalt  }
0x78: {  	_ =	shalt  }
0x79: {  	_ =	shalt  }
0x7a: {  	_ =	shalt  }
0x7b: {  	_ =	shalt  }
0x7c: {  	_ =	shalt  }
0x7d: {  	_ =	shalt  }
0x7e: {  	_ =	shalt  }
0x7f: {  	_ =	shalt  }
0x80: {  	_ =	shalt  }
0x81: {  	_ =	shalt  }
0x82: {  	_ =	shalt  }
0x83: {  	_ =	shalt  }
0x84: {  	_ =	shalt  }
0x85: {  	_ =	shalt  }
0x86: {  	_ =	shalt  }
0x87: {  	_ =	shalt  }
.Lfunc_end0:
.L_simem_size_0:
called_computation_lowered:
.L_overlay_start_0:
0x88: {  	s2 =	sld [smem:$0x3FD9]  }
0x89: {  	s3 =	sld [smem:$0x3FFE];
	_ =	sdelay $0x1  }
0x8a: {  	s1 =	srdreg.scid  }
0x8b: {  	s0 =	sand.u32 $0x1, s1  }
0x8c: {  	s17 =	sshll.u32 s0, $0xA;
	s2 =	sadd.s32 s3, s2  }
0x8d: {  	s2 =	sadd.s32 s2, s17  }
0x8e: {  	[smem:$0x3FC7] =	sst s2  }
0x8f: {  	_ = 	snop  }
0x90: {  	s2 =	sld [smem:$0x3FC9];
	(tm) =	ssettm $0x1  }
0x91: {  	s18 =	sld [smem:$0x3FFB];
	_ =	sdelay $0x3  }
0x92: {  	_ =	strace s18  }
0x93: {  	s3 =	sld [smem:$0x3FFC];
	_ =	sdelay $0x3  }
0x94: {  	_ =	strace s3  }
0x95: {  	s3 =	sld [smem:$0x3FFD];
	_ =	sdelay $0x3  }
0x96: {  	_ =	strace s3  }
0x97: {  	_ =	strace $0x8FFFFFFF  }
0x98: {  	s19 =	sld [smem:$0x3FDB];
	_ =	sdelay $0x1  }
0x99: {  	s4 =	simm.s32 $_scs_section_size  }
0x9a: {  	s5 =	simm.s32 $_size__tile_overlayer_lowered;
	s6 =	simm.s32 $_tile_overlayer_lowered  }
0x9b: {  	s22 =	simm.s32 $0x1BFF;
	s21 =	sshll.u32 s6, $0x1;
	s3 =	sadd.s32 s4, s19  }
0x9c: {  	s7 =	simm.s32 $0x0;
	s20 =	sshll.u32 s5, $0x1;
	s5 =	sadd.s32 s21, s3  }
0x9d: {  	[timem:s7], [sflag:s22] =	dma.local [hbm:s5], s20  }
0x9e: {  	_ =	swait.ge [sflag:s22], s20  }
0x9f: {  	s4 =	ssub.s32 $0x0, s20;
	[sflag:s22] =	ssyncset.done $0x0  }
0xa0: {  	[sflag:s22] =	ssyncadd.s32 s4;
	_ =	sdelay $0x1  }
0xa1: {  	s23 =	simm.s32 $0x1B8B  }
0xa2: {  	_ =	swait.ge [sflag:s23], $0x1  }
0xa3: {  	[sflag:s23] =	ssyncset.done $0x0  }
0xa4: {  	s25 =	simm.s32 $0x1B8E;
	s24 =	sld [smem:$0x3FFE];
	[sflag:s23] =	ssyncadd.s32 $0xFFFFFFFF  }
0xa5: {  	s26 =	simm.s32 $execute0_lowered;
	[smem:$0x3FD2] =	sst s25  }
0xa6: {  	s5 =	sshll.u32 s26, $0x1;
	_ =	strace $0x80000046;
	[dreg:$0x1] =	wrdreg $0xFFFFFFFF  }
0xa7: {  	s28 =	simm.s32 $_size_execute0_lowered;
	s3 =	sadd.s32 s3, s5;
	[dreg:$0x0] =	wrdreg $0x0  }
0xa8: {  	s5 =	sshll.u32 s28, $0x1;
	[dreg:$0x2] =	wrdreg s3  }
0xa9: {  	[dreg:$0x3] =	wrdreg s5  }
0xaa: {  	[dreg:$0x4] =	wrdreg $0xC0  }
0xab: {  	_ =	task [dreg:s7], $0x5FFFF  }
0xac: {  	[dreg:$0x1] =	wrdreg $0xFFFFFFFF  }
0xad: {  	[dreg:$0x0] =	wrdreg $0x60  }
0xae: {  	[dreg:$0x2] =	wrdreg s2  }
0xaf: {  	[dreg:$0x3] =	wrdreg s24  }
0xb0: {  	[dreg:$0x4] =	wrdreg $0x147000  }
0xb1: {  	[dreg:$0x5] =	wrdreg $0x9  }
0xb2: {  	_ =	task.clear_ibuf [dreg:s7], $0x6FFFF;
	_ =	strace $0x90000046  }
0xb3: {  	s29 =	simm.s32 $0x9;
	_ =	strace $0x80000048  }
0xb4: {  	_ =	swait.ge [sflag:s29], $0x1  }
0xb5: {  	[sflag:s29] =	ssyncadd.s32 $0xFFFFFFFF  }
0xb6: {  	_ =	strace $0x90000048  }
0xb7: {  	_ =	sfence  }
0xb8: {  	s30 =	sld [smem:$0x0];
	_ =	sdelay $0x2  }
0xb9: {  	s31 =	sshll.u32 s1, $0xD;
	s1 =	sshrl.u32 s1, $0x2  }
0xba: {  	s3 =	sand.u32 $0x4000, s31;
	s1 =	sadd.s32 s1, s30  }
0xbb: {  	s0 =	sor.u32 s3, s0;
	s1 =	sshll.u32 s1, $0x11  }
0xbc: {  	s0 =	sor.u32 s1, s0  }
0xbd: {  	s0 =	sadd.s32 $0x8F2B, s0  }
0xbe: {  	[sflag:s0] =	ssyncadd.remote.s32 $0x1  }
0xbf: {  	_ =	sfence.sel $0xFFFF  }
0xc0: {  	[dreg:$0x0] =	wrdreg $0xFFFFFFFF;
	(pc) =	sbr.abs _section_cstart, $3  }
0xc1: {  	[dreg:$0x1] =	wrdreg $0xFFFFFFFF  }
0xc2: {  	_ =	task.clear_ibuf [dreg:s7], $0x2FFFF;
	_ =	strace $0x9FFFFFFF  }
0xc3: {  	(tm) =	ssettm $0x7FFFFFFF  }
tec
execute0_lowered:
.L_overlay_start_1:
0x0: {  	(tag) =	ssettag $0x1  }
0x1: {  	s0 =	rddreg [dreg:$0x0]  }
0x2: {  	s1 =	rddreg [dreg:$0x1];
	s2 =	srdreg.scid  }
0x3: {  	s7 =	stileid.u32;
	s3 =	rddreg [dreg:$0x2];
	s8 =	simm.s32 $0x0  }
0x4: {  	s2 =	sand.u32 $0x1, s2;
	s4 =	sshll.u32 s7, $0x1;
	[smem:$0x7FF] =	sst s8  }
0x5: {  	s19 =	sshll.u32 s7, $0xC;
	s4 =	sor.u32 s2, s4;
	s5 =	ssub.s32 $0x2, s2  }
0x6: {  	s21 =	sshll.u32 s7, $0x7;
	s4 =	smul.u32 $0x1E848, s4;
	s6 =	sshrl.u32 s5, $0x1  }
0x7: {  	s22 =	sshll.u32 s7, $0xB;
	_ =	strace $0x80000047;
	s15 =	ssub.s32 s5, s6  }
0x8: {  	s16 =	sadd.s32 $0x61A8, s4;
	s17 =	sshrl.u32 s4, $0x3;
	s13 =	smax.u32 s15, $0x1  }
0x9: {  	s5 =	sshrl.u32 s16, $0x3;
	s6 =	sadd.s32 s0, s17;
	[smem:$0x7EC] =	sst s13  }
0xa: {  	s4 =	sadd.s32 $0x124F8, s4;
	s5 =	sadd.s32 s0, s5;
	[dreg:$0xb] =	wrdreg s6  }
0xb: {  	s4 =	sshrl.u32 s4, $0x3;
	s18 =	sadd.s32 $0x186A, s6;
	[dreg:$0xc] =	wrdreg s5  }
0xc: {  	s0 =	sadd.s32 s0, s4;
	s20 =	sadd.s32 $0x30D4, s6;
	[dreg:$0xd] =	wrdreg s18  }
0xd: {  	s4 =	sand.u32 $0x380, s21;
	[dreg:$0xe] =	wrdreg s0;
	s0 =	sand.u32 $0x8000, s19  }
0xe: {  	[dreg:$0xf] =	wrdreg s20;
	s0 =	sadd.s32 s0, s3;
	s3 =	sadd.s32 s22, s3  }
0xf: {  	s0 =	sadd.s32 s4, s0;
	[dreg:$0x11] =	wrdreg s3  }
0x10: {  	s24 =	sadd.s32 $0x80, s3;
	[dreg:$0x10] =	wrdreg s0  }
0x11: {  	s25 =	sadd.s32 $0x100, s3;
	[dreg:$0x12] =	wrdreg s24  }
0x12: {  	s26 =	sadd.s32 $0x180, s3;
	[dreg:$0x13] =	wrdreg s25  }
0x13: {  	s28 =	sadd.s32 $0x200, s3;
	[dreg:$0x14] =	wrdreg s26  }
0x14: {  	s29 =	sadd.s32 $0x280, s3;
	[dreg:$0x15] =	wrdreg s28  }
0x15: {  	s30 =	sadd.s32 $0x300, s3;
	[dreg:$0x16] =	wrdreg s29  }
0x16: {  	s31 =	sadd.s32 $0x380, s3;
	[dreg:$0x17] =	wrdreg s30  }
0x17: {  	s5 =	sadd.s32 $0x8000, s3;
	[dreg:$0x18] =	wrdreg s31  }
0x18: {  	s6 =	sadd.s32 $0x8080, s3;
	[dreg:$0x19] =	wrdreg s5  }
0x19: {  	s23 =	sshll.u32 s7, $0x6;
	s7 =	sadd.s32 $0x8100, s3;
	[dreg:$0x1a] =	wrdreg s6  }
0x1a: {  	s9 =	sadd.s32 $0x8180, s3;
	[dreg:$0x1b] =	wrdreg s7  }
0x1b: {  	s10 =	sadd.s32 $0x8200, s3;
	[dreg:$0x1c] =	wrdreg s9  }
0x1c: {  	s11 =	sadd.s32 $0x8280, s3;
	[dreg:$0x1d] =	wrdreg s10  }
0x1d: {  	s12 =	sadd.s32 $0x8300, s3;
	[dreg:$0x1e] =	wrdreg s11  }
0x1e: {  	s14 =	sadd.s32 $0x8380, s3;
	[dreg:$0x1f] =	wrdreg s12  }
0x1f: {  	s15 =	sadd.s32 $0x400, s3;
	[smem:$0x7ED] =	sst s14  }
0x20: {  	s16 =	sadd.s32 $0x480, s3;
	[smem:$0x7EE] =	sst s15  }
0x21: {  	s17 =	sadd.s32 $0x500, s3;
	[smem:$0x7EF] =	sst s16  }
0x22: {  	s18 =	sadd.s32 $0x580, s3;
	[smem:$0x7F0] =	sst s17  }
0x23: {  	s19 =	sadd.s32 $0x600, s3;
	[smem:$0x7F1] =	sst s18  }
0x24: {  	s20 =	sadd.s32 $0x680, s3;
	[smem:$0x7F2] =	sst s19  }
0x25: {  	s2 =	sshll.u32 s2, $0x4;
	s21 =	sadd.s32 $0x700, s3;
	[smem:$0x7F3] =	sst s20  }
0x26: {  	s1 =	sadd.s32 s2, s1;
	s22 =	sadd.s32 $0x780, s3;
	[smem:$0x7F4] =	sst s21  }
0x27: {  	s0 =	sadd.s32 s23, s1;
	[smem:$0x7F5] =	sst s22;
	s23 =	sadd.s32 $0x8400, s3  }
0x28: {  	s24 =	sadd.s32 $0x8480, s3;
	[smem:$0x7F6] =	sst s23  }
0x29: {  	s25 =	sadd.s32 $0x8500, s3;
	[smem:$0x7F7] =	sst s24  }
0x2a: {  	s26 =	sadd.s32 $0x8580, s3;
	[smem:$0x7F8] =	sst s25  }
0x2b: {  	s4 =	simm.s32 $0x1;
	s28 =	sadd.s32 $0x8600, s3;
	[smem:$0x7F9] =	sst s26  }
0x2c: {  	s29 =	sadd.s32 $0x8680, s3;
	s30 =	sadd.s32 $0x8700, s3;
	[smem:$0x7FA] =	sst s28  }
0x2d: {  	s31 =	sadd.s32 $0x8780, s3;
	s3 =	simm.s32 $0x6200;
	[smem:$0x7FB] =	sst s29  }
0x2e: {  	s19 =	simm.s32 $0x12600;
	s5 =	simm.s32 $0x2;
	[smem:$0x7FC] =	sst s30  }
0x2f: {  	s6 =	simm.s32 $0x80;
	s0 =	sadd.s32 $0x800, s0;
	[smem:$0x7FD] =	sst s31  }
0x30: {  	v0 =	vimm.f32 $0.0e+00;
	v1 =	vimm.f32 $1.000000000e+00;
	s7 =	simm.s32 $0x4;
	s1 =	simm.s32 $0x0;
	[smem:$0x7EB] =	sst s0  }
.LBB2_1:
0x31: {  	[tilespmem:$0x61A0] =	vst v0  }
0x32: {  	[smem:$0x7EA] =	sst s1;
	[tilespmem:$0xC3A0] =	vst v0  }
0x33: {  	[tilespmem:$0x125A0] =	vst v0;
	s0 =	rddreg [dreg:$0xb]  }
0x34: {  	[tilespmem:s8], [sflag:$0x1] =	stream.linear.gather [hbm4b:s0+s8], $0x61A8, $0x38;
	[tilespmem:$0x15700] =	vst v63  }
0x35: {  	s29 =	rddreg [dreg:$0xc]  }
0x36: {  	[tilespmem:s3], [sflag:$0x2] =	stream.linear.gather [hbm4b:s29+s8], $0x61A8, $0x38;
	[tilespmem:$0x15700] =	vst v63  }
0x37: {  	s30 =	rddreg [dreg:$0xd];
	s31 =	simm.s32 $0xC400;
	s0 =	simm.s32 $0x12640  }
0x38: {  	[tilespmem:s31], [sflag:$0x3] =	stream.linear.gather [hbm4b:s30+s8], $0x61A8, $0x38;
	[tilespmem:$0x15700] =	vst v63  }
0x39: {  	[tilespmem:s0+$0xFFFFFFC0] =	vst v0  }
0x3a: {  	[tilespmem:s0+$0x30] =	vst v0  }
0x3b: {  	[tilespmem:s0+$0x20] =	vst v0  }
0x3c: {  	[tilespmem:s0+$0x10] =	vst v0  }
0x3d: {  	[tilespmem:s0+$0x0] =	vst v0  }
0x3e: {  	[tilespmem:s0+$0xFFFFFFF0] =	vst v0  }
0x3f: {  	s1 =	simm.s32 $0x0;
	[tilespmem:s0+$0xFFFFFFE0] =	vst v0  }
.LBB2_2:
0x40: {  	s1 =	sadd.s32 $0x8, s1;
	[tilespmem:s0+$0xFFFFFFD0] =	vst v0;
	s0 =	sadd.s32 $0x80, s0  }
0x41: {  	[tilespmem:s0+$0xFFFFFFC0] =	vst v0;
	p0 =	slt.u32 s1, $0xF8  }
0x42: {  	[tilespmem:s0+$0x30] =	vst v0  }
.Ltmp0:
0x43: {  	[tilespmem:s0+$0x20] =	vst v0;
	(pc) =	sbr.rel @p0 .LBB2_2-.Ltmp0, $4  }
0x44: {  	[tilespmem:s0+$0x10] =	vst v0  }
0x45: {  	[tilespmem:s0+$0x0] =	vst v0  }
0x46: {  	[tilespmem:s0+$0xFFFFFFF0] =	vst v0  }
0x47: {  	[tilespmem:s0+$0xFFFFFFE0] =	vst v0  }
0x48: {  	[tilespmem:s0+$0xFFFFFFD0] =	vst v0  }
0x49: {  	_ =	swait.ge [sflag:s4], $0x61A8  }
0x4a: {  	[sflag:s4] =	ssyncset.done $0x0  }
0x4b: {  	s31 =	simm.s32 $0x40;
	[sflag:s4] =	ssyncadd.s32 $0xFFFF9E58  }
0x4c: {  	v2 =	vld [tilespmem:s31+$0x30]  }
0x4d: {  	v3 =	vld [tilespmem:s31+$0xFFFFFFD0]  }
0x4e: {  	v4 =	vld [tilespmem:s31+$0xFFFFFFE0]  }
0x4f: {  	v5 =	vld [tilespmem:s31+$0xFFFFFFF0];
	_ =	sdelay $0x1  }
0x50: {  	v2 =	vtrunc.f32 v2  }
0x51: {  	v6 =	vld [tilespmem:s31+$0x0];
	v3 =	vtrunc.f32 v3;
	v2 =	vcvt.f32.s32 v2  }
0x52: {  	v7 =	vld [tilespmem:s31+$0x10];
	v8 =	vcvt.f32.s32 v3;
	v3 =	vtrunc.f32 v4  }
0x53: {  	v4 =	vld [tilespmem:s31+$0x20];
	v9 =	vcvt.f32.s32 v3;
	v3 =	vtrunc.f32 v5  }
0x54: {  	v5 =	vld [tilespmem:s31+$0xFFFFFFC0];
	v10 =	vcvt.f32.s32 v3;
	_ =	sdelay $0x2  }
0x55: {  	v3 =	vtrunc.f32 v6;
	v6 =	vtrunc.f32 v7;
	[tilespmem:v2+s19+$0x0] =	vst.idx.add.f32.msk $0xffff, v1  }
0x56: {  	v4 =	vtrunc.f32 v4;
	v2 =	vcvt.f32.s32 v3;
	[tilespmem:v8+s19+$0x0] =	vst.idx.add.f32.msk $0xffff, v1  }
0x57: {  	v3 =	vcvt.f32.s32 v6;
	v5 =	vtrunc.f32 v5;
	[tilespmem:v9+s19+$0x0] =	vst.idx.add.f32.msk $0xffff, v1  }
0x58: {  	s0 =	simm.s32 $0x0;
	s1 =	simm.s32 $0xC0;
	v4 =	vcvt.f32.s32 v4;
	v5 =	vcvt.f32.s32 v5;
	[tilespmem:v10+s19+$0x0] =	vst.idx.add.f32.msk $0xffff, v1  }
.LBB2_4:
0x59: {  	v6 =	vld [tilespmem:s1+$0x30];
	s0 =	sadd.s32 $0x8, s0  }
0x5a: {  	v7 =	vld [tilespmem:s1+$0xFFFFFFD0];
	p0 =	slt.u32 s0, $0x610  }
0x5b: {  	v8 =	vld [tilespmem:s1+$0xFFFFFFE0]  }
0x5c: {  	v9 =	vld [tilespmem:s1+$0xFFFFFFF0]  }
0x5d: {  	v10 =	vld [tilespmem:s1+$0x0]  }
0x5e: {  	v11 =	vld [tilespmem:s1+$0x10];
	v6 =	vtrunc.f32 v6  }
0x5f: {  	v7 =	vtrunc.f32 v7;
	v12 =	vld [tilespmem:s1+$0x20];
	v6 =	vcvt.f32.s32 v6  }
0x60: {  	v13 =	vld [tilespmem:s1+$0xFFFFFFC0];
	v7 =	vcvt.f32.s32 v7;
	v8 =	vtrunc.f32 v8  }
0x61: {  	v8 =	vcvt.f32.s32 v8;
	v9 =	vtrunc.f32 v9;
	[tilespmem:v5+s19+$0x0] =	vst.idx.add.f32.msk $0xffff, v1  }
0x62: {  	v9 =	vcvt.f32.s32 v9;
	v5 =	vtrunc.f32 v10;
	[tilespmem:v2+s19+$0x0] =	vst.idx.add.f32.msk $0xffff, v1  }
0x63: {  	v2 =	vcvt.f32.s32 v5;
	v5 =	vtrunc.f32 v11;
	[tilespmem:v3+s19+$0x0] =	vst.idx.add.f32.msk $0xffff, v1  }
.Ltmp1:
0x64: {  	v3 =	vcvt.f32.s32 v5;
	v5 =	vtrunc.f32 v12;
	[tilespmem:v4+s19+$0x0] =	vst.idx.add.f32.msk $0xffff, v1;
	(pc) =	sbr.rel @p0 .LBB2_4-.Ltmp1, $4  }
0x65: {  	s2 =	simm.s32 $0x0;
	v10 =	vtrunc.f32 v13;
	v4 =	vcvt.f32.s32 v5;
	[tilespmem:v6+s19+$0x0] =	vst.idx.add.f32.msk $0xffff, v1  }
0x66: {  	v5 =	vcvt.f32.s32 v10;
	[tilespmem:v7+s19+$0x0] =	vst.idx.add.f32.msk $0xffff, v1  }
0x67: {  	[tilespmem:v8+s19+$0x0] =	vst.idx.add.f32.msk $0xffff, v1  }
0x68: {  	s1 =	sadd.s32 $0x80, s1;
	[tilespmem:v9+s19+$0x0] =	vst.idx.add.f32.msk $0xffff, v1  }
0x69: {  	_ =	sdelay $0x3  }
0x6a: {  	[tilespmem:v5+s19+$0x0] =	vst.idx.add.f32.msk $0xffff, v1  }
0x6b: {  	[tilespmem:v2+s19+$0x0] =	vst.idx.add.f32.msk $0xffff, v1  }
0x6c: {  	[tilespmem:v3+s19+$0x0] =	vst.idx.add.f32.msk $0xffff, v1  }
0x6d: {  	[tilespmem:v4+s19+$0x0] =	vst.idx.add.f32.msk $0xffff, v1  }
.LBB2_6:
0x6e: {  	s0 =	sshra.s32 s2, $0x2  }
0x6f: {  	v2 =	vld [tilespmem:s0+$0x6180];
	_ =	sdelay $0x4  }
0x70: {  	v2 =	vtrunc.f32 v2  }
0x71: {  	v2 =	vcvt.f32.s32 v2  }
0x72: {  	p0 =	sne.s32 s2, $0x40  }
.Ltmp2:
0x73: {  	_ = 	snop;
	(pc) =	sbr.rel @p0 .LBB2_6-.Ltmp2, $2  }
0x74: {  	_ =	sdelay $0x2  }
0x75: {  	s2 =	sadd.s32 $0x40, s2;
	[tilespmem:v2+s19+$0x0] =	vst.idx.add.f32.msk $0xffff, v1  }
0x76: {  	v2 =	vld [tilespmem:$0x61A0];
	_ =	sdelay $0x4  }
0x77: {  	v2 =	vtrunc.f32 v2  }
0x78: {  	v2 =	vcvt.f32.s32 v2;
	_ =	sdelay $0x5  }
0x79: {  	s0 =	rddreg [dreg:$0xe];
	[tilespmem:v2+s19+$0x0] =	vst.idx.add.f32.msk $0xff, v1  }
0x7a: {  	[tilespmem:s8], [sflag:$0x1] =	stream.linear.gather [hbm4b:s0+s8], $0x61A8, $0x38;
	[tilespmem:$0x15700] =	vst v63  }
0x7b: {  	_ =	swait.ge [sflag:s5], $0x61A8  }
0x7c: {  	[sflag:s5] =	ssyncset.done $0x0  }
0x7d: {  	s31 =	simm.s32 $0x6240;
	[sflag:s5] =	ssyncadd.s32 $0xFFFF9E58  }
0x7e: {  	v2 =	vld [tilespmem:s31+$0x30]  }
0x7f: {  	v3 =	vld [tilespmem:s31+$0xFFFFFFD0]  }
0x80: {  	v4 =	vld [tilespmem:s31+$0xFFFFFFE0]  }
0x81: {  	v5 =	vld [tilespmem:s31+$0xFFFFFFF0];
	_ =	sdelay $0x1  }
0x82: {  	v2 =	vtrunc.f32 v2  }
0x83: {  	v6 =	vld [tilespmem:s31+$0x0];
	v3 =	vtrunc.f32 v3;
	v2 =	vcvt.f32.s32 v2  }
0x84: {  	v7 =	vld [tilespmem:s31+$0x10];
	v8 =	vcvt.f32.s32 v3;
	v3 =	vtrunc.f32 v4  }
0x85: {  	v4 =	vld [tilespmem:s31+$0x20];
	v9 =	vcvt.f32.s32 v3;
	v3 =	vtrunc.f32 v5  }
0x86: {  	v5 =	vld [tilespmem:s31+$0xFFFFFFC0];
	v10 =	vcvt.f32.s32 v3;
	_ =	sdelay $0x2  }
0x87: {  	v3 =	vtrunc.f32 v6;
	v6 =	vtrunc.f32 v7;
	[tilespmem:v2+s19+$0x0] =	vst.idx.add.f32.msk $0xffff, v1  }
0x88: {  	v4 =	vtrunc.f32 v4;
	v2 =	vcvt.f32.s32 v3;
	[tilespmem:v8+s19+$0x0] =	vst.idx.add.f32.msk $0xffff, v1  }
0x89: {  	v3 =	vcvt.f32.s32 v6;
	v5 =	vtrunc.f32 v5;
	[tilespmem:v9+s19+$0x0] =	vst.idx.add.f32.msk $0xffff, v1  }
0x8a: {  	s1 =	simm.s32 $0x62C0;
	s0 =	simm.s32 $0x0;
	v4 =	vcvt.f32.s32 v4;
	v5 =	vcvt.f32.s32 v5;
	[tilespmem:v10+s19+$0x0] =	vst.idx.add.f32.msk $0xffff, v1  }
.LBB2_8:
0x8b: {  	v6 =	vld [tilespmem:s1+$0x30];
	s0 =	sadd.s32 $0x8, s0  }
0x8c: {  	v7 =	vld [tilespmem:s1+$0xFFFFFFD0];
	p0 =	slt.u32 s0, $0x610  }
0x8d: {  	v8 =	vld [tilespmem:s1+$0xFFFFFFE0]  }
0x8e: {  	v9 =	vld [tilespmem:s1+$0xFFFFFFF0]  }
0x8f: {  	v10 =	vld [tilespmem:s1+$0x0]  }
0x90: {  	v11 =	vld [tilespmem:s1+$0x10];
	v6 =	vtrunc.f32 v6  }
0x91: {  	v7 =	vtrunc.f32 v7;
	v12 =	vld [tilespmem:s1+$0x20];
	v6 =	vcvt.f32.s32 v6  }
0x92: {  	v13 =	vld [tilespmem:s1+$0xFFFFFFC0];
	v7 =	vcvt.f32.s32 v7;
	v8 =	vtrunc.f32 v8  }
0x93: {  	v8 =	vcvt.f32.s32 v8;
	v9 =	vtrunc.f32 v9;
	[tilespmem:v5+s19+$0x0] =	vst.idx.add.f32.msk $0xffff, v1  }
0x94: {  	v9 =	vcvt.f32.s32 v9;
	v5 =	vtrunc.f32 v10;
	[tilespmem:v2+s19+$0x0] =	vst.idx.add.f32.msk $0xffff, v1  }
0x95: {  	v2 =	vcvt.f32.s32 v5;
	v5 =	vtrunc.f32 v11;
	[tilespmem:v3+s19+$0x0] =	vst.idx.add.f32.msk $0xffff, v1  }
.Ltmp3:
0x96: {  	v3 =	vcvt.f32.s32 v5;
	v5 =	vtrunc.f32 v12;
	[tilespmem:v4+s19+$0x0] =	vst.idx.add.f32.msk $0xffff, v1;
	(pc) =	sbr.rel @p0 .LBB2_8-.Ltmp3, $4  }
0x97: {  	s2 =	simm.s32 $0x0;
	v10 =	vtrunc.f32 v13;
	v4 =	vcvt.f32.s32 v5;
	[tilespmem:v6+s19+$0x0] =	vst.idx.add.f32.msk $0xffff, v1  }
0x98: {  	v5 =	vcvt.f32.s32 v10;
	[tilespmem:v7+s19+$0x0] =	vst.idx.add.f32.msk $0xffff, v1  }
0x99: {  	[tilespmem:v8+s19+$0x0] =	vst.idx.add.f32.msk $0xffff, v1  }
0x9a: {  	s1 =	sadd.s32 $0x80, s1;
	[tilespmem:v9+s19+$0x0] =	vst.idx.add.f32.msk $0xffff, v1  }
0x9b: {  	_ =	sdelay $0x3  }
0x9c: {  	[tilespmem:v5+s19+$0x0] =	vst.idx.add.f32.msk $0xffff, v1  }
0x9d: {  	[tilespmem:v2+s19+$0x0] =	vst.idx.add.f32.msk $0xffff, v1  }
0x9e: {  	[tilespmem:v3+s19+$0x0] =	vst.idx.add.f32.msk $0xffff, v1  }
0x9f: {  	[tilespmem:v4+s19+$0x0] =	vst.idx.add.f32.msk $0xffff, v1  }
.LBB2_10:
0xa0: {  	s0 =	sshra.s32 s2, $0x2  }
0xa1: {  	v2 =	vld [tilespmem:s0+$0xC380];
	_ =	sdelay $0x4  }
0xa2: {  	v2 =	vtrunc.f32 v2  }
0xa3: {  	v2 =	vcvt.f32.s32 v2  }
0xa4: {  	p0 =	sne.s32 s2, $0x40  }
.Ltmp4:
0xa5: {  	_ = 	snop;
	(pc) =	sbr.rel @p0 .LBB2_10-.Ltmp4, $2  }
0xa6: {  	_ =	sdelay $0x2  }
0xa7: {  	s2 =	sadd.s32 $0x40, s2;
	[tilespmem:v2+s19+$0x0] =	vst.idx.add.f32.msk $0xffff, v1  }
0xa8: {  	v2 =	vld [tilespmem:$0xC3A0];
	_ =	sdelay $0x4  }
0xa9: {  	v2 =	vtrunc.f32 v2  }
0xaa: {  	v2 =	vcvt.f32.s32 v2;
	_ =	sdelay $0x5  }
0xab: {  	s0 =	rddreg [dreg:$0xf];
	s30 =	simm.s32 $0x3;
	[tilespmem:v2+s19+$0x0] =	vst.idx.add.f32.msk $0xff, v1  }
0xac: {  	[tilespmem:s3], [sflag:$0x2] =	stream.linear.gather [hbm4b:s0+s8], $0x61A8, $0x38;
	[tilespmem:$0x15700] =	vst v63  }
0xad: {  	_ =	swait.ge [sflag:s30], $0x61A8  }
0xae: {  	[sflag:s30] =	ssyncset.done $0x0  }
0xaf: {  	s31 =	simm.s32 $0xC440;
	[sflag:s30] =	ssyncadd.s32 $0xFFFF9E58  }
0xb0: {  	v2 =	vld [tilespmem:s31+$0x30]  }
0xb1: {  	v3 =	vld [tilespmem:s31+$0xFFFFFFD0]  }
0xb2: {  	v4 =	vld [tilespmem:s31+$0xFFFFFFE0]  }
0xb3: {  	v5 =	vld [tilespmem:s31+$0xFFFFFFF0];
	_ =	sdelay $0x1  }
0xb4: {  	v2 =	vtrunc.f32 v2  }
0xb5: {  	v6 =	vld [tilespmem:s31+$0x0];
	v3 =	vtrunc.f32 v3;
	v2 =	vcvt.f32.s32 v2  }
0xb6: {  	v7 =	vld [tilespmem:s31+$0x10];
	v8 =	vcvt.f32.s32 v3;
	v3 =	vtrunc.f32 v4  }
0xb7: {  	v4 =	vld [tilespmem:s31+$0x20];
	v9 =	vcvt.f32.s32 v3;
	v3 =	vtrunc.f32 v5  }
0xb8: {  	v5 =	vld [tilespmem:s31+$0xFFFFFFC0];
	v10 =	vcvt.f32.s32 v3;
	_ =	sdelay $0x2  }
0xb9: {  	v3 =	vtrunc.f32 v6;
	v6 =	vtrunc.f32 v7;
	[tilespmem:v2+s19+$0x0] =	vst.idx.add.f32.msk $0xffff, v1  }
0xba: {  	v4 =	vtrunc.f32 v4;
	v2 =	vcvt.f32.s32 v3;
	[tilespmem:v8+s19+$0x0] =	vst.idx.add.f32.msk $0xffff, v1  }
0xbb: {  	v3 =	vcvt.f32.s32 v6;
	v5 =	vtrunc.f32 v5;
	[tilespmem:v9+s19+$0x0] =	vst.idx.add.f32.msk $0xffff, v1  }
0xbc: {  	s1 =	simm.s32 $0xC4C0;
	s0 =	simm.s32 $0x0;
	v4 =	vcvt.f32.s32 v4;
	v5 =	vcvt.f32.s32 v5;
	[tilespmem:v10+s19+$0x0] =	vst.idx.add.f32.msk $0xffff, v1  }
.LBB2_12:
0xbd: {  	v6 =	vld [tilespmem:s1+$0x30];
	s0 =	sadd.s32 $0x8, s0  }
0xbe: {  	v7 =	vld [tilespmem:s1+$0xFFFFFFD0];
	p0 =	slt.u32 s0, $0x610  }
0xbf: {  	v8 =	vld [tilespmem:s1+$0xFFFFFFE0]  }
0xc0: {  	v9 =	vld [tilespmem:s1+$0xFFFFFFF0]  }
0xc1: {  	v10 =	vld [tilespmem:s1+$0x0]  }
0xc2: {  	v11 =	vld [tilespmem:s1+$0x10];
	v6 =	vtrunc.f32 v6  }
0xc3: {  	v7 =	vtrunc.f32 v7;
	v12 =	vld [tilespmem:s1+$0x20];
	v6 =	vcvt.f32.s32 v6  }
0xc4: {  	v13 =	vld [tilespmem:s1+$0xFFFFFFC0];
	v7 =	vcvt.f32.s32 v7;
	v8 =	vtrunc.f32 v8  }
0xc5: {  	v8 =	vcvt.f32.s32 v8;
	v9 =	vtrunc.f32 v9;
	[tilespmem:v5+s19+$0x0] =	vst.idx.add.f32.msk $0xffff, v1  }
0xc6: {  	v9 =	vcvt.f32.s32 v9;
	v5 =	vtrunc.f32 v10;
	[tilespmem:v2+s19+$0x0] =	vst.idx.add.f32.msk $0xffff, v1  }
0xc7: {  	v2 =	vcvt.f32.s32 v5;
	v5 =	vtrunc.f32 v11;
	[tilespmem:v3+s19+$0x0] =	vst.idx.add.f32.msk $0xffff, v1  }
.Ltmp5:
0xc8: {  	v3 =	vcvt.f32.s32 v5;
	v5 =	vtrunc.f32 v12;
	[tilespmem:v4+s19+$0x0] =	vst.idx.add.f32.msk $0xffff, v1;
	(pc) =	sbr.rel @p0 .LBB2_12-.Ltmp5, $4  }
0xc9: {  	s2 =	simm.s32 $0x0;
	v10 =	vtrunc.f32 v13;
	v4 =	vcvt.f32.s32 v5;
	[tilespmem:v6+s19+$0x0] =	vst.idx.add.f32.msk $0xffff, v1  }
0xca: {  	v5 =	vcvt.f32.s32 v10;
	[tilespmem:v7+s19+$0x0] =	vst.idx.add.f32.msk $0xffff, v1  }
0xcb: {  	[tilespmem:v8+s19+$0x0] =	vst.idx.add.f32.msk $0xffff, v1  }
0xcc: {  	s1 =	sadd.s32 $0x80, s1;
	[tilespmem:v9+s19+$0x0] =	vst.idx.add.f32.msk $0xffff, v1  }
0xcd: {  	_ =	sdelay $0x3  }
0xce: {  	[tilespmem:v5+s19+$0x0] =	vst.idx.add.f32.msk $0xffff, v1  }
0xcf: {  	[tilespmem:v2+s19+$0x0] =	vst.idx.add.f32.msk $0xffff, v1  }
0xd0: {  	[tilespmem:v3+s19+$0x0] =	vst.idx.add.f32.msk $0xffff, v1  }
0xd1: {  	[tilespmem:v4+s19+$0x0] =	vst.idx.add.f32.msk $0xffff, v1  }
.LBB2_14:
0xd2: {  	s0 =	sshra.s32 s2, $0x2  }
0xd3: {  	v2 =	vld [tilespmem:s0+$0x12580];
	_ =	sdelay $0x4  }
0xd4: {  	v2 =	vtrunc.f32 v2  }
0xd5: {  	v2 =	vcvt.f32.s32 v2  }
0xd6: {  	p0 =	sne.s32 s2, $0x40  }
.Ltmp6:
0xd7: {  	_ = 	snop;
	(pc) =	sbr.rel @p0 .LBB2_14-.Ltmp6, $2  }
0xd8: {  	_ =	sdelay $0x2  }
0xd9: {  	s2 =	sadd.s32 $0x40, s2;
	[tilespmem:v2+s19+$0x0] =	vst.idx.add.f32.msk $0xffff, v1  }
0xda: {  	v2 =	vld [tilespmem:$0x125A0];
	_ =	sdelay $0x4  }
0xdb: {  	v2 =	vtrunc.f32 v2  }
0xdc: {  	v2 =	vcvt.f32.s32 v2;
	_ =	sdelay $0x5  }
0xdd: {  	[tilespmem:v2+s19+$0x0] =	vst.idx.add.f32.msk $0xff, v1  }
0xde: {  	_ =	swait.ge [sflag:s4], $0x61A8  }
0xdf: {  	[sflag:s4] =	ssyncset.done $0x0  }
0xe0: {  	s0 =	simm.s32 $0x40;
	[sflag:s4] =	ssyncadd.s32 $0xFFFF9E58  }
0xe1: {  	v2 =	vld [tilespmem:s0+$0x30]  }
0xe2: {  	v3 =	vld [tilespmem:s0+$0xFFFFFFD0]  }
0xe3: {  	v4 =	vld [tilespmem:s0+$0xFFFFFFE0]  }
0xe4: {  	v5 =	vld [tilespmem:s0+$0xFFFFFFF0];
	_ =	sdelay $0x1  }
0xe5: {  	v2 =	vtrunc.f32 v2  }
0xe6: {  	v6 =	vld [tilespmem:s0+$0x0];
	v3 =	vtrunc.f32 v3;
	v2 =	vcvt.f32.s32 v2  }
0xe7: {  	v7 =	vld [tilespmem:s0+$0x10];
	v8 =	vcvt.f32.s32 v3;
	v3 =	vtrunc.f32 v4  }
0xe8: {  	v4 =	vld [tilespmem:s0+$0x20];
	v9 =	vcvt.f32.s32 v3;
	v3 =	vtrunc.f32 v5  }
0xe9: {  	v5 =	vld [tilespmem:s0+$0xFFFFFFC0];
	v10 =	vcvt.f32.s32 v3;
	_ =	sdelay $0x2  }
0xea: {  	v3 =	vtrunc.f32 v6;
	v6 =	vtrunc.f32 v7;
	[tilespmem:v2+s19+$0x0] =	vst.idx.add.f32.msk $0xffff, v1  }
0xeb: {  	v4 =	vtrunc.f32 v4;
	v2 =	vcvt.f32.s32 v3;
	[tilespmem:v8+s19+$0x0] =	vst.idx.add.f32.msk $0xffff, v1  }
0xec: {  	v3 =	vcvt.f32.s32 v6;
	v5 =	vtrunc.f32 v5;
	[tilespmem:v9+s19+$0x0] =	vst.idx.add.f32.msk $0xffff, v1  }
0xed: {  	s1 =	simm.s32 $0xC0;
	s0 =	simm.s32 $0x0;
	v4 =	vcvt.f32.s32 v4;
	v5 =	vcvt.f32.s32 v5;
	[tilespmem:v10+s19+$0x0] =	vst.idx.add.f32.msk $0xffff, v1  }
.LBB2_16:
0xee: {  	v6 =	vld [tilespmem:s1+$0x30];
	s0 =	sadd.s32 $0x8, s0  }
0xef: {  	v7 =	vld [tilespmem:s1+$0xFFFFFFD0];
	p0 =	slt.u32 s0, $0x610  }
0xf0: {  	v8 =	vld [tilespmem:s1+$0xFFFFFFE0]  }
0xf1: {  	v9 =	vld [tilespmem:s1+$0xFFFFFFF0]  }
0xf2: {  	v10 =	vld [tilespmem:s1+$0x0]  }
0xf3: {  	v11 =	vld [tilespmem:s1+$0x10];
	v6 =	vtrunc.f32 v6  }
0xf4: {  	v7 =	vtrunc.f32 v7;
	v12 =	vld [tilespmem:s1+$0x20];
	v6 =	vcvt.f32.s32 v6  }
0xf5: {  	v13 =	vld [tilespmem:s1+$0xFFFFFFC0];
	v7 =	vcvt.f32.s32 v7;
	v8 =	vtrunc.f32 v8  }
0xf6: {  	v8 =	vcvt.f32.s32 v8;
	v9 =	vtrunc.f32 v9;
	[tilespmem:v5+s19+$0x0] =	vst.idx.add.f32.msk $0xffff, v1  }
0xf7: {  	v9 =	vcvt.f32.s32 v9;
	v5 =	vtrunc.f32 v10;
	[tilespmem:v2+s19+$0x0] =	vst.idx.add.f32.msk $0xffff, v1  }
0xf8: {  	v2 =	vcvt.f32.s32 v5;
	v5 =	vtrunc.f32 v11;
	[tilespmem:v3+s19+$0x0] =	vst.idx.add.f32.msk $0xffff, v1  }
.Ltmp7:
0xf9: {  	v3 =	vcvt.f32.s32 v5;
	v5 =	vtrunc.f32 v12;
	[tilespmem:v4+s19+$0x0] =	vst.idx.add.f32.msk $0xffff, v1;
	(pc) =	sbr.rel @p0 .LBB2_16-.Ltmp7, $4  }
0xfa: {  	s2 =	simm.s32 $0x0;
	v10 =	vtrunc.f32 v13;
	v4 =	vcvt.f32.s32 v5;
	[tilespmem:v6+s19+$0x0] =	vst.idx.add.f32.msk $0xffff, v1  }
0xfb: {  	v5 =	vcvt.f32.s32 v10;
	[tilespmem:v7+s19+$0x0] =	vst.idx.add.f32.msk $0xffff, v1  }
0xfc: {  	[tilespmem:v8+s19+$0x0] =	vst.idx.add.f32.msk $0xffff, v1  }
0xfd: {  	s1 =	sadd.s32 $0x80, s1;
	[tilespmem:v9+s19+$0x0] =	vst.idx.add.f32.msk $0xffff, v1  }
0xfe: {  	_ =	sdelay $0x3  }
0xff: {  	[tilespmem:v5+s19+$0x0] =	vst.idx.add.f32.msk $0xffff, v1  }
0x100: {  	[tilespmem:v2+s19+$0x0] =	vst.idx.add.f32.msk $0xffff, v1  }
0x101: {  	[tilespmem:v3+s19+$0x0] =	vst.idx.add.f32.msk $0xffff, v1  }
0x102: {  	[tilespmem:v4+s19+$0x0] =	vst.idx.add.f32.msk $0xffff, v1  }
.LBB2_18:
0x103: {  	s0 =	sshra.s32 s2, $0x2  }
0x104: {  	v2 =	vld [tilespmem:s0+$0x6180];
	_ =	sdelay $0x4  }
0x105: {  	v2 =	vtrunc.f32 v2  }
0x106: {  	v2 =	vcvt.f32.s32 v2  }
0x107: {  	p0 =	sne.s32 s2, $0x40  }
.Ltmp8:
0x108: {  	_ = 	snop;
	(pc) =	sbr.rel @p0 .LBB2_18-.Ltmp8, $2  }
0x109: {  	_ =	sdelay $0x2  }
0x10a: {  	s2 =	sadd.s32 $0x40, s2;
	[tilespmem:v2+s19+$0x0] =	vst.idx.add.f32.msk $0xffff, v1  }
0x10b: {  	v2 =	vld [tilespmem:$0x61A0];
	_ =	sdelay $0x4  }
0x10c: {  	v2 =	vtrunc.f32 v2  }
0x10d: {  	v2 =	vcvt.f32.s32 v2;
	_ =	sdelay $0x5  }
0x10e: {  	[tilespmem:v2+s19+$0x0] =	vst.idx.add.f32.msk $0xff, v1  }
0x10f: {  	_ =	swait.ge [sflag:s5], $0x61A8  }
0x110: {  	[sflag:s5] =	ssyncset.done $0x0  }
0x111: {  	s0 =	simm.s32 $0x6240;
	[sflag:s5] =	ssyncadd.s32 $0xFFFF9E58  }
0x112: {  	v2 =	vld [tilespmem:s0+$0x30]  }
0x113: {  	v3 =	vld [tilespmem:s0+$0xFFFFFFD0]  }
0x114: {  	v4 =	vld [tilespmem:s0+$0xFFFFFFE0]  }
0x115: {  	v5 =	vld [tilespmem:s0+$0xFFFFFFF0];
	_ =	sdelay $0x1  }
0x116: {  	v2 =	vtrunc.f32 v2  }
0x117: {  	v6 =	vld [tilespmem:s0+$0x0];
	v3 =	vtrunc.f32 v3;
	v2 =	vcvt.f32.s32 v2  }
0x118: {  	v7 =	vld [tilespmem:s0+$0x10];
	v8 =	vcvt.f32.s32 v3;
	v3 =	vtrunc.f32 v4  }
0x119: {  	v4 =	vld [tilespmem:s0+$0x20];
	v9 =	vcvt.f32.s32 v3;
	v3 =	vtrunc.f32 v5  }
0x11a: {  	v5 =	vld [tilespmem:s0+$0xFFFFFFC0];
	v10 =	vcvt.f32.s32 v3;
	_ =	sdelay $0x2  }
0x11b: {  	v3 =	vtrunc.f32 v6;
	v6 =	vtrunc.f32 v7;
	[tilespmem:v2+s19+$0x0] =	vst.idx.add.f32.msk $0xffff, v1  }
0x11c: {  	v4 =	vtrunc.f32 v4;
	v2 =	vcvt.f32.s32 v3;
	[tilespmem:v8+s19+$0x0] =	vst.idx.add.f32.msk $0xffff, v1  }
0x11d: {  	v3 =	vcvt.f32.s32 v6;
	v5 =	vtrunc.f32 v5;
	[tilespmem:v9+s19+$0x0] =	vst.idx.add.f32.msk $0xffff, v1  }
0x11e: {  	s1 =	simm.s32 $0x62C0;
	s0 =	simm.s32 $0x0;
	v4 =	vcvt.f32.s32 v4;
	v5 =	vcvt.f32.s32 v5;
	[tilespmem:v10+s19+$0x0] =	vst.idx.add.f32.msk $0xffff, v1  }
.LBB2_20:
0x11f: {  	v6 =	vld [tilespmem:s1+$0x30];
	s0 =	sadd.s32 $0x8, s0  }
0x120: {  	v7 =	vld [tilespmem:s1+$0xFFFFFFD0];
	p0 =	slt.u32 s0, $0x610  }
0x121: {  	v8 =	vld [tilespmem:s1+$0xFFFFFFE0]  }
0x122: {  	v9 =	vld [tilespmem:s1+$0xFFFFFFF0]  }
0x123: {  	v10 =	vld [tilespmem:s1+$0x0]  }
0x124: {  	v11 =	vld [tilespmem:s1+$0x10];
	v6 =	vtrunc.f32 v6  }
0x125: {  	v7 =	vtrunc.f32 v7;
	v12 =	vld [tilespmem:s1+$0x20];
	v6 =	vcvt.f32.s32 v6  }
0x126: {  	v13 =	vld [tilespmem:s1+$0xFFFFFFC0];
	v7 =	vcvt.f32.s32 v7;
	v8 =	vtrunc.f32 v8  }
0x127: {  	v8 =	vcvt.f32.s32 v8;
	v9 =	vtrunc.f32 v9;
	[tilespmem:v5+s19+$0x0] =	vst.idx.add.f32.msk $0xffff, v1  }
0x128: {  	v9 =	vcvt.f32.s32 v9;
	v5 =	vtrunc.f32 v10;
	[tilespmem:v2+s19+$0x0] =	vst.idx.add.f32.msk $0xffff, v1  }
0x129: {  	v2 =	vcvt.f32.s32 v5;
	v5 =	vtrunc.f32 v11;
	[tilespmem:v3+s19+$0x0] =	vst.idx.add.f32.msk $0xffff, v1  }
.Ltmp9:
0x12a: {  	v3 =	vcvt.f32.s32 v5;
	v5 =	vtrunc.f32 v12;
	[tilespmem:v4+s19+$0x0] =	vst.idx.add.f32.msk $0xffff, v1;
	(pc) =	sbr.rel @p0 .LBB2_20-.Ltmp9, $4  }
0x12b: {  	s2 =	simm.s32 $0x0;
	v10 =	vtrunc.f32 v13;
	v4 =	vcvt.f32.s32 v5;
	[tilespmem:v6+s19+$0x0] =	vst.idx.add.f32.msk $0xffff, v1  }
0x12c: {  	v5 =	vcvt.f32.s32 v10;
	[tilespmem:v7+s19+$0x0] =	vst.idx.add.f32.msk $0xffff, v1  }
0x12d: {  	[tilespmem:v8+s19+$0x0] =	vst.idx.add.f32.msk $0xffff, v1  }
0x12e: {  	s1 =	sadd.s32 $0x80, s1;
	[tilespmem:v9+s19+$0x0] =	vst.idx.add.f32.msk $0xffff, v1  }
0x12f: {  	_ =	sdelay $0x3  }
0x130: {  	[tilespmem:v5+s19+$0x0] =	vst.idx.add.f32.msk $0xffff, v1  }
0x131: {  	[tilespmem:v2+s19+$0x0] =	vst.idx.add.f32.msk $0xffff, v1  }
0x132: {  	[tilespmem:v3+s19+$0x0] =	vst.idx.add.f32.msk $0xffff, v1  }
0x133: {  	[tilespmem:v4+s19+$0x0] =	vst.idx.add.f32.msk $0xffff, v1  }
.LBB2_22:
0x134: {  	s0 =	sshra.s32 s2, $0x2  }
0x135: {  	v2 =	vld [tilespmem:s0+$0xC380];
	_ =	sdelay $0x4  }
0x136: {  	v2 =	vtrunc.f32 v2  }
0x137: {  	v2 =	vcvt.f32.s32 v2  }
0x138: {  	p0 =	sne.s32 s2, $0x40  }
.Ltmp10:
0x139: {  	_ = 	snop;
	(pc) =	sbr.rel @p0 .LBB2_22-.Ltmp10, $2  }
0x13a: {  	_ =	sdelay $0x2  }
0x13b: {  	s2 =	sadd.s32 $0x40, s2;
	[tilespmem:v2+s19+$0x0] =	vst.idx.add.f32.msk $0xffff, v1  }
0x13c: {  	v2 =	vld [tilespmem:$0xC3A0];
	_ =	sdelay $0x4  }
0x13d: {  	v2 =	vtrunc.f32 v2  }
0x13e: {  	v2 =	vcvt.f32.s32 v2;
	_ =	sdelay $0x5  }
0x13f: {  	s0 =	rddreg [dreg:$0x10];
	s1 =	simm.s32 $0x400;
	[tilespmem:v2+s19+$0x0] =	vst.idx.add.f32.msk $0xff, v1  }
0x140: {  	[spmem:s0] =	stream.strided.scatter [tilespmem:s19], [sflag:$0x4], $0x1000, s1, s6, $0x38;
	[tilespmem:$0x15700] =	vst v63  }
0x141: {  	_ =	swait.ge [sflag:s7], $0x1000  }
0x142: {  	[sflag:s7] =	ssyncset.done $0x0  }
0x143: {  	[sflag:s7] =	ssyncadd.s32 $0xFFFFF000  }
0x144: {  	[bflag:$0x0] =	sbarrier.arrive $0xFFFF  }
0x145: {  	s2 =	rddreg [dreg:$0x11]  }
0x146: {  	s3 =	simm.s32 $0x13600;
	s5 =	sld [smem:$0x7EE]  }
0x147: {  	[tilespmem:s3], [sflag:$0x1] =	stream.linear.gather [spmem:s2], $0x80, $0x38;
	[tilespmem:$0x15700] =	vst v63  }
0x148: {  	s6 =	simm.s32 $0x13A00;
	s7 =	rddreg [dreg:$0x12]  }
0x149: {  	[tilespmem:s6], [sflag:$0x1] =	stream.linear.gather [spmem:s5], $0x80, $0x38;
	[tilespmem:$0x15700] =	vst v63  }
0x14a: {  	s8 =	simm.s32 $0x13680;
	s9 =	sld [smem:$0x7EF]  }
0x14b: {  	[tilespmem:s8], [sflag:$0x1] =	stream.linear.gather [spmem:s7], $0x80, $0x38;
	[tilespmem:$0x15700] =	vst v63  }
0x14c: {  	s10 =	simm.s32 $0x13A80;
	s11 =	rddreg [dreg:$0x13]  }
0x14d: {  	[tilespmem:s10], [sflag:$0x1] =	stream.linear.gather [spmem:s9], $0x80, $0x38;
	[tilespmem:$0x15700] =	vst v63  }
0x14e: {  	s12 =	simm.s32 $0x13700;
	s13 =	sld [smem:$0x7F0]  }
0x14f: {  	[tilespmem:s12], [sflag:$0x1] =	stream.linear.gather [spmem:s11], $0x80, $0x38;
	[tilespmem:$0x15700] =	vst v63  }
0x150: {  	s14 =	simm.s32 $0x13B00;
	s15 =	rddreg [dreg:$0x14]  }
0x151: {  	[tilespmem:s14], [sflag:$0x1] =	stream.linear.gather [spmem:s13], $0x80, $0x38;
	[tilespmem:$0x15700] =	vst v63  }
0x152: {  	s16 =	simm.s32 $0x13780;
	s17 =	sld [smem:$0x7F1]  }
0x153: {  	[tilespmem:s16], [sflag:$0x1] =	stream.linear.gather [spmem:s15], $0x80, $0x38;
	[tilespmem:$0x15700] =	vst v63  }
0x154: {  	s18 =	simm.s32 $0x13B80;
	s20 =	rddreg [dreg:$0x15]  }
0x155: {  	[tilespmem:s18], [sflag:$0x1] =	stream.linear.gather [spmem:s17], $0x80, $0x38;
	[tilespmem:$0x15700] =	vst v63  }
0x156: {  	s21 =	simm.s32 $0x13800;
	s22 =	sld [smem:$0x7F2]  }
0x157: {  	[tilespmem:s21], [sflag:$0x1] =	stream.linear.gather [spmem:s20], $0x80, $0x38;
	[tilespmem:$0x15700] =	vst v63  }
0x158: {  	s23 =	simm.s32 $0x13C00;
	s24 =	rddreg [dreg:$0x16]  }
0x159: {  	[tilespmem:s23], [sflag:$0x1] =	stream.linear.gather [spmem:s22], $0x80, $0x38;
	[tilespmem:$0x15700] =	vst v63  }
0x15a: {  	s25 =	simm.s32 $0x13880;
	s26 =	sld [smem:$0x7F3]  }
0x15b: {  	[tilespmem:s25], [sflag:$0x1] =	stream.linear.gather [spmem:s24], $0x80, $0x38;
	[tilespmem:$0x15700] =	vst v63  }
0x15c: {  	s28 =	simm.s32 $0x13C80;
	s29 =	rddreg [dreg:$0x17]  }
0x15d: {  	[tilespmem:s28], [sflag:$0x1] =	stream.linear.gather [spmem:s26], $0x80, $0x38;
	[tilespmem:$0x15700] =	vst v63  }
0x15e: {  	s30 =	simm.s32 $0x13900;
	s2 =	sld [smem:$0x7F4]  }
0x15f: {  	[tilespmem:s30], [sflag:$0x1] =	stream.linear.gather [spmem:s29], $0x80, $0x38;
	[tilespmem:$0x15700] =	vst v63  }
0x160: {  	s3 =	simm.s32 $0x13D00;
	s5 =	rddreg [dreg:$0x18]  }
0x161: {  	[tilespmem:s3], [sflag:$0x1] =	stream.linear.gather [spmem:s2], $0x80, $0x38;
	[tilespmem:$0x15700] =	vst v63  }
0x162: {  	s6 =	simm.s32 $0x13980;
	s7 =	sld [smem:$0x7F5]  }
0x163: {  	[tilespmem:s6], [sflag:$0x1] =	stream.linear.gather [spmem:s5], $0x80, $0x38;
	[tilespmem:$0x15700] =	vst v63  }
0x164: {  	s8 =	simm.s32 $0x13D80;
	s9 =	rddreg [dreg:$0x19]  }
0x165: {  	[tilespmem:s8], [sflag:$0x1] =	stream.linear.gather [spmem:s7], $0x80, $0x38;
	[tilespmem:$0x15700] =	vst v63  }
0x166: {  	s10 =	simm.s32 $0x13E00;
	s11 =	sld [smem:$0x7F6]  }
0x167: {  	[tilespmem:s10], [sflag:$0x1] =	stream.linear.gather [spmem:s9], $0x80, $0x38;
	[tilespmem:$0x15700] =	vst v63  }
0x168: {  	s12 =	simm.s32 $0x14200;
	s13 =	rddreg [dreg:$0x1a]  }
0x169: {  	[tilespmem:s12], [sflag:$0x1] =	stream.linear.gather [spmem:s11], $0x80, $0x38;
	[tilespmem:$0x15700] =	vst v63  }
0x16a: {  	s14 =	simm.s32 $0x13E80;
	s15 =	sld [smem:$0x7F7]  }
0x16b: {  	[tilespmem:s14], [sflag:$0x1] =	stream.linear.gather [spmem:s13], $0x80, $0x38;
	[tilespmem:$0x15700] =	vst v63  }
0x16c: {  	s16 =	simm.s32 $0x14280;
	s17 =	rddreg [dreg:$0x1b]  }
0x16d: {  	[tilespmem:s16], [sflag:$0x1] =	stream.linear.gather [spmem:s15], $0x80, $0x38;
	[tilespmem:$0x15700] =	vst v63  }
0x16e: {  	s18 =	simm.s32 $0x13F00;
	s20 =	sld [smem:$0x7F8]  }
0x16f: {  	[tilespmem:s18], [sflag:$0x1] =	stream.linear.gather [spmem:s17], $0x80, $0x38;
	[tilespmem:$0x15700] =	vst v63  }
0x170: {  	s21 =	simm.s32 $0x14300;
	s22 =	rddreg [dreg:$0x1c]  }
0x171: {  	[tilespmem:s21], [sflag:$0x1] =	stream.linear.gather [spmem:s20], $0x80, $0x38;
	[tilespmem:$0x15700] =	vst v63  }
0x172: {  	s23 =	simm.s32 $0x13F80;
	s24 =	sld [smem:$0x7F9]  }
0x173: {  	[tilespmem:s23], [sflag:$0x1] =	stream.linear.gather [spmem:s22], $0x80, $0x38;
	[tilespmem:$0x15700] =	vst v63  }
0x174: {  	s25 =	simm.s32 $0x14380;
	s26 =	rddreg [dreg:$0x1d]  }
0x175: {  	[tilespmem:s25], [sflag:$0x1] =	stream.linear.gather [spmem:s24], $0x80, $0x38;
	[tilespmem:$0x15700] =	vst v63  }
0x176: {  	s28 =	simm.s32 $0x14000;
	s29 =	sld [smem:$0x7FA]  }
0x177: {  	[tilespmem:s28], [sflag:$0x1] =	stream.linear.gather [spmem:s26], $0x80, $0x38;
	[tilespmem:$0x15700] =	vst v63  }
0x178: {  	s1 =	rddreg [dreg:$0x1e];
	s30 =	simm.s32 $0x14400  }
0x179: {  	[tilespmem:s30], [sflag:$0x1] =	stream.linear.gather [spmem:s29], $0x80, $0x38;
	[tilespmem:$0x15700] =	vst v63  }
0x17a: {  	s2 =	simm.s32 $0x14080;
	s3 =	sld [smem:$0x7FB]  }
0x17b: {  	[tilespmem:s2], [sflag:$0x1] =	stream.linear.gather [spmem:s1], $0x80, $0x38;
	[tilespmem:$0x15700] =	vst v63  }
0x17c: {  	s5 =	simm.s32 $0x14480;
	s6 =	rddreg [dreg:$0x1f]  }
0x17d: {  	[tilespmem:s5], [sflag:$0x1] =	stream.linear.gather [spmem:s3], $0x80, $0x38;
	[tilespmem:$0x15700] =	vst v63  }
0x17e: {  	s7 =	simm.s32 $0x14100;
	s8 =	sld [smem:$0x7FC]  }
0x17f: {  	[tilespmem:s7], [sflag:$0x1] =	stream.linear.gather [spmem:s6], $0x80, $0x38;
	[tilespmem:$0x15700] =	vst v63  }
0x180: {  	s9 =	simm.s32 $0x14500;
	s10 =	sld [smem:$0x7ED]  }
0x181: {  	[tilespmem:s9], [sflag:$0x1] =	stream.linear.gather [spmem:s8], $0x80, $0x38;
	[tilespmem:$0x15700] =	vst v63  }
0x182: {  	s11 =	simm.s32 $0x14180;
	s12 =	sld [smem:$0x7FD]  }
0x183: {  	[tilespmem:s11], [sflag:$0x1] =	stream.linear.gather [spmem:s10], $0x80, $0x38;
	[tilespmem:$0x15700] =	vst v63  }
0x184: {  	s13 =	simm.s32 $0x14580  }
0x185: {  	[tilespmem:s13], [sflag:$0x1] =	stream.linear.gather [spmem:s12], $0x80, $0x38;
	[tilespmem:$0x15700] =	vst v63  }
0x186: {  	_ =	swait.ge [sflag:s4], $0x100  }
0x187: {  	[sflag:s4] =	ssyncset.done $0x0  }
0x188: {  	[sflag:s4] =	ssyncadd.s32 $0xFFFFFF00  }
0x189: {  	_ =	swait.ge [sflag:s4], $0x100  }
0x18a: {  	[sflag:s4] =	ssyncset.done $0x0  }
0x18b: {  	[sflag:s4] =	ssyncadd.s32 $0xFFFFFF00  }
0x18c: {  	_ =	swait.ge [sflag:s4], $0x100  }
0x18d: {  	[sflag:s4] =	ssyncset.done $0x0  }
0x18e: {  	[sflag:s4] =	ssyncadd.s32 $0xFFFFFF00  }
0x18f: {  	_ =	swait.ge [sflag:s4], $0x100  }
0x190: {  	[sflag:s4] =	ssyncset.done $0x0  }
0x191: {  	[sflag:s4] =	ssyncadd.s32 $0xFFFFFF00  }
0x192: {  	_ =	swait.ge [sflag:s4], $0x100  }
0x193: {  	[sflag:s4] =	ssyncset.done $0x0  }
0x194: {  	[sflag:s4] =	ssyncadd.s32 $0xFFFFFF00  }
0x195: {  	_ =	swait.ge [sflag:s4], $0x100  }
0x196: {  	[sflag:s4] =	ssyncset.done $0x0  }
0x197: {  	[sflag:s4] =	ssyncadd.s32 $0xFFFFFF00  }
0x198: {  	_ =	swait.ge [sflag:s4], $0x100  }
0x199: {  	[sflag:s4] =	ssyncset.done $0x0  }
0x19a: {  	[sflag:s4] =	ssyncadd.s32 $0xFFFFFF00  }
0x19b: {  	_ =	swait.ge [sflag:s4], $0x100  }
0x19c: {  	[sflag:s4] =	ssyncset.done $0x0  }
0x19d: {  	[sflag:s4] =	ssyncadd.s32 $0xFFFFFF00  }
0x19e: {  	_ =	swait.ge [sflag:s4], $0x100  }
0x19f: {  	[sflag:s4] =	ssyncset.done $0x0  }
0x1a0: {  	[sflag:s4] =	ssyncadd.s32 $0xFFFFFF00  }
0x1a1: {  	_ =	swait.ge [sflag:s4], $0x100  }
0x1a2: {  	[sflag:s4] =	ssyncset.done $0x0  }
0x1a3: {  	[sflag:s4] =	ssyncadd.s32 $0xFFFFFF00  }
0x1a4: {  	_ =	swait.ge [sflag:s4], $0x100  }
0x1a5: {  	[sflag:s4] =	ssyncset.done $0x0  }
0x1a6: {  	[sflag:s4] =	ssyncadd.s32 $0xFFFFFF00  }
0x1a7: {  	_ =	swait.ge [sflag:s4], $0x100  }
0x1a8: {  	[sflag:s4] =	ssyncset.done $0x0  }
0x1a9: {  	[sflag:s4] =	ssyncadd.s32 $0xFFFFFF00  }
0x1aa: {  	_ =	swait.ge [sflag:s4], $0x100  }
0x1ab: {  	[sflag:s4] =	ssyncset.done $0x0  }
0x1ac: {  	[sflag:s4] =	ssyncadd.s32 $0xFFFFFF00  }
0x1ad: {  	_ =	swait.ge [sflag:s4], $0x100  }
0x1ae: {  	[sflag:s4] =	ssyncset.done $0x0  }
0x1af: {  	[sflag:s4] =	ssyncadd.s32 $0xFFFFFF00  }
0x1b0: {  	_ =	swait.ge [sflag:s4], $0x100  }
0x1b1: {  	[sflag:s4] =	ssyncset.done $0x0  }
0x1b2: {  	s23 =	simm.s32 $0x0;
	[sflag:s4] =	ssyncadd.s32 $0xFFFFFF00  }
0x1b3: {  	s0 =	sand.u32 $0x40, s23;
	s14 =	sand.u32 $0x400, s23;
	_ =	swait.ge [sflag:s4], $0x100  }
0x1b4: {  	s15 =	sor.u32 $0x30, s0;
	s2 =	sadd.s32 $0x13600, s14;
	[sflag:s4] =	ssyncset.done $0x0  }
0x1b5: {  	s3 =	sor.u32 s15, s2;
	[sflag:s4] =	ssyncadd.s32 $0xFFFFFF00  }
0x1b6: {  	v11 =	vld [tilespmem:s3+$0x0]  }
0x1b7: {  	s16 =	sor.u32 s0, s2;
	v12 =	vld [tilespmem:s3+$0x80]  }
0x1b8: {  	v13 =	vld [tilespmem:s16+$0x0]  }
0x1b9: {  	v14 =	vld [tilespmem:s3+$0x100]  }
0x1ba: {  	s24 =	sor.u32 $0x10, s0;
	v15 =	vld [tilespmem:s16+$0x80]  }
0x1bb: {  	s5 =	sor.u32 s24, s2;
	v16 =	vld [tilespmem:s3+$0x180]  }
0x1bc: {  	v17 =	vld [tilespmem:s5+$0x0]  }
0x1bd: {  	v18 =	vld [tilespmem:s3+$0x200]  }
0x1be: {  	s25 =	sor.u32 $0x20, s0;
	v19 =	vld [tilespmem:s5+$0x80]  }
0x1bf: {  	s2 =	sor.u32 s25, s2;
	v20 =	vld [tilespmem:s3+$0x280]  }
0x1c0: {  	v21 =	vld [tilespmem:s2+$0x0]  }
0x1c1: {  	v22 =	vld [tilespmem:s3+$0x300]  }
0x1c2: {  	v23 =	vld [tilespmem:s2+$0x80]  }
0x1c3: {  	s17 =	sadd.s32 $0x13E00, s14;
	v10 =	vld [tilespmem:s3+$0x380]  }
0x1c4: {  	s18 =	sor.u32 s15, s17;
	v24 =	vld [tilespmem:s16+$0x100]  }
0x1c5: {  	s7 =	sadd.s32 $0x13E80, s14;
	v9 =	vld [tilespmem:s18+$0x0]  }
0x1c6: {  	s20 =	sor.u32 s15, s7;
	s10 =	sor.u32 $0x14000, s14;
	v25 =	vld [tilespmem:s5+$0x100]  }
0x1c7: {  	s26 =	sor.u32 s15, s10;
	v6 =	vld [tilespmem:s20+$0x0]  }
0x1c8: {  	s8 =	sadd.s32 $0x13F00, s14;
	v2 =	vld [tilespmem:s26+$0x0]  }
0x1c9: {  	s21 =	sor.u32 s15, s8;
	v26 =	vld [tilespmem:s2+$0x100]  }
0x1ca: {  	s9 =	sadd.s32 $0x13F80, s14;
	v8 =	vld [tilespmem:s21+$0x0]  }
0x1cb: {  	s22 =	sor.u32 s15, s9;
	v27 =	vld [tilespmem:s16+$0x180]  }
0x1cc: {  	s11 =	sor.u32 $0x14080, s14;
	v7 =	vld [tilespmem:s22+$0x0]  }
0x1cd: {  	s28 =	sor.u32 s15, s11;
	v28 =	vld [tilespmem:s5+$0x180];
	[tilespmem:$0x1FFC0] =	vst v2  }
0x1ce: {  	v2 =	vld [tilespmem:s28+$0x0];
	_ =	sdelay $0x3  }
0x1cf: {  	s12 =	sor.u32 $0x14100, s14  }
0x1d0: {  	s29 =	sor.u32 s15, s12;
	v29 =	vld [tilespmem:s2+$0x180];
	[tilespmem:$0x1FFD0] =	vst v2  }
0x1d1: {  	v2 =	vld [tilespmem:s29+$0x0];
	_ =	sdelay $0x3  }
0x1d2: {  	s1 =	sor.u32 $0x14180, s14  }
0x1d3: {  	s30 =	sor.u32 s15, s1;
	v30 =	vld [tilespmem:s16+$0x200];
	[tilespmem:$0x1FFE0] =	vst v2  }
0x1d4: {  	v2 =	vld [tilespmem:s30+$0x0];
	_ =	sdelay $0x4  }
0x1d5: {  	v31 =	vld [tilespmem:s5+$0x200];
	[tilespmem:$0x1FFF0] =	vst v2  }
0x1d6: {  	v32 =	vld [tilespmem:s2+$0x200]  }
0x1d7: {  	v33 =	vld [tilespmem:s16+$0x280]  }
0x1d8: {  	v34 =	vld [tilespmem:s5+$0x280]  }
0x1d9: {  	v35 =	vld [tilespmem:s2+$0x280]  }
0x1da: {  	v36 =	vld [tilespmem:s16+$0x300]  }
0x1db: {  	v37 =	vld [tilespmem:s5+$0x300]  }
0x1dc: {  	v38 =	vld [tilespmem:s2+$0x300]  }
0x1dd: {  	v39 =	vld [tilespmem:s16+$0x380]  }
0x1de: {  	v40 =	vld [tilespmem:s5+$0x380]  }
0x1df: {  	s13 =	sor.u32 s0, s17;
	v41 =	vld [tilespmem:s2+$0x380]  }
0x1e0: {  	s14 =	sor.u32 s24, s17;
	v42 =	vld [tilespmem:s13+$0x0]  }
0x1e1: {  	s18 =	sor.u32 s24, s7;
	v43 =	vld [tilespmem:s14+$0x0]  }
0x1e2: {  	s20 =	sor.u32 s25, s7;
	v46 =	vld [tilespmem:s18+$0x0]  }
0x1e3: {  	s21 =	sor.u32 s0, s8;
	v47 =	vld [tilespmem:s20+$0x0]  }
0x1e4: {  	s22 =	sor.u32 s24, s8;
	v48 =	vld [tilespmem:s21+$0x0]  }
0x1e5: {  	s26 =	sor.u32 s25, s8;
	v49 =	vld [tilespmem:s22+$0x0]  }
0x1e6: {  	s28 =	sor.u32 s0, s9;
	v50 =	vld [tilespmem:s26+$0x0]  }
0x1e7: {  	s29 =	sor.u32 s24, s9;
	v51 =	vld [tilespmem:s28+$0x0]  }
0x1e8: {  	s30 =	sor.u32 s25, s9;
	v52 =	vld [tilespmem:s29+$0x0]  }
0x1e9: {  	s4 =	sor.u32 s0, s10;
	v53 =	vld [tilespmem:s30+$0x0]  }
0x1ea: {  	s6 =	sor.u32 s25, s10;
	v54 =	vld [tilespmem:s4+$0x0]  }
0x1eb: {  	s8 =	sor.u32 s24, s11;
	v56 =	vld [tilespmem:s6+$0x0]  }
0x1ec: {  	s9 =	sor.u32 s25, s11;
	v58 =	vld [tilespmem:s8+$0x0]  }
0x1ed: {  	s16 =	sor.u32 s25, s17;
	v59 =	vld [tilespmem:s9+$0x0]  }
0x1ee: {  	s17 =	sor.u32 s0, s7;
	v44 =	vld [tilespmem:s16+$0x0]  }
0x1ef: {  	s5 =	sor.u32 s24, s10;
	v45 =	vld [tilespmem:s17+$0x0]  }
0x1f0: {  	s7 =	sor.u32 s0, s11;
	v55 =	vld [tilespmem:s5+$0x0]  }
0x1f1: {  	s10 =	sor.u32 s0, s12;
	v57 =	vld [tilespmem:s7+$0x0]  }
0x1f2: {  	s11 =	sor.u32 s24, s12;
	v60 =	vld [tilespmem:s10+$0x0]  }
0x1f3: {  	s12 =	sor.u32 s25, s12;
	v61 =	vld [tilespmem:s11+$0x0]  }
0x1f4: {  	s0 =	sor.u32 s0, s1;
	s13 =	simm.s32 $0x200;
	s28 =	simm.s32 $0x40;
	v62 =	vld [tilespmem:s12+$0x0]  }
0x1f5: {  	s14 =	sor.u32 s24, s1;
	s20 =	sand.u32 $0x40, s28;
	s16 =	sand.u32 $0x400, s13;
	v63 =	vld [tilespmem:s0+$0x0]  }
0x1f6: {  	v11 =	vadd.f32 v12, v11;
	s17 =	sor.u32 s25, s1;
	v4 =	vld [tilespmem:s14+$0x0];
	s2 =	sadd.s32 $0x13600, s16;
	s26 =	sor.u32 $0x30, s20  }
0x1f7: {  	v5 =	vld [tilespmem:s17+$0x0];
	s18 =	sor.u32 s26, s2  }
0x1f8: {  	v11 =	vadd.f32 v14, v11;
	v12 =	vld [tilespmem:s18+$0x0]  }
0x1f9: {  	s21 =	sor.u32 s20, s2;
	v14 =	vld [tilespmem:s18+$0x80]  }
0x1fa: {  	v11 =	vadd.f32 v16, v11;
	v3 =	vld [tilespmem:s21+$0x0]  }
0x1fb: {  	v16 =	vld [tilespmem:s18+$0x100]  }
0x1fc: {  	v11 =	vadd.f32 v18, v11;
	v2 =	vld [tilespmem:s18+$0x180]  }
0x1fd: {  	v17 =	vadd.f32 v19, v17;
	v18 =	vld [tilespmem:s18+$0x200]  }
0x1fe: {  	v13 =	vadd.f32 v15, v13;
	v11 =	vadd.f32 v20, v11;
	v15 =	vld [tilespmem:s18+$0x280]  }
0x1ff: {  	v17 =	vadd.f32 v25, v17;
	s22 =	sadd.s32 $0x13E00, s16;
	v19 =	vld [tilespmem:s18+$0x300]  }
0x200: {  	v20 =	vadd.f32 v23, v21;
	v11 =	vadd.f32 v22, v11;
	s6 =	sadd.s32 $0x13E80, s16;
	s1 =	sor.u32 s26, s22;
	v21 =	vld [tilespmem:s18+$0x380]  }
0x201: {  	s5 =	sadd.s32 $0x13F00, s16;
	s4 =	sor.u32 s26, s6;
	v22 =	vld [tilespmem:s1+$0x0]  }
0x202: {  	v10 =	vadd.f32 v10, v11;
	v11 =	vadd.f32 v28, v17;
	s0 =	sor.u32 $0x14000, s16;
	s9 =	sor.u32 s26, s5;
	v23 =	vld [tilespmem:s4+$0x0]  }
0x203: {  	v13 =	vadd.f32 v24, v13;
	s11 =	sor.u32 s26, s0;
	v17 =	vld [tilespmem:s9+$0x0]  }
0x204: {  	v31 =	vadd.f32 v31, v11;
	s31 =	sor.u32 $0x10, s20;
	v11 =	vld [tilespmem:s11+$0x0]  }
0x205: {  	v13 =	vadd.f32 v27, v13;
	v20 =	vadd.f32 v26, v20;
	s14 =	sor.u32 s31, s2;
	v26 =	vld [tilespmem:s21+$0x80]  }
0x206: {  	v27 =	vld [tilespmem:s14+$0x0]  }
0x207: {  	v30 =	vadd.f32 v30, v13;
	v9 =	vadd.f32 v9, v10;
	s30 =	sor.u32 $0x14100, s16;
	v28 =	vld [tilespmem:s21+$0x100]  }
0x208: {  	v20 =	vadd.f32 v29, v20;
	s29 =	sor.u32 $0x14180, s16;
	s13 =	sor.u32 s26, s30;
	v29 =	vld [tilespmem:s14+$0x100]  }
0x209: {  	s8 =	sor.u32 s26, s29;
	v24 =	vadd.f32 v33, v30;
	v33 =	vadd.f32 v6, v9;
	v9 =	vld [tilespmem:s13+$0x0]  }
0x20a: {  	v20 =	vadd.f32 v32, v20;
	v6 =	vld [tilespmem:s8+$0x0]  }
0x20b: {  	v25 =	vadd.f32 v34, v31;
	v30 =	vld [tilespmem:s21+$0x180]  }
0x20c: {  	v31 =	vld [tilespmem:s14+$0x180];
	v20 =	vadd.f32 v35, v20;
	v24 =	vadd.f32 v36, v24  }
0x20d: {  	s4 =	sadd.s32 $0x13F80, s16;
	v32 =	vld [tilespmem:s21+$0x200];
	v8 =	vadd.f32 v8, v33;
	v25 =	vadd.f32 v37, v25  }
0x20e: {  	s1 =	sor.u32 $0x14080, s16;
	s10 =	sor.u32 s26, s4;
	v34 =	vld [tilespmem:s21+$0x280];
	v20 =	vadd.f32 v38, v20;
	v24 =	vadd.f32 v39, v24  }
0x20f: {  	s12 =	sor.u32 s26, s1;
	v13 =	vld [tilespmem:s10+$0x0];
	v7 =	vadd.f32 v7, v8;
	v8 =	vadd.f32 v40, v25  }
0x210: {  	v10 =	vld [tilespmem:s12+$0x0];
	v20 =	vadd.f32 v41, v20;
	v24 =	vadd.f32 v42, v24  }
0x211: {  	v33 =	vld [tilespmem:s14+$0x200];
	v12 =	vadd.f32 v14, v12;
	v8 =	vadd.f32 v43, v8  }
0x212: {  	v35 =	vld [tilespmem:s14+$0x280];
	v20 =	vadd.f32 v44, v20;
	v24 =	vadd.f32 v45, v24  }
0x213: {  	v36 =	vld [tilespmem:s21+$0x300];
	v3 =	vadd.f32 v26, v3;
	v8 =	vadd.f32 v46, v8  }
0x214: {  	v25 =	vld [tilespmem:s14+$0x80];
	v20 =	vadd.f32 v47, v20;
	v24 =	vadd.f32 v48, v24  }
0x215: {  	v14 =	vld [tilespmem:s21+$0x380];
	v12 =	vadd.f32 v16, v12;
	v8 =	vadd.f32 v49, v8  }
0x216: {  	s8 =	sor.u32 $0x20, s20;
	v38 =	vld [tilespmem:s14+$0x380];
	v20 =	vadd.f32 v50, v20;
	v24 =	vadd.f32 v51, v24  }
0x217: {  	s2 =	sor.u32 s8, s2;
	v42 =	vld [tilespmem:$0x1FFC0];
	v3 =	vadd.f32 v28, v3;
	v8 =	vadd.f32 v52, v8  }
0x218: {  	v43 =	vld [tilespmem:s2+$0x200];
	v20 =	vadd.f32 v53, v20;
	v24 =	vadd.f32 v54, v24  }
0x219: {  	v45 =	vld [tilespmem:$0x1FFD0];
	v2 =	vadd.f32 v2, v12;
	v8 =	vadd.f32 v55, v8  }
0x21a: {  	v46 =	vld [tilespmem:s2+$0x300];
	v20 =	vadd.f32 v56, v20;
	v24 =	vadd.f32 v57, v24  }
0x21b: {  	v3 =	vadd.f32 v30, v3;
	v48 =	vld [tilespmem:$0x1FFE0];
	v8 =	vadd.f32 v58, v8  }
0x21c: {  	v58 =	vadd.f32 v59, v20;
	v59 =	vadd.f32 v60, v24;
	v60 =	vld [tilespmem:s2+$0x0]  }
0x21d: {  	v44 =	vadd.f32 v25, v27;
	v8 =	vadd.f32 v61, v8;
	v61 =	vld [tilespmem:s2+$0x80]  }
0x21e: {  	v2 =	vadd.f32 v18, v2;
	v47 =	vld [tilespmem:s2+$0x380];
	v3 =	vadd.f32 v32, v3  }
0x21f: {  	s17 =	sor.u32 s31, s22;
	v7 =	vadd.f32 v42, v7;
	v42 =	vld [tilespmem:s2+$0x100];
	v18 =	vadd.f32 v29, v44  }
0x220: {  	v49 =	vld [tilespmem:s17+$0x0];
	v2 =	vadd.f32 v15, v2;
	v3 =	vadd.f32 v34, v3  }
0x221: {  	v7 =	vadd.f32 v45, v7;
	v4 =	vadd.f32 v4, v8;
	v8 =	vld [tilespmem:s2+$0x180]  }
0x222: {  	s18 =	sor.u32 s8, s22;
	v51 =	vld [tilespmem:$0x1FFF0];
	v18 =	vadd.f32 v31, v18;
	v12 =	vadd.f32 v61, v60  }
0x223: {  	s16 =	sor.u32 s20, s22;
	s22 =	sor.u32 s31, s6;
	v50 =	vld [tilespmem:s18+$0x0];
	v2 =	vadd.f32 v19, v2;
	v3 =	vadd.f32 v36, v3  }
0x224: {  	v52 =	vld [tilespmem:s22+$0x0];
	v7 =	vadd.f32 v48, v7;
	v12 =	vadd.f32 v42, v12  }
0x225: {  	v45 =	vld [tilespmem:s2+$0x280];
	v18 =	vadd.f32 v33, v18;
	v2 =	vadd.f32 v21, v2  }
0x226: {  	s3 =	sor.u32 s8, s6;
	v57 =	vld [tilespmem:s14+$0x300];
	v3 =	vadd.f32 v14, v3;
	v8 =	vadd.f32 v8, v12  }
0x227: {  	s21 =	sor.u32 s20, s6;
	s6 =	sor.u32 s20, s5;
	v54 =	vld [tilespmem:s3+$0x0];
	v7 =	vadd.f32 v51, v7;
	v2 =	vadd.f32 v22, v2  }
0x228: {  	v55 =	vld [tilespmem:s6+$0x0];
	v16 =	vadd.f32 v62, v58;
	v8 =	vadd.f32 v43, v8  }
0x229: {  	s7 =	sor.u32 s31, s5;
	v48 =	vld [tilespmem:s16+$0x0];
	v53 =	vadd.f32 v35, v18;
	v2 =	vadd.f32 v23, v2  }
0x22a: {  	v56 =	vld [tilespmem:s7+$0x0];
	v5 =	vadd.f32 v5, v16;
	v8 =	vadd.f32 v45, v8  }
0x22b: {  	s10 =	sor.u32 s20, s4;
	v51 =	vld [tilespmem:s21+$0x0];
	v2 =	vadd.f32 v17, v2;
	v16 =	vadd.f32 v57, v53  }
0x22c: {  	s11 =	sor.u32 s31, s4;
	v20 =	vadd.f32 v63, v59;
	v58 =	vld [tilespmem:s10+$0x0];
	v8 =	vadd.f32 v46, v8  }
0x22d: {  	s16 =	sor.u32 s31, s0;
	v59 =	vld [tilespmem:s11+$0x0];
	v2 =	vadd.f32 v13, v2;
	v16 =	vadd.f32 v38, v16  }
0x22e: {  	s9 =	sor.u32 s8, s5;
	v3 =	vadd.f32 v48, v3;
	v62 =	vld [tilespmem:s16+$0x0];
	v8 =	vadd.f32 v47, v8  }
0x22f: {  	s12 =	sor.u32 s8, s4;
	v57 =	vld [tilespmem:s9+$0x0];
	v2 =	vadd.f32 v11, v2;
	v11 =	vadd.f32 v49, v16  }
0x230: {  	s13 =	sor.u32 s20, s0;
	s14 =	sand.u32 $0x80, s23;
	v3 =	vadd.f32 v51, v3;
	v60 =	vld [tilespmem:s12+$0x0];
	v8 =	vadd.f32 v50, v8  }
0x231: {  	s17 =	sor.u32 $0x14600, s14;
	s21 =	sor.u32 s20, s1;
	v61 =	vld [tilespmem:s13+$0x0];
	v2 =	vadd.f32 v10, v2;
	v10 =	vadd.f32 v52, v11  }
0x232: {  	s28 =	sand.u32 $0x80, s28;
	s0 =	sor.u32 s8, s0;
	s2 =	sor.u32 s15, s17;
	v63 =	vld [tilespmem:s21+$0x0];
	v3 =	vadd.f32 v55, v3;
	v8 =	vadd.f32 v54, v8  }
0x233: {  	s5 =	sor.u32 s8, s29;
	s23 =	sor.u32 s20, s30;
	s3 =	sor.u32 s24, s17;
	[tilespmem:s2+$0x0] =	vst v7;
	v11 =	vld [tilespmem:s0+$0x0];
	v9 =	vadd.f32 v9, v2;
	v10 =	vadd.f32 v56, v10  }
0x234: {  	s22 =	sor.u32 s31, s1;
	s6 =	sor.u32 s20, s29;
	s7 =	sor.u32 s31, s29;
	[tilespmem:s3+$0x0] =	vst v4;
	v4 =	vld [tilespmem:s23+$0x0];
	v7 =	vadd.f32 v57, v8;
	v8 =	vadd.f32 v58, v3  }
0x235: {  	s1 =	sor.u32 s8, s1;
	s18 =	sor.u32 s25, s17;
	s24 =	sor.u32 s31, s30;
	v6 =	vadd.f32 v6, v9;
	v9 =	vadd.f32 v59, v10;
	v3 =	vld [tilespmem:s22+$0x0]  }
0x236: {  	s25 =	sor.u32 s8, s30;
	s30 =	sor.u32 $0x14600, s28;
	s15 =	simm.s32 $0x14600;
	[tilespmem:s18+$0x0] =	vst v5;
	v5 =	vld [tilespmem:s24+$0x0];
	v7 =	vadd.f32 v60, v7;
	v10 =	vadd.f32 v61, v8  }
0x237: {  	s31 =	sor.u32 s31, s30;
	s2 =	sor.u32 s26, s30;
	[tilespmem:s15+$0x0] =	vst v20;
	s23 =	simm.s32 $0x4;
	v2 =	vld [tilespmem:s1+$0x0];
	v9 =	vadd.f32 v62, v9  }
0x238: {  	s24 =	simm.s32 $0x400;
	s0 =	sor.u32 s8, s30;
	[tilespmem:s2+$0x0] =	vst v6;
	v6 =	vld [tilespmem:s25+$0x0];
	s25 =	simm.s32 $0x80;
	v8 =	vadd.f32 v11, v7;
	v7 =	vadd.f32 v63, v10  }
.LBB2_24:
0x239: {  	s4 =	sand.u32 $0x40, s25;
	s8 =	sand.u32 $0x400, s24;
	v10 =	vld [tilespmem:s6+$0x0]  }
0x23a: {  	s2 =	sadd.s32 $0x13600, s8;
	s20 =	sor.u32 $0x30, s4;
	v3 =	vadd.f32 v3, v9;
	v9 =	vld [tilespmem:s7+$0x0]  }
0x23b: {  	s3 =	sor.u32 s20, s2;
	v4 =	vadd.f32 v4, v7;
	v7 =	vld [tilespmem:s5+$0x0]  }
0x23c: {  	v2 =	vadd.f32 v2, v8;
	v8 =	vld [tilespmem:s3+$0x0]  }
0x23d: {  	s28 =	sor.u32 s4, s2;
	v3 =	vadd.f32 v5, v3;
	v5 =	vld [tilespmem:s3+$0x80]  }
0x23e: {  	v2 =	vadd.f32 v6, v2;
	v6 =	vld [tilespmem:s28+$0x0]  }
0x23f: {  	v4 =	vadd.f32 v10, v4;
	v10 =	vld [tilespmem:s3+$0x100]  }
0x240: {  	s15 =	sadd.s32 $0x40, s15;
	v3 =	vadd.f32 v9, v3;
	v9 =	vld [tilespmem:s28+$0x80];
	v2 =	vadd.f32 v7, v2  }
0x241: {  	[tilespmem:s15+$0x0] =	vst v4;
	v4 =	vld [tilespmem:s3+$0x180]  }
0x242: {  	s29 =	sor.u32 $0x10, s4;
	[tilespmem:s0+$0x0] =	vst v2;
	v2 =	vld [tilespmem:s3+$0x200]  }
0x243: {  	s1 =	sor.u32 s29, s2;
	[tilespmem:s31+$0x0] =	vst v3;
	v5 =	vadd.f32 v5, v8;
	v8 =	vld [tilespmem:s3+$0x280]  }
0x244: {  	v3 =	vld [tilespmem:s1+$0x0]  }
0x245: {  	s30 =	sor.u32 $0x20, s4;
	v7 =	vld [tilespmem:s1+$0x80]  }
0x246: {  	s26 =	sor.u32 s30, s2;
	v11 =	vld [tilespmem:s1+$0x100];
	v5 =	vadd.f32 v10, v5  }
0x247: {  	v10 =	vld [tilespmem:s26+$0x80]  }
0x248: {  	v6 =	vadd.f32 v9, v6;
	v9 =	vld [tilespmem:s26+$0x0];
	v4 =	vadd.f32 v4, v5  }
0x249: {  	v5 =	vld [tilespmem:s3+$0x300]  }
0x24a: {  	s11 =	sadd.s32 $0x13E00, s8;
	v2 =	vadd.f32 v2, v4;
	v4 =	vld [tilespmem:s3+$0x380]  }
0x24b: {  	s14 =	sor.u32 s20, s11;
	v3 =	vadd.f32 v7, v3;
	v7 =	vld [tilespmem:s28+$0x100]  }
0x24c: {  	s16 =	sadd.s32 $0x13E80, s8;
	v2 =	vadd.f32 v8, v2;
	v8 =	vld [tilespmem:s14+$0x0]  }
0x24d: {  	s21 =	sor.u32 s20, s16;
	v3 =	vadd.f32 v11, v3;
	v11 =	vld [tilespmem:s1+$0x180]  }
0x24e: {  	s22 =	sadd.s32 $0x13F00, s8;
	s10 =	sor.u32 $0x14000, s8;
	s12 =	sor.u32 s4, s11;
	v2 =	vadd.f32 v5, v2;
	v5 =	vadd.f32 v10, v9;
	v9 =	vld [tilespmem:s21+$0x0]  }
0x24f: {  	s13 =	sor.u32 s29, s11;
	s6 =	sor.u32 s20, s22;
	[dreg:$0x7] =	wrdreg s12;
	v10 =	vld [tilespmem:s26+$0x100]  }
0x250: {  	s17 =	sor.u32 s4, s16;
	s18 =	sor.u32 s29, s16;
	[dreg:$0x4] =	wrdreg s13;
	v2 =	vadd.f32 v4, v2;
	v4 =	vadd.f32 v7, v6;
	v6 =	vld [tilespmem:s6+$0x0]  }
0x251: {  	[dreg:$0x8] =	wrdreg s17;
	s12 =	sor.u32 s20, s10;
	s7 =	sadd.s32 $0x13F80, s8;
	v7 =	vld [tilespmem:s28+$0x180]  }
0x252: {  	s17 =	sor.u32 $0x14080, s8;
	s5 =	sor.u32 s29, s22;
	s9 =	sor.u32 s20, s7;
	v3 =	vadd.f32 v11, v3;
	v11 =	vld [tilespmem:s1+$0x200];
	v2 =	vadd.f32 v8, v2  }
0x253: {  	[dreg:$0x9] =	wrdreg s5;
	s13 =	sor.u32 s29, s7;
	s5 =	sor.u32 s20, s17;
	v8 =	vld [tilespmem:s9+$0x0]  }
0x254: {  	s0 =	sor.u32 s30, s11;
	s11 =	sor.u32 s4, s10;
	s3 =	sor.u32 s30, s16;
	v5 =	vadd.f32 v10, v5;
	v10 =	vld [tilespmem:s26+$0x180];
	v2 =	vadd.f32 v9, v2  }
0x255: {  	s31 =	sor.u32 $0x14180, s8;
	s16 =	sor.u32 s30, s7;
	[dreg:$0xa] =	wrdreg s3;
	v9 =	vld [tilespmem:s12+$0x0]  }
0x256: {  	s3 =	sor.u32 s30, s17;
	s14 =	sor.u32 s4, s22;
	s6 =	sor.u32 $0x14100, s8;
	v4 =	vadd.f32 v7, v4;
	v7 =	vld [tilespmem:s28+$0x200];
	v2 =	vadd.f32 v6, v2  }
0x257: {  	s21 =	sor.u32 s4, s7;
	s2 =	sor.u32 s29, s6;
	s7 =	sor.u32 s20, s6;
	v6 =	vld [tilespmem:s5+$0x0]  }
0x258: {  	s8 =	sor.u32 s30, s6;
	s9 =	sor.u32 s4, s17;
	s12 =	sor.u32 s29, s17;
	v2 =	vadd.f32 v8, v2;
	v8 =	vld [tilespmem:s7+$0x0]  }
0x259: {  	s17 =	sor.u32 s4, s6;
	s6 =	sor.u32 s4, s31;
	s4 =	sor.u32 s20, s31;
	v5 =	vadd.f32 v10, v5;
	v10 =	vld [tilespmem:s26+$0x200]  }
0x25a: {  	[dreg:$0x5] =	wrdreg s18;
	v2 =	vadd.f32 v9, v2;
	v9 =	vld [tilespmem:s4+$0x0]  }
0x25b: {  	s18 =	sor.u32 s30, s22;
	[dreg:$0x6] =	wrdreg s0;
	v4 =	vadd.f32 v7, v4;
	v7 =	vld [tilespmem:s1+$0x280];
	s4 =	sand.u32 $0x80, s25  }
0x25c: {  	s22 =	sor.u32 s29, s10;
	s10 =	sor.u32 s30, s10;
	v3 =	vadd.f32 v11, v3;
	v11 =	vld [tilespmem:s28+$0x300];
	s4 =	sor.u32 $0x14600, s4  }
0x25d: {  	s5 =	sor.u32 s30, s31;
	v2 =	vadd.f32 v6, v2;
	v6 =	vld [tilespmem:s28+$0x280];
	s0 =	sor.u32 s30, s4;
	s30 =	rddreg [dreg:$0x7]  }
0x25e: {  	v5 =	vadd.f32 v10, v5;
	v10 =	vld [tilespmem:s30+$0x0]  }
0x25f: {  	v2 =	vadd.f32 v8, v2;
	v8 =	vld [tilespmem:s26+$0x280]  }
0x260: {  	v3 =	vadd.f32 v7, v3;
	v7 =	vld [tilespmem:s1+$0x380]  }
0x261: {  	v2 =	vadd.f32 v9, v2;
	v9 =	vld [tilespmem:s1+$0x300]  }
0x262: {  	s7 =	sor.u32 s29, s31;
	s31 =	sor.u32 s29, s4;
	s4 =	sor.u32 s20, s4;
	v4 =	vadd.f32 v6, v4;
	v6 =	vld [tilespmem:s26+$0x300]  }
0x263: {  	[tilespmem:s4+$0x0] =	vst v2;
	v2 =	vld [tilespmem:s28+$0x380]  }
0x264: {  	v5 =	vadd.f32 v8, v5;
	v8 =	vld [tilespmem:s26+$0x380]  }
0x265: {  	s4 =	rddreg [dreg:$0x4];
	v4 =	vadd.f32 v11, v4;
	v11 =	vld [tilespmem:s9+$0x0]  }
0x266: {  	s26 =	rddreg [dreg:$0x8];
	v3 =	vadd.f32 v9, v3;
	v9 =	vld [tilespmem:s4+$0x0]  }
0x267: {  	s20 =	rddreg [dreg:$0x6];
	v5 =	vadd.f32 v6, v5;
	v6 =	vld [tilespmem:s26+$0x0]  }
0x268: {  	s28 =	rddreg [dreg:$0x5];
	v2 =	vadd.f32 v2, v4;
	v4 =	vld [tilespmem:s20+$0x0]  }
0x269: {  	s29 =	rddreg [dreg:$0xa];
	v3 =	vadd.f32 v7, v3;
	v7 =	vld [tilespmem:s28+$0x0]  }
0x26a: {  	v5 =	vadd.f32 v8, v5;
	v8 =	vld [tilespmem:s29+$0x0]  }
0x26b: {  	s30 =	rddreg [dreg:$0x9];
	v2 =	vadd.f32 v10, v2;
	v10 =	vld [tilespmem:s14+$0x0]  }
0x26c: {  	v3 =	vadd.f32 v9, v3;
	v9 =	vld [tilespmem:s30+$0x0]  }
0x26d: {  	v2 =	vadd.f32 v6, v2;
	v6 =	vld [tilespmem:s21+$0x0]  }
0x26e: {  	v4 =	vadd.f32 v4, v5;
	v5 =	vld [tilespmem:s18+$0x0]  }
0x26f: {  	v3 =	vadd.f32 v7, v3;
	v7 =	vld [tilespmem:s13+$0x0]  }
0x270: {  	v2 =	vadd.f32 v10, v2;
	v10 =	vld [tilespmem:s11+$0x0]  }
0x271: {  	v4 =	vadd.f32 v8, v4;
	v8 =	vld [tilespmem:s16+$0x0]  }
0x272: {  	s23 =	sadd.s32 $0x4, s23;
	v3 =	vadd.f32 v9, v3;
	v9 =	vld [tilespmem:s22+$0x0]  }
0x273: {  	p0 =	slt.u32 s23, $0xC;
	v2 =	vadd.f32 v6, v2;
	v6 =	vld [tilespmem:s10+$0x0]  }
.Ltmp11:
0x274: {  	v4 =	vadd.f32 v5, v4;
	v5 =	vadd.f32 v7, v3;
	v3 =	vld [tilespmem:s12+$0x0];
	(pc) =	sbr.rel @p0 .LBB2_24-.Ltmp11, $4  }
0x275: {  	v10 =	vadd.f32 v10, v2;
	v2 =	vld [tilespmem:s3+$0x0]  }
0x276: {  	v7 =	vadd.f32 v8, v4;
	v4 =	vld [tilespmem:s17+$0x0]  }
0x277: {  	v9 =	vadd.f32 v9, v5;
	v5 =	vld [tilespmem:s2+$0x0]  }
0x278: {  	s24 =	sadd.s32 $0x200, s24;
	s25 =	sadd.s32 $0x40, s25;
	v8 =	vadd.f32 v6, v7;
	v7 =	vadd.f32 v11, v10;
	v6 =	vld [tilespmem:s8+$0x0]  }
0x279: {  	v10 =	vld [tilespmem:s6+$0x0]  }
0x27a: {  	v11 =	vld [tilespmem:s7+$0x0]  }
0x27b: {  	v3 =	vadd.f32 v3, v9;
	v63 =	vld [tilespmem:s5+$0x0]  }
0x27c: {  	v2 =	vadd.f32 v2, v8;
	v4 =	vadd.f32 v4, v7  }
0x27d: {  	v3 =	vadd.f32 v5, v3  }
0x27e: {  	v2 =	vadd.f32 v6, v2;
	v4 =	vadd.f32 v10, v4  }
0x27f: {  	s1 =	sadd.s32 $0x40, s15;
	v3 =	vadd.f32 v11, v3  }
0x280: {  	v2 =	vadd.f32 v63, v2;
	[tilespmem:s1+$0x0] =	vst v4  }
0x281: {  	[tilespmem:s31+$0x0] =	vst v3  }
0x282: {  	[tilespmem:s0+$0x0] =	vst v2  }
0x283: {  	s0 =	sld [smem:$0x7EB]  }
0x284: {  	s6 =	simm.s32 $0x80  }
0x285: {  	s29 =	simm.s32 $0x100;
	s2 =	simm.s32 $0x14600;
	s7 =	simm.s32 $0x4  }
0x286: {  	[hbm4b:s0+s6] =	stream.strided.scatter [tilespmem:s2], [sflag:$0x4], $0x100, s29, s6, $0x38;
	[tilespmem:$0x15700] =	vst v63  }
0x287: {  	_ =	swait.ge [sflag:s7], $0x100  }
0x288: {  	s30 =	sld [smem:$0x7EA]  }
0x289: {  	s31 =	sld [smem:$0x7EC];
	_ =	sdelay $0x1  }
0x28a: {  	s1 =	sadd.s32 $0x1, s30  }
0x28b: {  	p0 =	sne.s32 s1, s31  }
.Ltmp12:
0x28c: {  	_ = 	snop;
	(pc) =	sbr.rel @p0 .LBB2_1-.Ltmp12, $3  }
0x28d: {  	_ =	sdelay $0x1  }
0x28e: {  	s8 =	simm.s32 $0x0;
	s3 =	simm.s32 $0x6200;
	[sflag:s7] =	ssyncset.done $0x0  }
0x28f: {  	s4 =	simm.s32 $0x1;
	s5 =	simm.s32 $0x2;
	[sflag:s7] =	ssyncadd.s32 $0xFFFFFF00  }
0x290: {  	_ =	sfence.sel $0x180000  }
0x291: {  	[bflag:$0x0] =	sbarrier.arrive $0xFFFF  }
0x292: {  	_ =	strace $0x90000047  }
0x293: {  	s0 =	stileid.u32;
	[bflag:$0x2] =	sbarrier.arrive $0xFFFF  }
0x294: {  	p0 =	sne.s32 s0, $0x0;
	s0 =	rddreg [dreg:$0x3]  }
0x295: {  	s0 =	sadd.s32 @!p0 $0x100000, s0  }
0x296: {  	[sflag:s0] =	ssyncadd.tile.s32 @!p0 $0x1;
	_ =	shalt  }
.Lfunc_end2:
_tile_overlayer_lowered:
.L_overlay_start_2:
0x297: {  	(tag) =	ssettag $0x2  }
0x298: {  	s0 =	rddreg [dreg:$0x0];
	s2 =	stileid.u32  }
0x299: {  	s1 =	rddreg [dreg:$0x1];
	p0 =	sne.s32 s2, $0x0  }
0x29a: {  	s3 =	rddreg [dreg:$0x2];
	[bflag:$0x3] =	sbarrier.arrive $0xFFFF;
	s2 =	simm.s32 @!p0 $0x1C04  }
0x29b: {  	[timem:s3], [sflag:s2] =	dma.local @!p0 [hbm:s0], s1  }
0x29c: {  	s0 =	simm.s32 @!p0 $0x4  }
0x29d: {  	_ =	swait.ge @!p0 [sflag:s0], s1  }
0x29e: {  	s1 =	ssub.s32 @!p0 $0x0, s1;
	[sflag:s0] =	ssyncset.done @!p0 $0x0  }
0x29f: {  	[sflag:s0] =	ssyncadd.s32 @!p0 s1  }
0x2a0: {  	[bflag:$0x3] =	sbarrier.arrive $0xFFFF  }
0x2a1: {  	_ =	shalt  }

// kernel: kernel.7.cloned.1.call-start
scs
__scs_entry_jumppad:
0x0: {  	(pc) =	sbr.rel $0x88, $3  }
0x1: {  	(tag) =	ssettag $0x0;
	lr =	simm.s32 $0x1  }
0x2: {  	[smem:$0x3FA0] =	sst lr;
	_ =	strace $0xD0000000  }
0x3: {  	_ = 	snop  }
0x4: {  	_ = 	snop  }
0x5: {  	_ = 	snop  }
0x6: {  	_ = 	snop  }
0x7: {  	_ = 	snop  }
__scs_overlays_trampoline_lowered:
0x8: {  	[smem:$0x3FAF] =	sst s0  }
0x9: {  	[smem:$0x3FB0] =	sst s1  }
0xa: {  	[smem:$0x3FB1] =	sst s2  }
0xb: {  	[smem:$0x3FB2] =	sst s3  }
0xc: {  	[smem:$0x3FB3] =	sst s4  }
0xd: {  	[smem:$0x3FB4] =	sst s5  }
0xe: {  	[smem:$0x3FB5] =	sst s6  }
0xf: {  	[smem:$0x3FB6] =	sst s7  }
0x10: {  	[smem:$0x3FB7] =	sst s8  }
0x11: {  	[smem:$0x3FB8] =	sst s9;
	s0 =	simm.s32 @!p0 $0x0  }
0x12: {  	s1 =	sld [smem:$0x3F9E];
	s0 =	simm.s32 @p0 $0x1  }
0x13: {  	[smem:$0x3FB9] =	sst s0;
	s0 =	simm.s32 @!p1 $0x0  }
0x14: {  	s2 =	sld [smem:$0x3F9D];
	s0 =	simm.s32 @p1 $0x1  }
0x15: {  	[smem:$0x3FBA] =	sst s0;
	s0 =	simm.s32 @!p2 $0x0  }
0x16: {  	s3 =	sld [smem:$0x3FDB];
	s0 =	simm.s32 @p2 $0x1  }
0x17: {  	s4 =	simm.s32 $0x1BF5;
	[smem:$0x3FBC] =	sst s0  }
0x18: {  	s0 =	sld [smem:$0x3F9F];
	_ =	swait.ge [sflag:s4], $0x0  }
0x19: {  	s7 =	sld [smem:$0x3FA0]  }
0x1a: {  	s8 =	sadd.s32 $0xFFFFE003, lr  }
0x1b: {  	s9 =	sadd.s32 $0xFFFFFEF7, lr;
	s5 =	simm.s32 $0xFFFFFFFF;
	p2 =	slt.u32 s8, $0xFFFFF086  }
0x1c: {  	p1 =	slt.u32 s9, $0xF7A;
	s5 =	simm.s32 @!p2 $0x0  }
0x1d: {  	s5 =	simm.s32 @p1 $0x1;
	p0 =	seq.s32 s7, s2  }
0x1e: {  	s7 =	smul.u32 @!p0 $0xF7A, s2;
	p2 =	seq.s32 @!p0 s5, $0x0  }
0x1f: {  	s9 =	smul.u32 $0xF7A, s1;
	s8 =	simm.s32 @!p0 $0x1BF5;
	p2 =	por !p2, p0  }
0x20: {  	[sflag:s8] =	ssyncset.s32 @!p0 $0xFFFFF086;
	s6 =	sadd.s32 @!p0 s3, s7;
	s7 =	simm.s32 @!p0 $0x108  }
0x21: {  	s3 =	sadd.s32 s3, s9;
	s6 =	sadd.s32 @!p0 $0x88, s6;
	s7 =	simm.s32 @p2 $0x1082  }
0x22: {  	[simem:s7], [sflag:s8] =	dma.local @!p0 [hbm:s6], $0xF7A  }
0x23: {  	s9 =	sor.u32 $0xD0000000, s2;
	s6 =	simm.s32 $0x108;
	_ =	swait.ge @!p0 [sflag:s8], $0x0  }
0x24: {  	s3 =	sadd.s32 $0x88, s3;
	s6 =	simm.s32 @!p1 $0x1082;
	[sflag:s4] =	ssyncset.s32 $0xFFFFF086  }
0x25: {  	[simem:s6], [sflag:s4] =	dma.local [hbm:s3], $0xF7A  }
0x26: {  	[smem:$0x3FA0] =	sst s1;
	(tag) =	ssettag s2;
	_ =	strace s9  }
0x27: {  	s1 =	sld [smem:$0x3FB0]  }
0x28: {  	s2 =	sld [smem:$0x3FB1]  }
0x29: {  	s4 =	sld [smem:$0x3FB3]  }
0x2a: {  	p0 =	seq.s32 s5, $0x0;
	s5 =	sld [smem:$0x3FB4]  }
0x2b: {  	s6 =	sld [smem:$0x3FB5]  }
0x2c: {  	s7 =	sld [smem:$0x3FB6]  }
0x2d: {  	s3 =	simm.s32 $0x108;
	s8 =	sld [smem:$0x3FB7]  }
0x2e: {  	s3 =	simm.s32 @!p0 $0x1082;
	s9 =	sld [smem:$0x3FB8]  }
0x2f: {  	lr =	sadd.s32 s0, s3;
	s0 =	sld [smem:$0x3FAF]  }
0x30: {  	s3 =	sld [smem:$0x3FB2]  }
0x31: {  	[smem:$0x3FBB] =	sst s10  }
0x32: {  	s10 =	sld [smem:$0x3FB9];
	_ =	sdelay $0x3  }
0x33: {  	p0 =	seq.s32 s10, $0x1;
	s10 =	sld [smem:$0x3FBB];
	_ =	sdelay $0x3  }
0x34: {  	[smem:$0x3FBB] =	sst s10  }
0x35: {  	s10 =	sld [smem:$0x3FBA];
	_ =	sdelay $0x3  }
0x36: {  	p1 =	seq.s32 s10, $0x1;
	s10 =	sld [smem:$0x3FBB];
	_ =	sdelay $0x3  }
0x37: {  	[smem:$0x3FBB] =	sst s10  }
0x38: {  	s10 =	sld [smem:$0x3FBC]  }
0x39: {  	_ = 	snop;
	(pc) =	sbr.ind lr, $3  }
0x3a: {  	_ = 	snop  }
0x3b: {  	_ = 	snop  }
0x3c: {  	p2 =	seq.s32 s10, $0x1;
	s10 =	sld [smem:$0x3FBB]  }
0x3d: {  	_ =	shalt  }
0x3e: {  	_ =	shalt  }
0x3f: {  	_ =	shalt  }
0x40: {  	_ =	shalt  }
0x41: {  	_ =	shalt  }
0x42: {  	_ =	shalt  }
0x43: {  	_ =	shalt  }
0x44: {  	_ =	shalt  }
0x45: {  	_ =	shalt  }
0x46: {  	_ =	shalt  }
0x47: {  	_ =	shalt  }
0x48: {  	_ =	shalt  }
0x49: {  	_ =	shalt  }
0x4a: {  	_ =	shalt  }
0x4b: {  	_ =	shalt  }
0x4c: {  	_ =	shalt  }
0x4d: {  	_ =	shalt  }
0x4e: {  	_ =	shalt  }
0x4f: {  	_ =	shalt  }
0x50: {  	_ =	shalt  }
0x51: {  	_ =	shalt  }
0x52: {  	_ =	shalt  }
0x53: {  	_ =	shalt  }
0x54: {  	_ =	shalt  }
0x55: {  	_ =	shalt  }
0x56: {  	_ =	shalt  }
0x57: {  	_ =	shalt  }
0x58: {  	_ =	shalt  }
0x59: {  	_ =	shalt  }
0x5a: {  	_ =	shalt  }
0x5b: {  	_ =	shalt  }
0x5c: {  	_ =	shalt  }
0x5d: {  	_ =	shalt  }
0x5e: {  	_ =	shalt  }
0x5f: {  	_ =	shalt  }
0x60: {  	_ =	shalt  }
0x61: {  	_ =	shalt  }
0x62: {  	_ =	shalt  }
0x63: {  	_ =	shalt  }
0x64: {  	_ =	shalt  }
0x65: {  	_ =	shalt  }
0x66: {  	_ =	shalt  }
0x67: {  	_ =	shalt  }
0x68: {  	_ =	shalt  }
0x69: {  	_ =	shalt  }
0x6a: {  	_ =	shalt  }
0x6b: {  	_ =	shalt  }
0x6c: {  	_ =	shalt  }
0x6d: {  	_ =	shalt  }
0x6e: {  	_ =	shalt  }
0x6f: {  	_ =	shalt  }
0x70: {  	_ =	shalt  }
0x71: {  	_ =	shalt  }
0x72: {  	_ =	shalt  }
0x73: {  	_ =	shalt  }
0x74: {  	_ =	shalt  }
0x75: {  	_ =	shalt  }
0x76: {  	_ =	shalt  }
0x77: {  	_ =	shalt  }
0x78: {  	_ =	shalt  }
0x79: {  	_ =	shalt  }
0x7a: {  	_ =	shalt  }
0x7b: {  	_ =	shalt  }
0x7c: {  	_ =	shalt  }
0x7d: {  	_ =	shalt  }
0x7e: {  	_ =	shalt  }
0x7f: {  	_ =	shalt  }
0x80: {  	_ =	shalt  }
0x81: {  	_ =	shalt  }
0x82: {  	_ =	shalt  }
0x83: {  	_ =	shalt  }
0x84: {  	_ =	shalt  }
0x85: {  	_ =	shalt  }
0x86: {  	_ =	shalt  }
0x87: {  	_ =	shalt  }
.Lfunc_end0:
.L_simem_size_0:
called_computation.1_lowered:
.L_overlay_start_0:
0x88: {  	s2 =	sld [smem:$0x3FD9]  }
0x89: {  	s3 =	sld [smem:$0x3FFE];
	_ =	sdelay $0x1  }
0x8a: {  	s1 =	srdreg.scid  }
0x8b: {  	s0 =	sand.u32 $0x1, s1  }
0x8c: {  	s17 =	sshll.u32 s0, $0xA;
	s2 =	sadd.s32 s3, s2  }
0x8d: {  	s2 =	sadd.s32 s2, s17  }
0x8e: {  	[smem:$0x3FC7] =	sst s2  }
0x8f: {  	_ = 	snop  }
0x90: {  	s2 =	sld [smem:$0x3FC9]  }
0x91: {  	s18 =	sld [smem:$0x3FD0];
	(tm) =	ssettm $0x1  }
0x92: {  	s4 =	sld [smem:$0x3FFB];
	_ =	sdelay $0x3  }
0x93: {  	_ =	strace s4  }
0x94: {  	s4 =	sld [smem:$0x3FFC];
	_ =	sdelay $0x3  }
0x95: {  	_ =	strace s4  }
0x96: {  	s4 =	sld [smem:$0x3FFD];
	_ =	sdelay $0x3  }
0x97: {  	_ =	strace s4  }
0x98: {  	_ =	strace $0x8FFFFFFF  }
0x99: {  	s19 =	sld [smem:$0x3FDB];
	_ =	sdelay $0x1  }
0x9a: {  	s5 =	simm.s32 $_scs_section_size  }
0x9b: {  	s6 =	simm.s32 $_size__tile_overlayer_lowered;
	s7 =	simm.s32 $_tile_overlayer_lowered  }
0x9c: {  	s22 =	simm.s32 $0x1BFF;
	s21 =	sshll.u32 s7, $0x1;
	s4 =	sadd.s32 s5, s19  }
0x9d: {  	s8 =	simm.s32 $0x0;
	s20 =	sshll.u32 s6, $0x1;
	s6 =	sadd.s32 s21, s4  }
0x9e: {  	[timem:s8], [sflag:s22] =	dma.local [hbm:s6], s20  }
0x9f: {  	_ =	swait.ge [sflag:s22], s20  }
0xa0: {  	s5 =	ssub.s32 $0x0, s20;
	[sflag:s22] =	ssyncset.done $0x0  }
0xa1: {  	[sflag:s22] =	ssyncadd.s32 s5;
	_ =	sdelay $0x1  }
0xa2: {  	s23 =	simm.s32 $0x1B8B  }
0xa3: {  	_ =	swait.ge [sflag:s23], $0x1  }
0xa4: {  	[sflag:s23] =	ssyncset.done $0x0  }
0xa5: {  	s25 =	simm.s32 $0x1B8E;
	s24 =	sld [smem:$0x3FFE];
	[sflag:s23] =	ssyncadd.s32 $0xFFFFFFFF  }
0xa6: {  	s26 =	simm.s32 $execute0_lowered;
	[smem:$0x3FD2] =	sst s25  }
0xa7: {  	s6 =	sshll.u32 s26, $0x1;
	_ =	strace $0x80000049;
	[dreg:$0x1] =	wrdreg $0xFFFFFFFF  }
0xa8: {  	s28 =	simm.s32 $_size_execute0_lowered;
	s4 =	sadd.s32 s4, s6;
	[dreg:$0x0] =	wrdreg $0x0  }
0xa9: {  	s6 =	sshll.u32 s28, $0x1;
	[dreg:$0x2] =	wrdreg s4  }
0xaa: {  	[dreg:$0x3] =	wrdreg s6  }
0xab: {  	[dreg:$0x4] =	wrdreg $0xC0  }
0xac: {  	_ =	task [dreg:s8], $0x5FFFF  }
0xad: {  	[dreg:$0x1] =	wrdreg $0xFFFFFFFF  }
0xae: {  	[dreg:$0x0] =	wrdreg $0x60  }
0xaf: {  	[dreg:$0x2] =	wrdreg s24  }
0xb0: {  	[dreg:$0x3] =	wrdreg s2  }
0xb1: {  	[dreg:$0x4] =	wrdreg s18  }
0xb2: {  	[dreg:$0x5] =	wrdreg $0x9  }
0xb3: {  	_ =	task.clear_ibuf [dreg:s8], $0x6FFFF;
	_ =	strace $0x90000049  }
0xb4: {  	s29 =	simm.s32 $0x9;
	_ =	strace $0x8000004B  }
0xb5: {  	_ =	swait.ge [sflag:s29], $0x1  }
0xb6: {  	[sflag:s29] =	ssyncadd.s32 $0xFFFFFFFF  }
0xb7: {  	_ =	strace $0x9000004B  }
0xb8: {  	_ =	sfence  }
0xb9: {  	s30 =	sld [smem:$0x0];
	_ =	sdelay $0x2  }
0xba: {  	s31 =	sshll.u32 s1, $0xD;
	s1 =	sshrl.u32 s1, $0x2  }
0xbb: {  	s3 =	sand.u32 $0x4000, s31;
	s1 =	sadd.s32 s1, s30  }
0xbc: {  	s0 =	sor.u32 s3, s0;
	s1 =	sshll.u32 s1, $0x11  }
0xbd: {  	s0 =	sor.u32 s1, s0  }
0xbe: {  	s0 =	sadd.s32 $0x8F2B, s0  }
0xbf: {  	[sflag:s0] =	ssyncadd.remote.s32 $0x1  }
0xc0: {  	_ =	sfence.sel $0xFFFF  }
0xc1: {  	[dreg:$0x0] =	wrdreg $0xFFFFFFFF;
	(pc) =	sbr.abs _section_cstart, $3  }
0xc2: {  	[dreg:$0x1] =	wrdreg $0xFFFFFFFF  }
0xc3: {  	_ =	task.clear_ibuf [dreg:s8], $0x2FFFF;
	_ =	strace $0x9FFFFFFF  }
0xc4: {  	(tm) =	ssettm $0x7FFFFFFF  }
0xc5: {  	_ =	shalt  }
tec
execute0_lowered:
.L_overlay_start_1:
0x0: {  	(tag) =	ssettag $0x1  }
0x1: {  	s0 =	rddreg [dreg:$0x0]  }
0x2: {  	s1 =	rddreg [dreg:$0x1]  }
0x3: {  	s2 =	srdreg.scid;
	s5 =	stileid.u32  }
0x4: {  	s3 =	rddreg [dreg:$0x2];
	s17 =	simm.s32 $0x5;
	s18 =	simm.s32 $0x1  }
0x5: {  	s19 =	simm.s32 $0x18800;
	s20 =	simm.s32 $0xC400;
	s21 =	simm.s32 $0x2  }
0x6: {  	s23 =	simm.s32 $0x3;
	s24 =	simm.s32 $0x4;
	s25 =	simm.s32 $0x0  }
0x7: {  	s4 =	sand.u32 $0x1, s2;
	s5 =	sshll.u32 s5, $0x1;
	s2 =	simm.s32 $0x0  }
0x8: {  	s0 =	sadd.s32 $0x800, s0;
	s5 =	sor.u32 s4, s5;
	s4 =	ssub.s32 $0x2, s4  }
0x9: {  	[smem:$0x7FF] =	sst s2;
	s5 =	smul.u32 $0x1E848, s5;
	s26 =	sshrl.u32 s4, $0x1  }
0xa: {  	_ =	strace $0x8000004A;
	[dreg:$0x4] =	wrdreg s0;
	s0 =	ssub.s32 s4, s26  }
0xb: {  	s28 =	sshrl.u32 s5, $0x3;
	s6 =	sadd.s32 $0x61A8, s5;
	s5 =	sadd.s32 $0x124F8, s5  }
0xc: {  	s14 =	smax.u32 s0, $0x1;
	s7 =	sadd.s32 s1, s28;
	s9 =	sshrl.u32 s6, $0x3  }
0xd: {  	s11 =	sadd.s32 $0x186A, s28;
	s30 =	sadd.s32 s3, s28;
	s5 =	sshrl.u32 s5, $0x3  }
0xe: {  	s4 =	sadd.s32 $0x30D4, s28;
	[dreg:$0x5] =	wrdreg s7;
	s6 =	sadd.s32 s1, s9  }
0xf: {  	s29 =	sadd.s32 s1, s11;
	[dreg:$0x8] =	wrdreg s30;
	s31 =	sadd.s32 s1, s5  }
0x10: {  	s9 =	sadd.s32 s3, s9;
	s10 =	sadd.s32 s1, s4;
	[dreg:$0x6] =	wrdreg s6  }
0x11: {  	s11 =	sadd.s32 s3, s11;
	s12 =	sadd.s32 s3, s5;
	[dreg:$0x7] =	wrdreg s29  }
0x12: {  	s13 =	sadd.s32 s3, s4;
	s3 =	simm.s32 $0x6200;
	[dreg:$0x9] =	wrdreg s31  }
.LBB2_1:
0x13: {  	v4 =	vimm.f32 $0.0e+00  }
0x14: {  	[tilespmem:$0x61A0] =	vst v4  }
0x15: {  	s0 =	rddreg [dreg:$0x5];
	[tilespmem:$0xC3A0] =	vst v4  }
0x16: {  	[tilespmem:s2], [sflag:$0x1] =	stream.linear.gather [hbm4b:s0+s2], $0x61A8, $0x38;
	[tilespmem:$0x1B800] =	vst v63  }
0x17: {  	s4 =	rddreg [dreg:$0x6]  }
0x18: {  	[tilespmem:s3], [sflag:$0x2] =	stream.linear.gather [hbm4b:s4+s2], $0x61A8, $0x38;
	[tilespmem:$0x1B800] =	vst v63  }
0x19: {  	s5 =	rddreg [dreg:$0x4];
	s1 =	simm.s32 $0x19800  }
0x1a: {  	[tilespmem:s1], [sflag:$0x5] =	stream.linear.gather [hbm4b:s5+s2], $0x2000, $0x38;
	[tilespmem:$0x1B800] =	vst v63  }
0x1b: {  	s6 =	sand.u32 $0x40, s2;
	s7 =	sand.u32 $0x1F00, s2;
	_ =	swait.ge [sflag:s17], $0x2000  }
0x1c: {  	s3 =	sor.u32 $0x30, s6;
	s1 =	sadd.s32 $0x19800, s7;
	[sflag:s17] =	ssyncset.done $0x0  }
0x1d: {  	s4 =	sor.u32 $0x20, s6;
	s5 =	sor.u32 s3, s1;
	[sflag:s17] =	ssyncadd.s32 $0xFFFFE000  }
0x1e: {  	s15 =	sor.u32 $0x10, s6;
	s16 =	sor.u32 s4, s1;
	v6 =	vld [tilespmem:s5+$0x0]  }
0x1f: {  	s26 =	sor.u32 s15, s1;
	v5 =	vld [tilespmem:s16+$0x0]  }
0x20: {  	s0 =	sor.u32 s6, s1;
	v3 =	vld [tilespmem:s26+$0x0]  }
0x21: {  	v0 =	vld [tilespmem:s0+$0x0]  }
0x22: {  	s8 =	simm.s32 $0x80;
	s22 =	simm.s32 $0x40;
	v7 =	vld [tilespmem:s0+$0x80]  }
0x23: {  	s28 =	sand.u32 $0xF80, s2;
	s29 =	sand.u32 $0x40, s22;
	s0 =	sand.u32 $0x1F00, s8;
	v8 =	vld [tilespmem:s26+$0x80]  }
0x24: {  	s7 =	sadd.s32 $0x18800, s28;
	s6 =	sor.u32 $0x30, s29;
	v9 =	vld [tilespmem:s16+$0x80];
	s0 =	sadd.s32 $0x19800, s0  }
0x25: {  	s31 =	sor.u32 s3, s7;
	s8 =	sor.u32 $0x20, s29;
	v10 =	vld [tilespmem:s5+$0x80];
	s30 =	sor.u32 s6, s0  }
0x26: {  	s1 =	sand.u32 $0xF80, s22;
	s22 =	sor.u32 $0x10, s29;
	s16 =	sor.u32 s8, s0;
	v1 =	vld [tilespmem:s30+$0x0]  }
0x27: {  	s28 =	sor.u32 s4, s7;
	s7 =	sor.u32 s15, s7;
	s5 =	sor.u32 s22, s0;
	v2 =	vld [tilespmem:s16+$0x0];
	v7 =	vadd.f32 v7, v0  }
0x28: {  	s3 =	simm.s32 $0x4;
	s1 =	sadd.s32 $0x18800, s1;
	s15 =	sor.u32 s29, s0;
	v0 =	vld [tilespmem:s5+$0x0];
	v8 =	vadd.f32 v8, v3  }
0x29: {  	s4 =	simm.s32 $0x80;
	s26 =	sor.u32 s6, s1;
	s0 =	sor.u32 s8, s1;
	v3 =	vld [tilespmem:s15+$0x0];
	[tilespmem:s19+$0x0] =	vst v7;
	v7 =	vmax.f32 v4, v7  }
0x2a: {  	s29 =	sor.u32 s22, s1;
	s1 =	simm.s32 $0x18800;
	v5 =	vadd.f32 v9, v5;
	v6 =	vadd.f32 v10, v6;
	v4 =	vld [tilespmem:s15+$0x80];
	s15 =	simm.s32 $0x100;
	[tilespmem:s7+$0x0] =	vst v8;
	v7 =	vmax.f32 v7, v8  }
.LBB2_2:
0x2b: {  	s6 =	sand.u32 $0x40, s4  }
0x2c: {  	s7 =	sand.u32 $0x1F00, s15;
	s22 =	sand.u32 $0xF80, s4;
	[tilespmem:s28+$0x0] =	vst v5;
	s28 =	smov.u32 s0  }
0x2d: {  	v8 =	vld [tilespmem:s5+$0x80];
	v5 =	vmax.f32 v7, v5;
	v9 =	vmov v1;
	s3 =	sadd.s32 $0x4, s3;
	s7 =	sadd.s32 $0x19800, s7;
	s22 =	sadd.s32 $0x18800, s22  }
0x2e: {  	s0 =	sor.u32 $0x30, s6;
	v7 =	vld [tilespmem:s16+$0x80];
	[tilespmem:s31+$0x0] =	vst v6;
	v5 =	vmax.f32 v5, v6;
	v6 =	vmov v2;
	s5 =	sor.u32 $0x20, s6;
	s31 =	sor.u32 $0x10, s6  }
0x2f: {  	p0 =	slt.u32 s3, $0xFC;
	s8 =	sor.u32 s0, s22;
	v10 =	vld [tilespmem:s30+$0x80];
	s30 =	sor.u32 s0, s7  }
.Ltmp0:
0x30: {  	s16 =	sor.u32 s5, s7;
	s0 =	sor.u32 s5, s22;
	v1 =	vld [tilespmem:s30+$0x0];
	(pc) =	sbr.rel @p0 .LBB2_2-.Ltmp0, $4  }
0x31: {  	s5 =	sor.u32 s31, s7;
	s22 =	sor.u32 s31, s22;
	v2 =	vld [tilespmem:s16+$0x0];
	v4 =	vadd.f32 v4, v3  }
0x32: {  	s1 =	sadd.s32 $0x40, s1;
	s6 =	sor.u32 s6, s7;
	v8 =	vadd.f32 v8, v0;
	v0 =	vld [tilespmem:s5+$0x0]  }
0x33: {  	s31 =	smov.u32 s26;
	s26 =	smov.u32 s8;
	v3 =	vld [tilespmem:s6+$0x0];
	[tilespmem:s1+$0x0] =	vst v4;
	v11 =	vmax.f32 v5, v4;
	v5 =	vadd.f32 v7, v6  }
0x34: {  	s15 =	sadd.s32 $0x80, s15;
	s4 =	sadd.s32 $0x40, s4;
	v4 =	vld [tilespmem:s6+$0x80];
	[tilespmem:s29+$0x0] =	vst v8;
	v7 =	vmax.f32 v11, v8;
	v6 =	vadd.f32 v10, v9;
	s29 =	smov.u32 s22  }
0x35: {  	v8 =	vld [tilespmem:s5+$0x80]  }
0x36: {  	v9 =	vld [tilespmem:s16+$0x80]  }
0x37: {  	v10 =	vld [tilespmem:s30+$0x80];
	_ =	sdelay $0x1  }
0x38: {  	v7 =	vmax.f32 v7, v5;
	v3 =	vadd.f32 v4, v3  }
0x39: {  	v4 =	vmax.f32 v7, v6;
	v0 =	vadd.f32 v8, v0  }
0x3a: {  	v2 =	vadd.f32 v9, v2;
	v4 =	vmax.f32 v4, v3  }
0x3b: {  	v1 =	vadd.f32 v10, v1;
	v4 =	vmax.f32 v4, v0  }
0x3c: {  	v4 =	vmax.f32 v4, v2  }
0x3d: {  	v4 =	vmax.f32 v4, v1  }
0x3e: {  	(xrf0) =	vmax.scan.msk.f32 $0xffff, v4;
	_ =	sdelay $0x5  }
0x3f: {  	v4, _, _ =	vpop (xrf0)  }
0x40: {  	v4 =	vbroadcast v4, $0xF;
	_ =	sdelay $0x1  }
0x41: {  	(erf) = vrcp.f32 v4;
	_ =	sdelay $0x3  }
0x42: {  	[tilespmem:s28+$0x0] =	vst v5  }
0x43: {  	s1 =	sadd.s32 $0x40, s1;
	[tilespmem:s31+$0x0] =	vst v6  }
0x44: {  	[tilespmem:s1+$0x0] =	vst v3  }
0x45: {  	[tilespmem:s29+$0x0] =	vst v0  }
0x46: {  	[tilespmem:s0+$0x0] =	vst v2  }
0x47: {  	[tilespmem:s26+$0x0] =	vst v1;
	v0 =	vpop (erf)  }
0x48: {  	_ =	swait.ge [sflag:s18], $0x61A8  }
0x49: {  	[sflag:s18] =	ssyncset.done $0x0  }
0x4a: {  	s30 =	simm.s32 $0x40;
	[sflag:s18] =	ssyncadd.s32 $0xFFFF9E58  }
0x4b: {  	v1 =	vld [tilespmem:s30+$0x30]  }
0x4c: {  	v2 =	vld [tilespmem:s30+$0xFFFFFFD0]  }
0x4d: {  	v3 =	vld [tilespmem:s30+$0xFFFFFFE0]  }
0x4e: {  	v4 =	vld [tilespmem:s30+$0xFFFFFFF0]  }
0x4f: {  	v5 =	vld [tilespmem:s30+$0x0]  }
0x50: {  	v6 =	vld [tilespmem:s30+$0x10]  }
0x51: {  	v7 =	vld [tilespmem:s30+$0x20]  }
0x52: {  	s31 =	simm.s32 $0xC0;
	v8 =	vld [tilespmem:s30+$0xFFFFFFC0];
	v1 =	vtrunc.f32 v1  }
0x53: {  	v9 =	vld [tilespmem:s31+$0x30];
	v2 =	vtrunc.f32 v2;
	v1 =	vcvt.f32.s32 v1  }
0x54: {  	v10 =	vld [tilespmem:s31+$0xFFFFFFD0];
	v3 =	vtrunc.f32 v3;
	v2 =	vcvt.f32.s32 v2  }
0x55: {  	v11 =	vld [tilespmem:s31+$0xFFFFFFE0];
	v4 =	vtrunc.f32 v4;
	v3 =	vcvt.f32.s32 v3  }
0x56: {  	v12 =	vld [tilespmem:s31+$0xFFFFFFF0];
	v4 =	vcvt.f32.s32 v4  }
0x57: {  	v13 =	vld [tilespmem:s31+$0x0]  }
0x58: {  	v14 =	vld [tilespmem:s31+$0x10];
	v5 =	vtrunc.f32 v5;
	v8 =	vtrunc.f32 v8  }
0x59: {  	v6 =	vtrunc.f32 v6;
	v8 =	vcvt.f32.s32 v8;
	v1 =	vld.idx.msk [tilespmem:v1+s19+$0x0], $0xffff  }
0x5a: {  	v7 =	vtrunc.f32 v7;
	v5 =	vcvt.f32.s32 v5;
	v2 =	vld.idx.msk [tilespmem:v2+s19+$0x0], $0xffff  }
0x5b: {  	v9 =	vtrunc.f32 v9;
	v6 =	vcvt.f32.s32 v6;
	v3 =	vld.idx.msk [tilespmem:v3+s19+$0x0], $0xffff  }
0x5c: {  	v10 =	vtrunc.f32 v10;
	v7 =	vcvt.f32.s32 v7;
	v4 =	vld.idx.msk [tilespmem:v4+s19+$0x0], $0xffff  }
0x5d: {  	v15 =	vld [tilespmem:s31+$0x20];
	v11 =	vtrunc.f32 v11;
	v9 =	vcvt.f32.s32 v9  }
0x5e: {  	v16 =	vld [tilespmem:s31+$0xFFFFFFC0];
	v12 =	vtrunc.f32 v12;
	v10 =	vcvt.f32.s32 v10  }
0x5f: {  	v11 =	vcvt.f32.s32 v11;
	v12 =	vcvt.f32.s32 v12;
	v17 =	vld.idx.msk [tilespmem:v8+s19+$0x0], $0xffff  }
0x60: {  	v18 =	vld.idx.msk [tilespmem:v5+s19+$0x0], $0xffff;
	v1 =	vmul.f32 v1, v0;
	v8 =	vmul.f32 v2, v0  }
0x61: {  	s26 =	simm.s32 $0xC440;
	v6 =	vld.idx.msk [tilespmem:v6+s19+$0x0], $0xffff;
	v3 =	vmul.f32 v3, v0;
	v5 =	vmul.f32 v4, v0  }
0x62: {  	v7 =	vld.idx.msk [tilespmem:v7+s19+$0x0], $0xffff;
	v2 =	vtrunc.f32 v13;
	v4 =	vtrunc.f32 v14;
	[tilespmem:s26+$0x30] =	vst v1  }
0x63: {  	v9 =	vld.idx.msk [tilespmem:v9+s19+$0x0], $0xffff;
	v1 =	vcvt.f32.s32 v4;
	[tilespmem:s26+$0xFFFFFFD0] =	vst v8;
	v4 =	vtrunc.f32 v15  }
0x64: {  	v10 =	vld.idx.msk [tilespmem:v10+s19+$0x0], $0xffff;
	v8 =	vtrunc.f32 v16;
	[tilespmem:s26+$0xFFFFFFE0] =	vst v3;
	v3 =	vcvt.f32.s32 v4  }
0x65: {  	v4 =	vcvt.f32.s32 v8;
	v8 =	vld.idx.msk [tilespmem:v11+s19+$0x0], $0xffff;
	v11 =	vmul.f32 v17, v0  }
0x66: {  	s1 =	simm.s32 $0x140;
	s0 =	simm.s32 $0x8;
	v2 =	vcvt.f32.s32 v2;
	[tilespmem:s26+$0xFFFFFFF0] =	vst v5;
	v5 =	vld.idx.msk [tilespmem:v12+s19+$0x0], $0xffff;
	v12 =	vmul.f32 v18, v0  }
.LBB2_4:
0x67: {  	v13 =	vld [tilespmem:s1+$0x30];
	s0 =	sadd.s32 $0x8, s0;
	[tilespmem:s26+$0xFFFFFFC0] =	vst v11;
	v6 =	vmul.f32 v6, v0  }
0x68: {  	v7 =	vmul.f32 v7, v0;
	v11 =	vld [tilespmem:s1+$0xFFFFFFD0];
	p0 =	slt.u32 s0, $0x610;
	[tilespmem:s26+$0x0] =	vst v12  }
0x69: {  	v9 =	vmul.f32 v9, v0;
	v12 =	vld [tilespmem:s1+$0xFFFFFFE0];
	[tilespmem:s26+$0x10] =	vst v6  }
0x6a: {  	v10 =	vmul.f32 v10, v0;
	v6 =	vld [tilespmem:s1+$0xFFFFFFF0];
	[tilespmem:s26+$0x20] =	vst v7;
	s26 =	sadd.s32 $0x80, s26  }
0x6b: {  	v8 =	vmul.f32 v8, v0;
	v7 =	vld [tilespmem:s1+$0x0];
	[tilespmem:s26+$0x30] =	vst v9  }
0x6c: {  	v5 =	vmul.f32 v5, v0;
	v9 =	vld [tilespmem:s1+$0x10];
	v13 =	vtrunc.f32 v13;
	[tilespmem:s26+$0xFFFFFFD0] =	vst v10  }
0x6d: {  	v10 =	vtrunc.f32 v11;
	v11 =	vld [tilespmem:s1+$0x20];
	v13 =	vcvt.f32.s32 v13;
	[tilespmem:s26+$0xFFFFFFE0] =	vst v8  }
0x6e: {  	v8 =	vld [tilespmem:s1+$0xFFFFFFC0];
	v10 =	vcvt.f32.s32 v10;
	v12 =	vtrunc.f32 v12;
	[tilespmem:s26+$0xFFFFFFF0] =	vst v5  }
0x6f: {  	v5 =	vcvt.f32.s32 v12;
	v6 =	vtrunc.f32 v6;
	v12 =	vld.idx.msk [tilespmem:v4+s19+$0x0], $0xffff  }
0x70: {  	v14 =	vcvt.f32.s32 v6;
	v4 =	vtrunc.f32 v7;
	v15 =	vld.idx.msk [tilespmem:v2+s19+$0x0], $0xffff  }
0x71: {  	v2 =	vcvt.f32.s32 v4;
	v4 =	vtrunc.f32 v9;
	v6 =	vld.idx.msk [tilespmem:v1+s19+$0x0], $0xffff  }
.Ltmp1:
0x72: {  	v1 =	vcvt.f32.s32 v4;
	v4 =	vtrunc.f32 v11;
	v7 =	vld.idx.msk [tilespmem:v3+s19+$0x0], $0xffff;
	(pc) =	sbr.rel @p0 .LBB2_4-.Ltmp1, $4  }
0x73: {  	v8 =	vtrunc.f32 v8;
	v3 =	vcvt.f32.s32 v4;
	v9 =	vld.idx.msk [tilespmem:v13+s19+$0x0], $0xffff  }
0x74: {  	v4 =	vcvt.f32.s32 v8;
	v10 =	vld.idx.msk [tilespmem:v10+s19+$0x0], $0xffff  }
0x75: {  	v11 =	vmul.f32 v12, v0;
	v8 =	vld.idx.msk [tilespmem:v5+s19+$0x0], $0xffff  }
0x76: {  	s1 =	sadd.s32 $0x80, s1;
	v12 =	vmul.f32 v15, v0;
	v5 =	vld.idx.msk [tilespmem:v14+s19+$0x0], $0xffff  }
0x77: {  	_ =	sdelay $0x2  }
0x78: {  	[tilespmem:s26+$0xFFFFFFC0] =	vst v11;
	v6 =	vmul.f32 v6, v0  }
0x79: {  	v7 =	vmul.f32 v7, v0;
	v4 =	vld.idx.msk [tilespmem:v4+s19+$0x0], $0xffff;
	[tilespmem:s26+$0x0] =	vst v12  }
0x7a: {  	v2 =	vld.idx.msk [tilespmem:v2+s19+$0x0], $0xffff;
	v9 =	vmul.f32 v9, v0;
	[tilespmem:s26+$0x10] =	vst v6  }
0x7b: {  	s1 =	sadd.s32 $0x80, s26;
	v1 =	vld.idx.msk [tilespmem:v1+s19+$0x0], $0xffff;
	v62 =	vmul.f32 v10, v0;
	[tilespmem:s26+$0x20] =	vst v7  }
0x7c: {  	v3 =	vld.idx.msk [tilespmem:v3+s19+$0x0], $0xffff;
	v63 =	vmul.f32 v8, v0;
	[tilespmem:s1+$0x30] =	vst v9  }
0x7d: {  	[tilespmem:s1+$0xFFFFFFD0] =	vst v62;
	v5 =	vmul.f32 v5, v0  }
0x7e: {  	[tilespmem:s1+$0xFFFFFFE0] =	vst v63;
	v4 =	vmul.f32 v4, v0  }
0x7f: {  	v2 =	vmul.f32 v2, v0;
	[tilespmem:s1+$0xFFFFFFF0] =	vst v5  }
0x80: {  	v1 =	vmul.f32 v1, v0;
	[tilespmem:s1+$0xFFFFFFC0] =	vst v4  }
0x81: {  	[tilespmem:s1+$0x0] =	vst v2;
	v2 =	vmul.f32 v3, v0  }
0x82: {  	[tilespmem:s1+$0x10] =	vst v1  }
0x83: {  	s0 =	simm.s32 $0x0;
	s3 =	simm.s32 $0x6200;
	s4 =	simm.s32 $0x12600;
	[tilespmem:s1+$0x20] =	vst v2  }
.LBB2_6:
0x84: {  	s1 =	sshra.s32 s0, $0x2  }
0x85: {  	v1 =	vld [tilespmem:s1+$0x6180];
	_ =	sdelay $0x4  }
0x86: {  	v1 =	vtrunc.f32 v1  }
0x87: {  	v1 =	vcvt.f32.s32 v1;
	_ =	sdelay $0x5  }
0x88: {  	v1 =	vld.idx.msk [tilespmem:v1+s19+$0x0], $0xffff;
	_ =	sdelay $0x1  }
0x89: {  	p0 =	sne.s32 s0, $0x80  }
.Ltmp2:
0x8a: {  	_ = 	snop;
	(pc) =	sbr.rel @p0 .LBB2_6-.Ltmp2, $3  }
0x8b: {  	_ = 	snop  }
0x8c: {  	v1 =	vmul.f32 v1, v0;
	_ =	sdelay $0x1  }
0x8d: {  	s0 =	sadd.s32 $0x40, s0;
	[tilespmem:s1+$0x12580] =	vst v1  }
0x8e: {  	s0 =	rddreg [dreg:$0x7]  }
0x8f: {  	[tilespmem:s2], [sflag:$0x1] =	stream.linear.gather [hbm4b:s0+s2], $0x61A8, $0x38;
	[tilespmem:$0x1B800] =	vst v63  }
0x90: {  	s29 =	rddreg [dreg:$0x8]  }
0x91: {  	[hbm4b:s29+s2] =	stream.linear.scatter [tilespmem:s20], [sflag:$0x3], $0x61A8, $0x38;
	[tilespmem:$0x1B800] =	vst v63  }
0x92: {  	_ =	swait.ge [sflag:s21], $0x61A8  }
0x93: {  	[sflag:s21] =	ssyncset.done $0x0  }
0x94: {  	s30 =	simm.s32 $0x6240;
	[sflag:s21] =	ssyncadd.s32 $0xFFFF9E58  }
0x95: {  	v1 =	vld [tilespmem:s30+$0x30]  }
0x96: {  	v2 =	vld [tilespmem:s30+$0xFFFFFFD0]  }
0x97: {  	v3 =	vld [tilespmem:s30+$0xFFFFFFE0]  }
0x98: {  	v4 =	vld [tilespmem:s30+$0xFFFFFFF0]  }
0x99: {  	v5 =	vld [tilespmem:s30+$0x0]  }
0x9a: {  	v6 =	vld [tilespmem:s30+$0x10]  }
0x9b: {  	v7 =	vld [tilespmem:s30+$0x20]  }
0x9c: {  	s31 =	simm.s32 $0x62C0;
	v8 =	vld [tilespmem:s30+$0xFFFFFFC0];
	v1 =	vtrunc.f32 v1  }
0x9d: {  	v9 =	vld [tilespmem:s31+$0x30];
	v2 =	vtrunc.f32 v2;
	v1 =	vcvt.f32.s32 v1  }
0x9e: {  	v10 =	vld [tilespmem:s31+$0xFFFFFFD0];
	v3 =	vtrunc.f32 v3;
	v2 =	vcvt.f32.s32 v2  }
0x9f: {  	v11 =	vld [tilespmem:s31+$0xFFFFFFE0];
	v4 =	vtrunc.f32 v4;
	v3 =	vcvt.f32.s32 v3  }
0xa0: {  	v12 =	vld [tilespmem:s31+$0xFFFFFFF0];
	v4 =	vcvt.f32.s32 v4  }
0xa1: {  	v13 =	vld [tilespmem:s31+$0x0]  }
0xa2: {  	v14 =	vld [tilespmem:s31+$0x10];
	v5 =	vtrunc.f32 v5;
	v8 =	vtrunc.f32 v8  }
0xa3: {  	v6 =	vtrunc.f32 v6;
	v8 =	vcvt.f32.s32 v8;
	v1 =	vld.idx.msk [tilespmem:v1+s19+$0x0], $0xffff  }
0xa4: {  	v7 =	vtrunc.f32 v7;
	v5 =	vcvt.f32.s32 v5;
	v2 =	vld.idx.msk [tilespmem:v2+s19+$0x0], $0xffff  }
0xa5: {  	v9 =	vtrunc.f32 v9;
	v6 =	vcvt.f32.s32 v6;
	v3 =	vld.idx.msk [tilespmem:v3+s19+$0x0], $0xffff  }
0xa6: {  	v10 =	vtrunc.f32 v10;
	v7 =	vcvt.f32.s32 v7;
	v4 =	vld.idx.msk [tilespmem:v4+s19+$0x0], $0xffff  }
0xa7: {  	v15 =	vld [tilespmem:s31+$0x20];
	v11 =	vtrunc.f32 v11;
	v9 =	vcvt.f32.s32 v9  }
0xa8: {  	v16 =	vld [tilespmem:s31+$0xFFFFFFC0];
	v12 =	vtrunc.f32 v12;
	v10 =	vcvt.f32.s32 v10  }
0xa9: {  	v11 =	vcvt.f32.s32 v11;
	v12 =	vcvt.f32.s32 v12;
	v17 =	vld.idx.msk [tilespmem:v8+s19+$0x0], $0xffff  }
0xaa: {  	v18 =	vld.idx.msk [tilespmem:v5+s19+$0x0], $0xffff;
	v1 =	vmul.f32 v1, v0;
	v8 =	vmul.f32 v2, v0  }
0xab: {  	s26 =	simm.s32 $0x12640;
	v6 =	vld.idx.msk [tilespmem:v6+s19+$0x0], $0xffff;
	v3 =	vmul.f32 v3, v0;
	v5 =	vmul.f32 v4, v0  }
0xac: {  	v7 =	vld.idx.msk [tilespmem:v7+s19+$0x0], $0xffff;
	v2 =	vtrunc.f32 v13;
	v4 =	vtrunc.f32 v14;
	[tilespmem:s26+$0x30] =	vst v1  }
0xad: {  	v9 =	vld.idx.msk [tilespmem:v9+s19+$0x0], $0xffff;
	v1 =	vcvt.f32.s32 v4;
	[tilespmem:s26+$0xFFFFFFD0] =	vst v8;
	v4 =	vtrunc.f32 v15  }
0xae: {  	v10 =	vld.idx.msk [tilespmem:v10+s19+$0x0], $0xffff;
	v8 =	vtrunc.f32 v16;
	[tilespmem:s26+$0xFFFFFFE0] =	vst v3;
	v3 =	vcvt.f32.s32 v4  }
0xaf: {  	v4 =	vcvt.f32.s32 v8;
	v8 =	vld.idx.msk [tilespmem:v11+s19+$0x0], $0xffff;
	v11 =	vmul.f32 v17, v0  }
0xb0: {  	s1 =	simm.s32 $0x6340;
	s0 =	simm.s32 $0x8;
	v2 =	vcvt.f32.s32 v2;
	[tilespmem:s26+$0xFFFFFFF0] =	vst v5;
	v5 =	vld.idx.msk [tilespmem:v12+s19+$0x0], $0xffff;
	v12 =	vmul.f32 v18, v0  }
.LBB2_8:
0xb1: {  	v13 =	vld [tilespmem:s1+$0x30];
	s0 =	sadd.s32 $0x8, s0;
	[tilespmem:s26+$0xFFFFFFC0] =	vst v11;
	v6 =	vmul.f32 v6, v0  }
0xb2: {  	v7 =	vmul.f32 v7, v0;
	v11 =	vld [tilespmem:s1+$0xFFFFFFD0];
	p0 =	slt.u32 s0, $0x610;
	[tilespmem:s26+$0x0] =	vst v12  }
0xb3: {  	v9 =	vmul.f32 v9, v0;
	v12 =	vld [tilespmem:s1+$0xFFFFFFE0];
	[tilespmem:s26+$0x10] =	vst v6  }
0xb4: {  	v10 =	vmul.f32 v10, v0;
	v6 =	vld [tilespmem:s1+$0xFFFFFFF0];
	[tilespmem:s26+$0x20] =	vst v7;
	s26 =	sadd.s32 $0x80, s26  }
0xb5: {  	v8 =	vmul.f32 v8, v0;
	v7 =	vld [tilespmem:s1+$0x0];
	[tilespmem:s26+$0x30] =	vst v9  }
0xb6: {  	v5 =	vmul.f32 v5, v0;
	v9 =	vld [tilespmem:s1+$0x10];
	v13 =	vtrunc.f32 v13;
	[tilespmem:s26+$0xFFFFFFD0] =	vst v10  }
0xb7: {  	v10 =	vtrunc.f32 v11;
	v11 =	vld [tilespmem:s1+$0x20];
	v13 =	vcvt.f32.s32 v13;
	[tilespmem:s26+$0xFFFFFFE0] =	vst v8  }
0xb8: {  	v8 =	vld [tilespmem:s1+$0xFFFFFFC0];
	v10 =	vcvt.f32.s32 v10;
	v12 =	vtrunc.f32 v12;
	[tilespmem:s26+$0xFFFFFFF0] =	vst v5  }
0xb9: {  	v5 =	vcvt.f32.s32 v12;
	v6 =	vtrunc.f32 v6;
	v12 =	vld.idx.msk [tilespmem:v4+s19+$0x0], $0xffff  }
0xba: {  	v14 =	vcvt.f32.s32 v6;
	v4 =	vtrunc.f32 v7;
	v15 =	vld.idx.msk [tilespmem:v2+s19+$0x0], $0xffff  }
0xbb: {  	v2 =	vcvt.f32.s32 v4;
	v4 =	vtrunc.f32 v9;
	v6 =	vld.idx.msk [tilespmem:v1+s19+$0x0], $0xffff  }
.Ltmp3:
0xbc: {  	v1 =	vcvt.f32.s32 v4;
	v4 =	vtrunc.f32 v11;
	v7 =	vld.idx.msk [tilespmem:v3+s19+$0x0], $0xffff;
	(pc) =	sbr.rel @p0 .LBB2_8-.Ltmp3, $4  }
0xbd: {  	v8 =	vtrunc.f32 v8;
	v3 =	vcvt.f32.s32 v4;
	v9 =	vld.idx.msk [tilespmem:v13+s19+$0x0], $0xffff  }
0xbe: {  	v4 =	vcvt.f32.s32 v8;
	v10 =	vld.idx.msk [tilespmem:v10+s19+$0x0], $0xffff  }
0xbf: {  	v11 =	vmul.f32 v12, v0;
	v8 =	vld.idx.msk [tilespmem:v5+s19+$0x0], $0xffff  }
0xc0: {  	s1 =	sadd.s32 $0x80, s1;
	v12 =	vmul.f32 v15, v0;
	v5 =	vld.idx.msk [tilespmem:v14+s19+$0x0], $0xffff  }
0xc1: {  	_ =	sdelay $0x2  }
0xc2: {  	[tilespmem:s26+$0xFFFFFFC0] =	vst v11;
	v6 =	vmul.f32 v6, v0  }
0xc3: {  	v7 =	vmul.f32 v7, v0;
	v4 =	vld.idx.msk [tilespmem:v4+s19+$0x0], $0xffff;
	[tilespmem:s26+$0x0] =	vst v12  }
0xc4: {  	v2 =	vld.idx.msk [tilespmem:v2+s19+$0x0], $0xffff;
	v9 =	vmul.f32 v9, v0;
	[tilespmem:s26+$0x10] =	vst v6  }
0xc5: {  	s1 =	sadd.s32 $0x80, s26;
	v1 =	vld.idx.msk [tilespmem:v1+s19+$0x0], $0xffff;
	v62 =	vmul.f32 v10, v0;
	[tilespmem:s26+$0x20] =	vst v7  }
0xc6: {  	v3 =	vld.idx.msk [tilespmem:v3+s19+$0x0], $0xffff;
	v63 =	vmul.f32 v8, v0;
	[tilespmem:s1+$0x30] =	vst v9  }
0xc7: {  	[tilespmem:s1+$0xFFFFFFD0] =	vst v62;
	v5 =	vmul.f32 v5, v0  }
0xc8: {  	[tilespmem:s1+$0xFFFFFFE0] =	vst v63;
	v4 =	vmul.f32 v4, v0  }
0xc9: {  	v2 =	vmul.f32 v2, v0;
	[tilespmem:s1+$0xFFFFFFF0] =	vst v5  }
0xca: {  	v1 =	vmul.f32 v1, v0;
	[tilespmem:s1+$0xFFFFFFC0] =	vst v4  }
0xcb: {  	[tilespmem:s1+$0x0] =	vst v2;
	v2 =	vmul.f32 v3, v0  }
0xcc: {  	[tilespmem:s1+$0x10] =	vst v1  }
0xcd: {  	s0 =	simm.s32 $0x0;
	[tilespmem:s1+$0x20] =	vst v2  }
.LBB2_10:
0xce: {  	s1 =	sshra.s32 s0, $0x2  }
0xcf: {  	v1 =	vld [tilespmem:s1+$0xC380];
	_ =	sdelay $0x4  }
0xd0: {  	v1 =	vtrunc.f32 v1  }
0xd1: {  	v1 =	vcvt.f32.s32 v1;
	_ =	sdelay $0x5  }
0xd2: {  	v1 =	vld.idx.msk [tilespmem:v1+s19+$0x0], $0xffff;
	_ =	sdelay $0x1  }
0xd3: {  	p0 =	sne.s32 s0, $0x80  }
.Ltmp4:
0xd4: {  	_ = 	snop;
	(pc) =	sbr.rel @p0 .LBB2_10-.Ltmp4, $3  }
0xd5: {  	_ = 	snop  }
0xd6: {  	v1 =	vmul.f32 v1, v0;
	_ =	sdelay $0x1  }
0xd7: {  	s0 =	sadd.s32 $0x40, s0;
	[tilespmem:s1+$0x18780] =	vst v1  }
0xd8: {  	s0 =	rddreg [dreg:$0x9]  }
0xd9: {  	[tilespmem:s3], [sflag:$0x2] =	stream.linear.gather [hbm4b:s0+s2], $0x61A8, $0x38;
	[tilespmem:$0x1B800] =	vst v63  }
0xda: {  	_ = 	snop  }
0xdb: {  	[hbm4b:s9+s2] =	stream.linear.scatter [tilespmem:s4], [sflag:$0x4], $0x61A8, $0x38;
	[tilespmem:$0x1B800] =	vst v63  }
0xdc: {  	_ =	swait.ge [sflag:s18], $0x61A8  }
0xdd: {  	[sflag:s18] =	ssyncset.done $0x0  }
0xde: {  	[sflag:s18] =	ssyncadd.s32 $0xFFFF9E58  }
0xdf: {  	_ =	swait.ge [sflag:s23], $0x61A8  }
0xe0: {  	[sflag:s23] =	ssyncset.done $0x0  }
0xe1: {  	s30 =	simm.s32 $0x40;
	[sflag:s23] =	ssyncadd.s32 $0xFFFF9E58  }
0xe2: {  	v1 =	vld [tilespmem:s30+$0x30]  }
0xe3: {  	v2 =	vld [tilespmem:s30+$0xFFFFFFD0]  }
0xe4: {  	v3 =	vld [tilespmem:s30+$0xFFFFFFE0]  }
0xe5: {  	v4 =	vld [tilespmem:s30+$0xFFFFFFF0]  }
0xe6: {  	v5 =	vld [tilespmem:s30+$0x0]  }
0xe7: {  	v6 =	vld [tilespmem:s30+$0x10]  }
0xe8: {  	v7 =	vld [tilespmem:s30+$0x20]  }
0xe9: {  	s31 =	simm.s32 $0xC0;
	v8 =	vld [tilespmem:s30+$0xFFFFFFC0];
	v1 =	vtrunc.f32 v1  }
0xea: {  	v9 =	vld [tilespmem:s31+$0x30];
	v2 =	vtrunc.f32 v2;
	v1 =	vcvt.f32.s32 v1  }
0xeb: {  	v10 =	vld [tilespmem:s31+$0xFFFFFFD0];
	v3 =	vtrunc.f32 v3;
	v2 =	vcvt.f32.s32 v2  }
0xec: {  	v11 =	vld [tilespmem:s31+$0xFFFFFFE0];
	v4 =	vtrunc.f32 v4;
	v3 =	vcvt.f32.s32 v3  }
0xed: {  	v12 =	vld [tilespmem:s31+$0xFFFFFFF0];
	v4 =	vcvt.f32.s32 v4  }
0xee: {  	v13 =	vld [tilespmem:s31+$0x0]  }
0xef: {  	v14 =	vld [tilespmem:s31+$0x10];
	v5 =	vtrunc.f32 v5;
	v8 =	vtrunc.f32 v8  }
0xf0: {  	v6 =	vtrunc.f32 v6;
	v8 =	vcvt.f32.s32 v8;
	v1 =	vld.idx.msk [tilespmem:v1+s19+$0x0], $0xffff  }
0xf1: {  	v7 =	vtrunc.f32 v7;
	v5 =	vcvt.f32.s32 v5;
	v2 =	vld.idx.msk [tilespmem:v2+s19+$0x0], $0xffff  }
0xf2: {  	v9 =	vtrunc.f32 v9;
	v6 =	vcvt.f32.s32 v6;
	v3 =	vld.idx.msk [tilespmem:v3+s19+$0x0], $0xffff  }
0xf3: {  	v10 =	vtrunc.f32 v10;
	v7 =	vcvt.f32.s32 v7;
	v4 =	vld.idx.msk [tilespmem:v4+s19+$0x0], $0xffff  }
0xf4: {  	v15 =	vld [tilespmem:s31+$0x20];
	v11 =	vtrunc.f32 v11;
	v9 =	vcvt.f32.s32 v9  }
0xf5: {  	v16 =	vld [tilespmem:s31+$0xFFFFFFC0];
	v12 =	vtrunc.f32 v12;
	v10 =	vcvt.f32.s32 v10  }
0xf6: {  	v11 =	vcvt.f32.s32 v11;
	v12 =	vcvt.f32.s32 v12;
	v17 =	vld.idx.msk [tilespmem:v8+s19+$0x0], $0xffff  }
0xf7: {  	v18 =	vld.idx.msk [tilespmem:v5+s19+$0x0], $0xffff;
	v1 =	vmul.f32 v1, v0;
	v8 =	vmul.f32 v2, v0  }
0xf8: {  	s26 =	simm.s32 $0xC440;
	v6 =	vld.idx.msk [tilespmem:v6+s19+$0x0], $0xffff;
	v3 =	vmul.f32 v3, v0;
	v5 =	vmul.f32 v4, v0  }
0xf9: {  	v7 =	vld.idx.msk [tilespmem:v7+s19+$0x0], $0xffff;
	v2 =	vtrunc.f32 v13;
	v4 =	vtrunc.f32 v14;
	[tilespmem:s26+$0x30] =	vst v1  }
0xfa: {  	v9 =	vld.idx.msk [tilespmem:v9+s19+$0x0], $0xffff;
	v1 =	vcvt.f32.s32 v4;
	[tilespmem:s26+$0xFFFFFFD0] =	vst v8;
	v4 =	vtrunc.f32 v15  }
0xfb: {  	v10 =	vld.idx.msk [tilespmem:v10+s19+$0x0], $0xffff;
	v8 =	vtrunc.f32 v16;
	[tilespmem:s26+$0xFFFFFFE0] =	vst v3;
	v3 =	vcvt.f32.s32 v4  }
0xfc: {  	v4 =	vcvt.f32.s32 v8;
	v8 =	vld.idx.msk [tilespmem:v11+s19+$0x0], $0xffff;
	v11 =	vmul.f32 v17, v0  }
0xfd: {  	s1 =	simm.s32 $0x140;
	s0 =	simm.s32 $0x8;
	v2 =	vcvt.f32.s32 v2;
	[tilespmem:s26+$0xFFFFFFF0] =	vst v5;
	v5 =	vld.idx.msk [tilespmem:v12+s19+$0x0], $0xffff;
	v12 =	vmul.f32 v18, v0  }
.LBB2_12:
0xfe: {  	v13 =	vld [tilespmem:s1+$0x30];
	s0 =	sadd.s32 $0x8, s0;
	[tilespmem:s26+$0xFFFFFFC0] =	vst v11;
	v6 =	vmul.f32 v6, v0  }
0xff: {  	v7 =	vmul.f32 v7, v0;
	v11 =	vld [tilespmem:s1+$0xFFFFFFD0];
	p0 =	slt.u32 s0, $0x610;
	[tilespmem:s26+$0x0] =	vst v12  }
0x100: {  	v9 =	vmul.f32 v9, v0;
	v12 =	vld [tilespmem:s1+$0xFFFFFFE0];
	[tilespmem:s26+$0x10] =	vst v6  }
0x101: {  	v10 =	vmul.f32 v10, v0;
	v6 =	vld [tilespmem:s1+$0xFFFFFFF0];
	[tilespmem:s26+$0x20] =	vst v7;
	s26 =	sadd.s32 $0x80, s26  }
0x102: {  	v8 =	vmul.f32 v8, v0;
	v7 =	vld [tilespmem:s1+$0x0];
	[tilespmem:s26+$0x30] =	vst v9  }
0x103: {  	v5 =	vmul.f32 v5, v0;
	v9 =	vld [tilespmem:s1+$0x10];
	v13 =	vtrunc.f32 v13;
	[tilespmem:s26+$0xFFFFFFD0] =	vst v10  }
0x104: {  	v10 =	vtrunc.f32 v11;
	v11 =	vld [tilespmem:s1+$0x20];
	v13 =	vcvt.f32.s32 v13;
	[tilespmem:s26+$0xFFFFFFE0] =	vst v8  }
0x105: {  	v8 =	vld [tilespmem:s1+$0xFFFFFFC0];
	v10 =	vcvt.f32.s32 v10;
	v12 =	vtrunc.f32 v12;
	[tilespmem:s26+$0xFFFFFFF0] =	vst v5  }
0x106: {  	v5 =	vcvt.f32.s32 v12;
	v6 =	vtrunc.f32 v6;
	v12 =	vld.idx.msk [tilespmem:v4+s19+$0x0], $0xffff  }
0x107: {  	v14 =	vcvt.f32.s32 v6;
	v4 =	vtrunc.f32 v7;
	v15 =	vld.idx.msk [tilespmem:v2+s19+$0x0], $0xffff  }
0x108: {  	v2 =	vcvt.f32.s32 v4;
	v4 =	vtrunc.f32 v9;
	v6 =	vld.idx.msk [tilespmem:v1+s19+$0x0], $0xffff  }
.Ltmp5:
0x109: {  	v1 =	vcvt.f32.s32 v4;
	v4 =	vtrunc.f32 v11;
	v7 =	vld.idx.msk [tilespmem:v3+s19+$0x0], $0xffff;
	(pc) =	sbr.rel @p0 .LBB2_12-.Ltmp5, $4  }
0x10a: {  	v8 =	vtrunc.f32 v8;
	v3 =	vcvt.f32.s32 v4;
	v9 =	vld.idx.msk [tilespmem:v13+s19+$0x0], $0xffff  }
0x10b: {  	v4 =	vcvt.f32.s32 v8;
	v10 =	vld.idx.msk [tilespmem:v10+s19+$0x0], $0xffff  }
0x10c: {  	v11 =	vmul.f32 v12, v0;
	v8 =	vld.idx.msk [tilespmem:v5+s19+$0x0], $0xffff  }
0x10d: {  	s1 =	sadd.s32 $0x80, s1;
	v12 =	vmul.f32 v15, v0;
	v5 =	vld.idx.msk [tilespmem:v14+s19+$0x0], $0xffff  }
0x10e: {  	_ =	sdelay $0x2  }
0x10f: {  	[tilespmem:s26+$0xFFFFFFC0] =	vst v11;
	v6 =	vmul.f32 v6, v0  }
0x110: {  	v7 =	vmul.f32 v7, v0;
	v4 =	vld.idx.msk [tilespmem:v4+s19+$0x0], $0xffff;
	[tilespmem:s26+$0x0] =	vst v12  }
0x111: {  	v2 =	vld.idx.msk [tilespmem:v2+s19+$0x0], $0xffff;
	v9 =	vmul.f32 v9, v0;
	[tilespmem:s26+$0x10] =	vst v6  }
0x112: {  	s1 =	sadd.s32 $0x80, s26;
	v1 =	vld.idx.msk [tilespmem:v1+s19+$0x0], $0xffff;
	v62 =	vmul.f32 v10, v0;
	[tilespmem:s26+$0x20] =	vst v7  }
0x113: {  	v3 =	vld.idx.msk [tilespmem:v3+s19+$0x0], $0xffff;
	v63 =	vmul.f32 v8, v0;
	[tilespmem:s1+$0x30] =	vst v9  }
0x114: {  	[tilespmem:s1+$0xFFFFFFD0] =	vst v62;
	v5 =	vmul.f32 v5, v0  }
0x115: {  	[tilespmem:s1+$0xFFFFFFE0] =	vst v63;
	v4 =	vmul.f32 v4, v0  }
0x116: {  	v2 =	vmul.f32 v2, v0;
	[tilespmem:s1+$0xFFFFFFF0] =	vst v5  }
0x117: {  	v1 =	vmul.f32 v1, v0;
	[tilespmem:s1+$0xFFFFFFC0] =	vst v4  }
0x118: {  	[tilespmem:s1+$0x0] =	vst v2;
	v2 =	vmul.f32 v3, v0  }
0x119: {  	[tilespmem:s1+$0x10] =	vst v1  }
0x11a: {  	s0 =	simm.s32 $0x0;
	[tilespmem:s1+$0x20] =	vst v2  }
.LBB2_14:
0x11b: {  	s1 =	sshra.s32 s0, $0x2  }
0x11c: {  	v1 =	vld [tilespmem:s1+$0x6180];
	_ =	sdelay $0x4  }
0x11d: {  	v1 =	vtrunc.f32 v1  }
0x11e: {  	v1 =	vcvt.f32.s32 v1;
	_ =	sdelay $0x5  }
0x11f: {  	v1 =	vld.idx.msk [tilespmem:v1+s19+$0x0], $0xffff;
	_ =	sdelay $0x1  }
0x120: {  	p0 =	sne.s32 s0, $0x80  }
.Ltmp6:
0x121: {  	_ = 	snop;
	(pc) =	sbr.rel @p0 .LBB2_14-.Ltmp6, $3  }
0x122: {  	_ = 	snop  }
0x123: {  	v1 =	vmul.f32 v1, v0;
	_ =	sdelay $0x1  }
0x124: {  	s0 =	sadd.s32 $0x40, s0;
	[tilespmem:s1+$0x12580] =	vst v1  }
0x125: {  	[tilespmem:s2], [sflag:$0x1] =	stream.linear.gather [hbm4b:s10+s2], $0x61A8, $0x38;
	[tilespmem:$0x1B800] =	vst v63  }
0x126: {  	_ = 	snop  }
0x127: {  	[hbm4b:s11+s2] =	stream.linear.scatter [tilespmem:s20], [sflag:$0x3], $0x61A8, $0x38;
	[tilespmem:$0x1B800] =	vst v63  }
0x128: {  	_ =	swait.ge [sflag:s21], $0x61A8  }
0x129: {  	[sflag:s21] =	ssyncset.done $0x0  }
0x12a: {  	[sflag:s21] =	ssyncadd.s32 $0xFFFF9E58  }
0x12b: {  	_ =	swait.ge [sflag:s24], $0x61A8  }
0x12c: {  	[sflag:s24] =	ssyncset.done $0x0  }
0x12d: {  	s0 =	simm.s32 $0x6240;
	[sflag:s24] =	ssyncadd.s32 $0xFFFF9E58  }
0x12e: {  	v1 =	vld [tilespmem:s0+$0x30]  }
0x12f: {  	v2 =	vld [tilespmem:s0+$0xFFFFFFD0]  }
0x130: {  	v3 =	vld [tilespmem:s0+$0xFFFFFFE0]  }
0x131: {  	v4 =	vld [tilespmem:s0+$0xFFFFFFF0]  }
0x132: {  	v5 =	vld [tilespmem:s0+$0x0]  }
0x133: {  	v6 =	vld [tilespmem:s0+$0x10]  }
0x134: {  	v7 =	vld [tilespmem:s0+$0x20]  }
0x135: {  	s31 =	simm.s32 $0x62C0;
	v8 =	vld [tilespmem:s0+$0xFFFFFFC0];
	v1 =	vtrunc.f32 v1  }
0x136: {  	v9 =	vld [tilespmem:s31+$0x30];
	v2 =	vtrunc.f32 v2;
	v1 =	vcvt.f32.s32 v1  }
0x137: {  	v10 =	vld [tilespmem:s31+$0xFFFFFFD0];
	v3 =	vtrunc.f32 v3;
	v2 =	vcvt.f32.s32 v2  }
0x138: {  	v11 =	vld [tilespmem:s31+$0xFFFFFFE0];
	v4 =	vtrunc.f32 v4;
	v3 =	vcvt.f32.s32 v3  }
0x139: {  	v12 =	vld [tilespmem:s31+$0xFFFFFFF0];
	v4 =	vcvt.f32.s32 v4  }
0x13a: {  	v13 =	vld [tilespmem:s31+$0x0]  }
0x13b: {  	v14 =	vld [tilespmem:s31+$0x10];
	v5 =	vtrunc.f32 v5;
	v8 =	vtrunc.f32 v8  }
0x13c: {  	v6 =	vtrunc.f32 v6;
	v8 =	vcvt.f32.s32 v8;
	v1 =	vld.idx.msk [tilespmem:v1+s19+$0x0], $0xffff  }
0x13d: {  	v7 =	vtrunc.f32 v7;
	v5 =	vcvt.f32.s32 v5;
	v2 =	vld.idx.msk [tilespmem:v2+s19+$0x0], $0xffff  }
0x13e: {  	v9 =	vtrunc.f32 v9;
	v6 =	vcvt.f32.s32 v6;
	v3 =	vld.idx.msk [tilespmem:v3+s19+$0x0], $0xffff  }
0x13f: {  	v10 =	vtrunc.f32 v10;
	v7 =	vcvt.f32.s32 v7;
	v4 =	vld.idx.msk [tilespmem:v4+s19+$0x0], $0xffff  }
0x140: {  	v15 =	vld [tilespmem:s31+$0x20];
	v11 =	vtrunc.f32 v11;
	v9 =	vcvt.f32.s32 v9  }
0x141: {  	v16 =	vld [tilespmem:s31+$0xFFFFFFC0];
	v12 =	vtrunc.f32 v12;
	v10 =	vcvt.f32.s32 v10  }
0x142: {  	v11 =	vcvt.f32.s32 v11;
	v12 =	vcvt.f32.s32 v12;
	v17 =	vld.idx.msk [tilespmem:v8+s19+$0x0], $0xffff  }
0x143: {  	v18 =	vld.idx.msk [tilespmem:v5+s19+$0x0], $0xffff;
	v1 =	vmul.f32 v1, v0;
	v8 =	vmul.f32 v2, v0  }
0x144: {  	s26 =	simm.s32 $0x12640;
	v6 =	vld.idx.msk [tilespmem:v6+s19+$0x0], $0xffff;
	v3 =	vmul.f32 v3, v0;
	v5 =	vmul.f32 v4, v0  }
0x145: {  	v7 =	vld.idx.msk [tilespmem:v7+s19+$0x0], $0xffff;
	v2 =	vtrunc.f32 v13;
	v4 =	vtrunc.f32 v14;
	[tilespmem:s26+$0x30] =	vst v1  }
0x146: {  	v9 =	vld.idx.msk [tilespmem:v9+s19+$0x0], $0xffff;
	v1 =	vcvt.f32.s32 v4;
	[tilespmem:s26+$0xFFFFFFD0] =	vst v8;
	v4 =	vtrunc.f32 v15  }
0x147: {  	v10 =	vld.idx.msk [tilespmem:v10+s19+$0x0], $0xffff;
	v8 =	vtrunc.f32 v16;
	[tilespmem:s26+$0xFFFFFFE0] =	vst v3;
	v3 =	vcvt.f32.s32 v4  }
0x148: {  	v4 =	vcvt.f32.s32 v8;
	v8 =	vld.idx.msk [tilespmem:v11+s19+$0x0], $0xffff;
	v11 =	vmul.f32 v17, v0  }
0x149: {  	s1 =	simm.s32 $0x6340;
	s0 =	simm.s32 $0x8;
	v2 =	vcvt.f32.s32 v2;
	[tilespmem:s26+$0xFFFFFFF0] =	vst v5;
	v5 =	vld.idx.msk [tilespmem:v12+s19+$0x0], $0xffff;
	v12 =	vmul.f32 v18, v0  }
.LBB2_16:
0x14a: {  	v13 =	vld [tilespmem:s1+$0x30];
	s0 =	sadd.s32 $0x8, s0;
	[tilespmem:s26+$0xFFFFFFC0] =	vst v11;
	v6 =	vmul.f32 v6, v0  }
0x14b: {  	v7 =	vmul.f32 v7, v0;
	v11 =	vld [tilespmem:s1+$0xFFFFFFD0];
	p0 =	slt.u32 s0, $0x610;
	[tilespmem:s26+$0x0] =	vst v12  }
0x14c: {  	v9 =	vmul.f32 v9, v0;
	v12 =	vld [tilespmem:s1+$0xFFFFFFE0];
	[tilespmem:s26+$0x10] =	vst v6  }
0x14d: {  	v10 =	vmul.f32 v10, v0;
	v6 =	vld [tilespmem:s1+$0xFFFFFFF0];
	[tilespmem:s26+$0x20] =	vst v7;
	s26 =	sadd.s32 $0x80, s26  }
0x14e: {  	v8 =	vmul.f32 v8, v0;
	v7 =	vld [tilespmem:s1+$0x0];
	[tilespmem:s26+$0x30] =	vst v9  }
0x14f: {  	v5 =	vmul.f32 v5, v0;
	v9 =	vld [tilespmem:s1+$0x10];
	v13 =	vtrunc.f32 v13;
	[tilespmem:s26+$0xFFFFFFD0] =	vst v10  }
0x150: {  	v10 =	vtrunc.f32 v11;
	v11 =	vld [tilespmem:s1+$0x20];
	v13 =	vcvt.f32.s32 v13;
	[tilespmem:s26+$0xFFFFFFE0] =	vst v8  }
0x151: {  	v8 =	vld [tilespmem:s1+$0xFFFFFFC0];
	v10 =	vcvt.f32.s32 v10;
	v12 =	vtrunc.f32 v12;
	[tilespmem:s26+$0xFFFFFFF0] =	vst v5  }
0x152: {  	v5 =	vcvt.f32.s32 v12;
	v6 =	vtrunc.f32 v6;
	v12 =	vld.idx.msk [tilespmem:v4+s19+$0x0], $0xffff  }
0x153: {  	v14 =	vcvt.f32.s32 v6;
	v4 =	vtrunc.f32 v7;
	v15 =	vld.idx.msk [tilespmem:v2+s19+$0x0], $0xffff  }
0x154: {  	v2 =	vcvt.f32.s32 v4;
	v4 =	vtrunc.f32 v9;
	v6 =	vld.idx.msk [tilespmem:v1+s19+$0x0], $0xffff  }
.Ltmp7:
0x155: {  	v1 =	vcvt.f32.s32 v4;
	v4 =	vtrunc.f32 v11;
	v7 =	vld.idx.msk [tilespmem:v3+s19+$0x0], $0xffff;
	(pc) =	sbr.rel @p0 .LBB2_16-.Ltmp7, $4  }
0x156: {  	v8 =	vtrunc.f32 v8;
	v3 =	vcvt.f32.s32 v4;
	v9 =	vld.idx.msk [tilespmem:v13+s19+$0x0], $0xffff  }
0x157: {  	v4 =	vcvt.f32.s32 v8;
	v10 =	vld.idx.msk [tilespmem:v10+s19+$0x0], $0xffff  }
0x158: {  	v11 =	vmul.f32 v12, v0;
	v8 =	vld.idx.msk [tilespmem:v5+s19+$0x0], $0xffff  }
0x159: {  	s1 =	sadd.s32 $0x80, s1;
	v12 =	vmul.f32 v15, v0;
	v5 =	vld.idx.msk [tilespmem:v14+s19+$0x0], $0xffff  }
0x15a: {  	_ =	sdelay $0x2  }
0x15b: {  	[tilespmem:s26+$0xFFFFFFC0] =	vst v11;
	v6 =	vmul.f32 v6, v0  }
0x15c: {  	v7 =	vmul.f32 v7, v0;
	v4 =	vld.idx.msk [tilespmem:v4+s19+$0x0], $0xffff;
	[tilespmem:s26+$0x0] =	vst v12  }
0x15d: {  	v2 =	vld.idx.msk [tilespmem:v2+s19+$0x0], $0xffff;
	v9 =	vmul.f32 v9, v0;
	[tilespmem:s26+$0x10] =	vst v6  }
0x15e: {  	s1 =	sadd.s32 $0x80, s26;
	v1 =	vld.idx.msk [tilespmem:v1+s19+$0x0], $0xffff;
	v62 =	vmul.f32 v10, v0;
	[tilespmem:s26+$0x20] =	vst v7  }
0x15f: {  	v3 =	vld.idx.msk [tilespmem:v3+s19+$0x0], $0xffff;
	v63 =	vmul.f32 v8, v0;
	[tilespmem:s1+$0x30] =	vst v9  }
0x160: {  	[tilespmem:s1+$0xFFFFFFD0] =	vst v62;
	v5 =	vmul.f32 v5, v0  }
0x161: {  	[tilespmem:s1+$0xFFFFFFE0] =	vst v63;
	v4 =	vmul.f32 v4, v0  }
0x162: {  	v2 =	vmul.f32 v2, v0;
	[tilespmem:s1+$0xFFFFFFF0] =	vst v5  }
0x163: {  	v1 =	vmul.f32 v1, v0;
	[tilespmem:s1+$0xFFFFFFC0] =	vst v4  }
0x164: {  	[tilespmem:s1+$0x0] =	vst v2;
	v2 =	vmul.f32 v3, v0  }
0x165: {  	[tilespmem:s1+$0x10] =	vst v1  }
0x166: {  	s0 =	simm.s32 $0x0;
	[tilespmem:s1+$0x20] =	vst v2  }
.LBB2_18:
0x167: {  	s1 =	sshra.s32 s0, $0x2  }
0x168: {  	v1 =	vld [tilespmem:s1+$0xC380];
	_ =	sdelay $0x4  }
0x169: {  	v1 =	vtrunc.f32 v1  }
0x16a: {  	v1 =	vcvt.f32.s32 v1;
	_ =	sdelay $0x5  }
0x16b: {  	v1 =	vld.idx.msk [tilespmem:v1+s19+$0x0], $0xffff;
	_ =	sdelay $0x1  }
0x16c: {  	p0 =	sne.s32 s0, $0x80  }
.Ltmp8:
0x16d: {  	_ = 	snop;
	(pc) =	sbr.rel @p0 .LBB2_18-.Ltmp8, $3  }
0x16e: {  	_ = 	snop  }
0x16f: {  	v1 =	vmul.f32 v1, v0;
	_ =	sdelay $0x1  }
0x170: {  	s0 =	sadd.s32 $0x40, s0;
	[tilespmem:s1+$0x18780] =	vst v1  }
0x171: {  	[hbm4b:s12+s2] =	stream.linear.scatter [tilespmem:s4], [sflag:$0x4], $0x61A8, $0x38;
	[tilespmem:$0x1B800] =	vst v63  }
0x172: {  	_ =	swait.ge [sflag:s18], $0x61A8  }
0x173: {  	[sflag:s18] =	ssyncset.done $0x0  }
0x174: {  	[sflag:s18] =	ssyncadd.s32 $0xFFFF9E58  }
0x175: {  	_ =	swait.ge [sflag:s23], $0x61A8  }
0x176: {  	[sflag:s23] =	ssyncset.done $0x0  }
0x177: {  	s0 =	simm.s32 $0x40;
	[sflag:s23] =	ssyncadd.s32 $0xFFFF9E58  }
0x178: {  	v1 =	vld [tilespmem:s0+$0x30]  }
0x179: {  	v2 =	vld [tilespmem:s0+$0xFFFFFFD0]  }
0x17a: {  	v3 =	vld [tilespmem:s0+$0xFFFFFFE0]  }
0x17b: {  	v4 =	vld [tilespmem:s0+$0xFFFFFFF0]  }
0x17c: {  	v5 =	vld [tilespmem:s0+$0x0]  }
0x17d: {  	v6 =	vld [tilespmem:s0+$0x10]  }
0x17e: {  	v7 =	vld [tilespmem:s0+$0x20]  }
0x17f: {  	s31 =	simm.s32 $0xC0;
	v8 =	vld [tilespmem:s0+$0xFFFFFFC0];
	v1 =	vtrunc.f32 v1  }
0x180: {  	v9 =	vld [tilespmem:s31+$0x30];
	v2 =	vtrunc.f32 v2;
	v1 =	vcvt.f32.s32 v1  }
0x181: {  	v10 =	vld [tilespmem:s31+$0xFFFFFFD0];
	v3 =	vtrunc.f32 v3;
	v2 =	vcvt.f32.s32 v2  }
0x182: {  	v11 =	vld [tilespmem:s31+$0xFFFFFFE0];
	v4 =	vtrunc.f32 v4;
	v3 =	vcvt.f32.s32 v3  }
0x183: {  	v12 =	vld [tilespmem:s31+$0xFFFFFFF0];
	v4 =	vcvt.f32.s32 v4  }
0x184: {  	v13 =	vld [tilespmem:s31+$0x0]  }
0x185: {  	v14 =	vld [tilespmem:s31+$0x10];
	v5 =	vtrunc.f32 v5;
	v8 =	vtrunc.f32 v8  }
0x186: {  	v6 =	vtrunc.f32 v6;
	v8 =	vcvt.f32.s32 v8;
	v1 =	vld.idx.msk [tilespmem:v1+s19+$0x0], $0xffff  }
0x187: {  	v7 =	vtrunc.f32 v7;
	v5 =	vcvt.f32.s32 v5;
	v2 =	vld.idx.msk [tilespmem:v2+s19+$0x0], $0xffff  }
0x188: {  	v9 =	vtrunc.f32 v9;
	v6 =	vcvt.f32.s32 v6;
	v3 =	vld.idx.msk [tilespmem:v3+s19+$0x0], $0xffff  }
0x189: {  	v10 =	vtrunc.f32 v10;
	v7 =	vcvt.f32.s32 v7;
	v4 =	vld.idx.msk [tilespmem:v4+s19+$0x0], $0xffff  }
0x18a: {  	v15 =	vld [tilespmem:s31+$0x20];
	v11 =	vtrunc.f32 v11;
	v9 =	vcvt.f32.s32 v9  }
0x18b: {  	v16 =	vld [tilespmem:s31+$0xFFFFFFC0];
	v12 =	vtrunc.f32 v12;
	v10 =	vcvt.f32.s32 v10  }
0x18c: {  	v11 =	vcvt.f32.s32 v11;
	v12 =	vcvt.f32.s32 v12;
	v17 =	vld.idx.msk [tilespmem:v8+s19+$0x0], $0xffff  }
0x18d: {  	v18 =	vld.idx.msk [tilespmem:v5+s19+$0x0], $0xffff;
	v1 =	vmul.f32 v1, v0;
	v8 =	vmul.f32 v2, v0  }
0x18e: {  	s26 =	simm.s32 $0xC440;
	v6 =	vld.idx.msk [tilespmem:v6+s19+$0x0], $0xffff;
	v3 =	vmul.f32 v3, v0;
	v5 =	vmul.f32 v4, v0  }
0x18f: {  	v7 =	vld.idx.msk [tilespmem:v7+s19+$0x0], $0xffff;
	v2 =	vtrunc.f32 v13;
	v4 =	vtrunc.f32 v14;
	[tilespmem:s26+$0x30] =	vst v1  }
0x190: {  	v9 =	vld.idx.msk [tilespmem:v9+s19+$0x0], $0xffff;
	v1 =	vcvt.f32.s32 v4;
	[tilespmem:s26+$0xFFFFFFD0] =	vst v8;
	v4 =	vtrunc.f32 v15  }
0x191: {  	v10 =	vld.idx.msk [tilespmem:v10+s19+$0x0], $0xffff;
	v8 =	vtrunc.f32 v16;
	[tilespmem:s26+$0xFFFFFFE0] =	vst v3;
	v3 =	vcvt.f32.s32 v4  }
0x192: {  	v4 =	vcvt.f32.s32 v8;
	v8 =	vld.idx.msk [tilespmem:v11+s19+$0x0], $0xffff;
	v11 =	vmul.f32 v17, v0  }
0x193: {  	s1 =	simm.s32 $0x140;
	s0 =	simm.s32 $0x8;
	v2 =	vcvt.f32.s32 v2;
	[tilespmem:s26+$0xFFFFFFF0] =	vst v5;
	v5 =	vld.idx.msk [tilespmem:v12+s19+$0x0], $0xffff;
	v12 =	vmul.f32 v18, v0  }
.LBB2_20:
0x194: {  	v13 =	vld [tilespmem:s1+$0x30];
	s0 =	sadd.s32 $0x8, s0;
	[tilespmem:s26+$0xFFFFFFC0] =	vst v11;
	v6 =	vmul.f32 v6, v0  }
0x195: {  	v7 =	vmul.f32 v7, v0;
	v11 =	vld [tilespmem:s1+$0xFFFFFFD0];
	p0 =	slt.u32 s0, $0x610;
	[tilespmem:s26+$0x0] =	vst v12  }
0x196: {  	v9 =	vmul.f32 v9, v0;
	v12 =	vld [tilespmem:s1+$0xFFFFFFE0];
	[tilespmem:s26+$0x10] =	vst v6  }
0x197: {  	v10 =	vmul.f32 v10, v0;
	v6 =	vld [tilespmem:s1+$0xFFFFFFF0];
	[tilespmem:s26+$0x20] =	vst v7;
	s26 =	sadd.s32 $0x80, s26  }
0x198: {  	v8 =	vmul.f32 v8, v0;
	v7 =	vld [tilespmem:s1+$0x0];
	[tilespmem:s26+$0x30] =	vst v9  }
0x199: {  	v5 =	vmul.f32 v5, v0;
	v9 =	vld [tilespmem:s1+$0x10];
	v13 =	vtrunc.f32 v13;
	[tilespmem:s26+$0xFFFFFFD0] =	vst v10  }
0x19a: {  	v10 =	vtrunc.f32 v11;
	v11 =	vld [tilespmem:s1+$0x20];
	v13 =	vcvt.f32.s32 v13;
	[tilespmem:s26+$0xFFFFFFE0] =	vst v8  }
0x19b: {  	v8 =	vld [tilespmem:s1+$0xFFFFFFC0];
	v10 =	vcvt.f32.s32 v10;
	v12 =	vtrunc.f32 v12;
	[tilespmem:s26+$0xFFFFFFF0] =	vst v5  }
0x19c: {  	v5 =	vcvt.f32.s32 v12;
	v6 =	vtrunc.f32 v6;
	v12 =	vld.idx.msk [tilespmem:v4+s19+$0x0], $0xffff  }
0x19d: {  	v14 =	vcvt.f32.s32 v6;
	v4 =	vtrunc.f32 v7;
	v15 =	vld.idx.msk [tilespmem:v2+s19+$0x0], $0xffff  }
0x19e: {  	v2 =	vcvt.f32.s32 v4;
	v4 =	vtrunc.f32 v9;
	v6 =	vld.idx.msk [tilespmem:v1+s19+$0x0], $0xffff  }
.Ltmp9:
0x19f: {  	v1 =	vcvt.f32.s32 v4;
	v4 =	vtrunc.f32 v11;
	v7 =	vld.idx.msk [tilespmem:v3+s19+$0x0], $0xffff;
	(pc) =	sbr.rel @p0 .LBB2_20-.Ltmp9, $4  }
0x1a0: {  	v8 =	vtrunc.f32 v8;
	v3 =	vcvt.f32.s32 v4;
	v9 =	vld.idx.msk [tilespmem:v13+s19+$0x0], $0xffff  }
0x1a1: {  	v4 =	vcvt.f32.s32 v8;
	v10 =	vld.idx.msk [tilespmem:v10+s19+$0x0], $0xffff  }
0x1a2: {  	v11 =	vmul.f32 v12, v0;
	v8 =	vld.idx.msk [tilespmem:v5+s19+$0x0], $0xffff  }
0x1a3: {  	s1 =	sadd.s32 $0x80, s1;
	v12 =	vmul.f32 v15, v0;
	v5 =	vld.idx.msk [tilespmem:v14+s19+$0x0], $0xffff  }
0x1a4: {  	_ =	sdelay $0x2  }
0x1a5: {  	[tilespmem:s26+$0xFFFFFFC0] =	vst v11;
	v6 =	vmul.f32 v6, v0  }
0x1a6: {  	v7 =	vmul.f32 v7, v0;
	v4 =	vld.idx.msk [tilespmem:v4+s19+$0x0], $0xffff;
	[tilespmem:s26+$0x0] =	vst v12  }
0x1a7: {  	v2 =	vld.idx.msk [tilespmem:v2+s19+$0x0], $0xffff;
	v9 =	vmul.f32 v9, v0;
	[tilespmem:s26+$0x10] =	vst v6  }
0x1a8: {  	s1 =	sadd.s32 $0x80, s26;
	v1 =	vld.idx.msk [tilespmem:v1+s19+$0x0], $0xffff;
	v62 =	vmul.f32 v10, v0;
	[tilespmem:s26+$0x20] =	vst v7  }
0x1a9: {  	v3 =	vld.idx.msk [tilespmem:v3+s19+$0x0], $0xffff;
	v63 =	vmul.f32 v8, v0;
	[tilespmem:s1+$0x30] =	vst v9  }
0x1aa: {  	[tilespmem:s1+$0xFFFFFFD0] =	vst v62;
	v5 =	vmul.f32 v5, v0  }
0x1ab: {  	[tilespmem:s1+$0xFFFFFFE0] =	vst v63;
	v4 =	vmul.f32 v4, v0  }
0x1ac: {  	v2 =	vmul.f32 v2, v0;
	[tilespmem:s1+$0xFFFFFFF0] =	vst v5  }
0x1ad: {  	v1 =	vmul.f32 v1, v0;
	[tilespmem:s1+$0xFFFFFFC0] =	vst v4  }
0x1ae: {  	[tilespmem:s1+$0x0] =	vst v2;
	v2 =	vmul.f32 v3, v0  }
0x1af: {  	[tilespmem:s1+$0x10] =	vst v1  }
0x1b0: {  	s0 =	simm.s32 $0x0;
	[tilespmem:s1+$0x20] =	vst v2  }
.LBB2_22:
0x1b1: {  	s1 =	sshra.s32 s0, $0x2  }
0x1b2: {  	v1 =	vld [tilespmem:s1+$0x6180];
	_ =	sdelay $0x4  }
0x1b3: {  	v1 =	vtrunc.f32 v1  }
0x1b4: {  	v1 =	vcvt.f32.s32 v1;
	_ =	sdelay $0x5  }
0x1b5: {  	v1 =	vld.idx.msk [tilespmem:v1+s19+$0x0], $0xffff;
	_ =	sdelay $0x1  }
0x1b6: {  	p0 =	sne.s32 s0, $0x80  }
.Ltmp10:
0x1b7: {  	_ = 	snop;
	(pc) =	sbr.rel @p0 .LBB2_22-.Ltmp10, $3  }
0x1b8: {  	_ = 	snop  }
0x1b9: {  	v1 =	vmul.f32 v1, v0;
	_ =	sdelay $0x1  }
0x1ba: {  	s0 =	sadd.s32 $0x40, s0;
	[tilespmem:s1+$0x12580] =	vst v1  }
0x1bb: {  	[hbm4b:s13+s2] =	stream.linear.scatter [tilespmem:s20], [sflag:$0x3], $0x61A8, $0x38;
	[tilespmem:$0x1B800] =	vst v63  }
0x1bc: {  	s25 =	sadd.s32 $0x1, s25  }
0x1bd: {  	_ =	swait.ge [sflag:s24], $0x61A8;
	p0 =	sne.s32 s25, s14  }
.Ltmp11:
0x1be: {  	[sflag:s24] =	ssyncset.done $0x0;
	(pc) =	sbr.rel @p0 .LBB2_1-.Ltmp11, $4  }
0x1bf: {  	[sflag:s24] =	ssyncadd.s32 $0xFFFF9E58  }
0x1c0: {  	_ =	swait.ge [sflag:s23], $0x61A8  }
0x1c1: {  	[sflag:s23] =	ssyncset.done $0x0  }
0x1c2: {  	[sflag:s23] =	ssyncadd.s32 $0xFFFF9E58  }
0x1c3: {  	_ =	sfence.sel $0x180000  }
0x1c4: {  	[bflag:$0x0] =	sbarrier.arrive $0xFFFF  }
0x1c5: {  	_ =	strace $0x9000004A  }
0x1c6: {  	s0 =	stileid.u32;
	[bflag:$0x2] =	sbarrier.arrive $0xFFFF  }
0x1c7: {  	p0 =	sne.s32 s0, $0x0;
	s0 =	rddreg [dreg:$0x3]  }
0x1c8: {  	s0 =	sadd.s32 @!p0 $0x100000, s0  }
0x1c9: {  	[sflag:s0] =	ssyncadd.tile.s32 @!p0 $0x1;
	_ =	shalt  }
.Lfunc_end2:
_tile_overlayer_lowered:
.L_overlay_start_2:
0x1ca: {  	(tag) =	ssettag $0x2  }
0x1cb: {  	s0 =	rddreg [dreg:$0x0];
	s2 =	stileid.u32  }
0x1cc: {  	s1 =	rddreg [dreg:$0x1];
	p0 =	sne.s32 s2, $0x0  }
0x1cd: {  	s3 =	rddreg [dreg:$0x2];
	[bflag:$0x3] =	sbarrier.arrive $0xFFFF;
	s2 =	simm.s32 @!p0 $0x1C05  }
0x1ce: {  	[timem:s3], [sflag:s2] =	dma.local @!p0 [hbm:s0], s1  }
0x1cf: {  	s0 =	simm.s32 @!p0 $0x5  }
0x1d0: {  	_ =	swait.ge @!p0 [sflag:s0], s1  }
0x1d1: {  	s1 =	ssub.s32 @!p0 $0x0, s1;
	[sflag:s0] =	ssyncset.done @!p0 $0x0  }
0x1d2: {  	[sflag:s0] =	ssyncadd.s32 @!p0 s1  }
0x1d3: {  	[bflag:$0x3] =	sbarrier.arrive $0xFFFF  }
0x1d4: {  	_ =	shalt  }

</sc_bundles>
